<compile_context>
chip_gen: v7x
topology: tpu7x:2x2x1
jax: 0.10.2.dev20260603
libtpu: 0.0.44.dev20260713+nightly
codegen_flags: <defaults>
</compile_context>

<pallas_src>
import functools

import jax
import jax.numpy as jnp
from jax import lax
from jax.experimental import pallas as pl
from jax.experimental.pallas import tpu as pltpu
from jax.experimental.pallas import tpu_sc as plsc

N = 10000
E = 320000
H = 8
C = 16
D = 128
L = 5
G = 256

NC = 2
NS = 16
LANES = 16

NPAD = 10240
W = 128
NWIN = 162
ET = NWIN * W
EPAD = ET * NS
PADE = EPAD - E - N
PAD_ROWS = NPAD - N

RPT = NPAD // NS

_f32 = jnp.float32



def _xform_body(h_ref, stats_ref, gb_ref, w_ref, s_ref, hp_ref, al_ref):
    h = h_ref[...]
    st = stats_ref[...]
    mu = st[0:1] / N
    var = st[1:2] / N - mu * mu
    act = gb_ref[0:1] * (h - mu) * lax.rsqrt(var + 1e-5) + gb_ref[1:2]
    act = jnp.maximum(act, 0.0)
    hp = jnp.dot(act, w_ref[...], preferred_element_type=_f32)
    hp_ref[...] = hp
    al_ref[...] = jnp.dot(hp, s_ref[...], preferred_element_type=_f32)


def _xform1_body(x_ref, w_ref, s_ref, hp_ref, al_ref):
    hp = jnp.dot(x_ref[...], w_ref[...], preferred_element_type=_f32)
    hp_ref[...] = hp
    al_ref[...] = jnp.dot(hp, s_ref[...], preferred_element_type=_f32)


def _combine_body(seg_ref, hprev_ref, bias_ref, h_ref, stats_ref, acc):
    i = pl.program_id(0)
    h = (jnp.concatenate([seg_ref[0], seg_ref[1]], axis=1)
         + bias_ref[...] + hprev_ref[...])
    h_ref[...] = h

    @pl.when(i == 0)
    def _():
        acc[...] = jnp.zeros_like(acc)

    acc[0:1, :] += jnp.sum(h, axis=0, keepdims=True)
    acc[1:2, :] += jnp.sum(h * h, axis=0, keepdims=True)

    @pl.when(i == pl.num_programs(0) - 1)
    def _():
        stats_ref[...] = acc[...]


def _pool_body(h_ref, stats_ref, gb_ref, batch_ref, out_ref):
    i = pl.program_id(0)
    st = stats_ref[...]
    mu = st[0:1] / N
    var = st[1:2] / N - mu * mu
    hb = gb_ref[0:1] * (h_ref[...] - mu) * lax.rsqrt(var + 1e-5) + gb_ref[1:2]
    bt = batch_ref[0]
    gid = lax.broadcasted_iota(jnp.int32, (G, bt.shape[1]), 0)
    oh = (bt == gid).astype(_f32)
    contrib = lax.dot_general(oh, hb, (((1,), (0,)), ((), ())),
                              preferred_element_type=_f32)

    @pl.when(i == 0)
    def _():
        out_ref[...] = jnp.zeros_like(out_ref)

    out_ref[...] += contrib


_RB = 1000


def _xform(h, stats, gb, w, scat):
    nb = N // _RB
    return pl.pallas_call(
        _xform_body,
        grid=(nb,),
        in_specs=[
            pl.BlockSpec((_RB, D), lambda i: (i, 0)),
            pl.BlockSpec((2, D), lambda i: (0, 0)),
            pl.BlockSpec((2, D), lambda i: (0, 0)),
            pl.BlockSpec((D, D), lambda i: (0, 0)),
            pl.BlockSpec((D, 2 * H), lambda i: (0, 0)),
        ],
        out_specs=[
            pl.BlockSpec((_RB, D), lambda i: (i, 0)),
            pl.BlockSpec((_RB, 2 * H), lambda i: (i, 0)),
        ],
        out_shape=[
            jax.ShapeDtypeStruct((N, D), _f32),
            jax.ShapeDtypeStruct((N, 2 * H), _f32),
        ],
    )(h, stats, gb, w, scat)


def _xform1(x, w, scat):
    nb = N // _RB
    return pl.pallas_call(
        _xform1_body,
        grid=(nb,),
        in_specs=[
            pl.BlockSpec((_RB, 8), lambda i: (i, 0)),
            pl.BlockSpec((8, D), lambda i: (0, 0)),
            pl.BlockSpec((D, 2 * H), lambda i: (0, 0)),
        ],
        out_specs=[
            pl.BlockSpec((_RB, D), lambda i: (i, 0)),
            pl.BlockSpec((_RB, 2 * H), lambda i: (i, 0)),
        ],
        out_shape=[
            jax.ShapeDtypeStruct((N, D), _f32),
            jax.ShapeDtypeStruct((N, 2 * H), _f32),
        ],
    )(x, w, scat)


def _combine(seg, hprev, bias):
    nb = N // _RB
    return pl.pallas_call(
        _combine_body,
        grid=(nb,),
        in_specs=[
            pl.BlockSpec((2, _RB, 64), lambda i: (0, i, 0)),
            pl.BlockSpec((_RB, D), lambda i: (i, 0)),
            pl.BlockSpec((1, D), lambda i: (0, 0)),
        ],
        out_specs=[
            pl.BlockSpec((_RB, D), lambda i: (i, 0)),
            pl.BlockSpec((2, D), lambda i: (0, 0)),
        ],
        out_shape=[
            jax.ShapeDtypeStruct((N, D), _f32),
            jax.ShapeDtypeStruct((2, D), _f32),
        ],
        scratch_shapes=[pltpu.VMEM((2, D), _f32)],
    )(seg, hprev, bias)


def _pool(h, stats, gb, batch3):
    nb = N // _RB
    return pl.pallas_call(
        _pool_body,
        grid=(nb,),
        in_specs=[
            pl.BlockSpec((_RB, D), lambda i: (i, 0)),
            pl.BlockSpec((2, D), lambda i: (0, 0)),
            pl.BlockSpec((2, D), lambda i: (0, 0)),
            pl.BlockSpec((1, 1, _RB), lambda i: (i, 0, 0)),
        ],
        out_specs=pl.BlockSpec((G, D), lambda i: (0, 0)),
        out_shape=jax.ShapeDtypeStruct((G, D), _f32),
    )(h, stats, gb, batch3)



def _bcast_lane(v, h):
    idx = lax.full((LANES, 1), h, jnp.int32)
    dn = lax.GatherDimensionNumbers(
        offset_dims=(), collapsed_slice_dims=(0,), start_index_map=(0,))
    return lax.gather(v, idx, dn, (1,),
                      mode=lax.GatherScatterMode.PROMISE_IN_BOUNDS)


def _sc_body(hp_hbm, als_hbm, ald_hbm, sdx_hbm, z16_hbm, z64_hbm,
             seg_hbm, exh_hbm,
             hp_t, out_t, als_t, ald_t, den_t,
             id0, id1, rs0, rs1, rd, hg, sem_a, sem_b, sp0, sp1):
    ids = (id0, id1)
    rss = (rs0, rs1)
    sps = (sp0, sp1)
    rs = rs0
    c = lax.axis_index("c")
    s = lax.axis_index("s")
    r0 = s * RPT
    tbase = s * ET

    def stage16(hview, tview):
        def body(k, _):
            pltpu.sync_copy(hview.at[pl.ds(r0 + k * W, W)], rs)
            pltpu.sync_copy(rs, tview.at[pl.ds(r0 + k * W, W)])
            return 0
        lax.fori_loop(0, RPT // W, body, 0)

    def stage64(hview, tview):
        def body(k, _):
            pltpu.sync_copy(hview.at[pl.ds(r0 + k * W, W)], hg)
            pltpu.sync_copy(hg, tview.at[pl.ds(r0 + k * W, W)])
            return 0
        lax.fori_loop(0, RPT // W, body, 0)

    stage64(hp_hbm.at[c], hp_t)
    stage16(als_hbm.at[c], als_t)
    stage16(ald_hbm.at[c], ald_t)
    stage16(z16_hbm, den_t)
    stage64(z64_hbm, out_t)
    plsc.subcore_barrier()

    wbase = s * NWIN

    def a_pref(w, b):
        pltpu.async_copy(sdx_hbm.at[wbase + w], ids[b], sps[b])

    def a_wait_pref(b):
        pltpu.make_async_copy(sdx_hbm.at[0], ids[b], sps[b]).wait()

    def a_step(w, b):
        a_pref(w + 1, 1 - b)
        a_wait_pref(b)
        idb = ids[b]
        rsb = rss[b]
        ca = pltpu.async_copy(als_t.at[idb.at[0]], rsb, sem_a)
        cb = pltpu.async_copy(ald_t.at[idb.at[1]], rd, sem_b)
        ca.wait()
        cb.wait()

        def ebody(j, _):
            for u in range(8):
                e = j * 8 + u
                v = rsb[e] + rd[e]
                v = jnp.maximum(v, 0.2 * v)
                rsb[e] = jnp.exp(v)
            return 0
        lax.fori_loop(0, W // 8, ebody, 0)
        eb = tbase + w * W
        cs = pltpu.async_copy(rsb, den_t.at[idb.at[1]], sem_a, add=True)
        ce = pltpu.async_copy(rsb, exh_hbm.at[c, pl.ds(eb, W)], sem_b)
        cs.wait()
        ce.wait()

    a_pref(0, 0)

    def a_steady(g, _):
        a_step(2 * g, 0)
        a_step(2 * g + 1, 1)
        return 0
    lax.fori_loop(0, NWIN // 2, a_steady, 0)
    a_wait_pref(0)
    plsc.subcore_barrier()

    def dchunk(k, _):
        pltpu.sync_copy(den_t.at[pl.ds(r0 + k * W, W)], rs)

        def dbody(j, _):
            rs[j] = 1.0 / (rs[j] + 1e-16)
            return 0
        lax.fori_loop(0, W, dbody, 0)
        pltpu.sync_copy(rs, den_t.at[pl.ds(r0 + k * W, W)])
        return 0
    lax.fori_loop(0, RPT // W, dchunk, 0)
    plsc.subcore_barrier()

    def b_pref(w, b):
        eb = tbase + w * W
        pltpu.async_copy(sdx_hbm.at[wbase + w], ids[b], sps[b])
        pltpu.async_copy(exh_hbm.at[c, pl.ds(eb, W)], rss[b], sps[b])

    def b_wait_pref(b):
        pltpu.make_async_copy(sdx_hbm.at[0], ids[b], sps[b]).wait()
        pltpu.make_async_copy(exh_hbm.at[c, pl.ds(0, W)], rss[b],
                              sps[b]).wait()

    def b_step(w, b):
        b_pref(w + 1, 1 - b)
        b_wait_pref(b)
        idb = ids[b]
        rsb = rss[b]
        ca = pltpu.async_copy(den_t.at[idb.at[1]], rd, sem_a)
        cb = pltpu.async_copy(hp_t.at[idb.at[0]], hg, sem_b)
        ca.wait()
        cb.wait()

        def ebody(j, _):
            for u in range(4):
                e = j * 4 + u
                alpha = rsb[e] * rd[e]
                for h in range(4):
                    ah = _bcast_lane(alpha, h)
                    hg[e, pl.ds(h * LANES, LANES)] = (
                        hg[e, pl.ds(h * LANES, LANES)] * ah)
            return 0
        lax.fori_loop(0, W // 4, ebody, 0)
        pltpu.sync_copy(hg, out_t.at[idb.at[1]], add=True)

    b_pref(0, 0)

    def b_steady(g, _):
        b_step(2 * g, 0)
        b_step(2 * g + 1, 1)
        return 0
    lax.fori_loop(0, NWIN // 2, b_steady, 0)
    b_wait_pref(0)
    plsc.subcore_barrier()

    def wb(k, _):
        pltpu.sync_copy(out_t.at[pl.ds(r0 + k * W, W)], hg)
        pltpu.sync_copy(hg, seg_hbm.at[c, pl.ds(r0 + k * W, W)])
        return 0
    lax.fori_loop(0, RPT // W, wb, 0)


@functools.partial(jax.jit, static_argnames=())
def _sc_layer(hp2, als16, ald16, sdx, z16, z64):
    mesh = plsc.VectorSubcoreMesh(core_axis_name="c", subcore_axis_name="s",
                                  num_cores=NC, num_subcores=NS)
    seg, _ex = pl.kernel(
        _sc_body,
        out_type=[
            jax.ShapeDtypeStruct((NC, NPAD, 64), _f32),
            jax.ShapeDtypeStruct((NC, EPAD + W, 16), _f32),
        ],
        mesh=mesh,
        scratch_types=[
            pltpu.VMEM_SHARED((NPAD, 64), _f32),
            pltpu.VMEM_SHARED((NPAD, 64), _f32),
            pltpu.VMEM_SHARED((NPAD, 16), _f32),
            pltpu.VMEM_SHARED((NPAD, 16), _f32),
            pltpu.VMEM_SHARED((NPAD, 16), _f32),
            pltpu.VMEM((2, W), jnp.int32),
            pltpu.VMEM((2, W), jnp.int32),
            pltpu.VMEM((W, 16), _f32),
            pltpu.VMEM((W, 16), _f32),
            pltpu.VMEM((W, 16), _f32),
            pltpu.VMEM((W, 64), _f32),
            pltpu.SemaphoreType.DMA,
            pltpu.SemaphoreType.DMA,
            pltpu.SemaphoreType.DMA,
            pltpu.SemaphoreType.DMA,
        ],
        compiler_params=pltpu.CompilerParams(use_tc_tiling_on_sc=False),
    )(hp2, als16, ald16, sdx, z16, z64)
    return seg



def _mk_scat(att_s, att_d):
    eye = jnp.eye(H, dtype=_f32)
    ss = (att_s[:, :, None] * eye[:, None, :]).reshape(D, H)
    sd = (att_d[:, :, None] * eye[:, None, :]).reshape(D, H)
    return jnp.concatenate([ss, sd], axis=1)


def _split_tables(hp, al):
    hp2 = jnp.pad(hp.reshape(N, 2, 64).transpose(1, 0, 2),
                  ((0, 0), (0, NPAD - N), (0, 0)))
    als = jnp.pad(al[:, :H].reshape(N, 2, 4).transpose(1, 0, 2),
                  ((0, 0), (0, NPAD - N), (0, 12)))
    ald = jnp.pad(al[:, H:].reshape(N, 2, 4).transpose(1, 0, 2),
                  ((0, 0), (0, NPAD - N), (0, 12)))
    return hp2, als, ald


def kernel(x, edge_attr, w0, w_rest, att_src, att_dst, bias, gamma, beta,
           edge_index, batch):
    loops = jnp.arange(N, dtype=jnp.int32)
    padi = jnp.arange(PADE, dtype=jnp.int32)
    zw = jnp.zeros((W,), jnp.int32)
    src = jnp.concatenate([edge_index[0], loops, padi % N, zw])
    dst = jnp.concatenate([edge_index[1], loops, N + padi % PAD_ROWS, zw])
    sdx = jnp.stack([src.reshape(-1, W), dst.reshape(-1, W)], axis=1)

    z16 = jnp.zeros((NPAD, 16), _f32)
    z64 = jnp.zeros((NPAD, 64), _f32)
    batch3 = batch.reshape(N // _RB, 1, _RB)

    hp, al = _xform1(x, w0, _mk_scat(att_src[0], att_dst[0]))
    hp2, als16, ald16 = _split_tables(hp, al)
    seg = _sc_layer(hp2, als16, ald16, sdx, z16, z64)
    h, stats = _combine(seg, jnp.zeros((N, D), _f32), bias[0:1])

    for l in range(1, L):
        gb = jnp.stack([gamma[l - 1], beta[l - 1]])
        hp, al = _xform(h, stats, gb, w_rest[l - 1],
                        _mk_scat(att_src[l], att_dst[l]))
        hp2, als16, ald16 = _split_tables(hp, al)
        seg = _sc_layer(hp2, als16, ald16, sdx, z16, z64)
        h, stats = _combine(seg, h, bias[l:l + 1])

    gb = jnp.stack([gamma[L - 1], beta[L - 1]])
    return _pool(h, stats, gb, batch3)

# --- scband reference (transcript-rebuilt; emitter-appended) ---
"""Pipeline reference for scband-pharma-gcn-24232205484641 (READ-ONLY COPY).

The authoritative reference and input builder live on the scoring server;
editing this copy changes nothing except your own understanding.
"""

import jax, jax.numpy as jnp
import numpy as np

N = 10000
E = 320000
H = 8
C = 16
D = 128
L = 5
G = 256


def setup_inputs(seed: int = 0):
    key = jax.random.key(seed)
    ks = jax.random.split(key, 12)
    x = jax.random.normal(ks[0], (N, 8), dtype=jnp.float32)
    edge_index = jax.random.randint(ks[1], (2, E), 0, N, dtype=jnp.int32)
    edge_attr = jax.random.normal(ks[2], (E, 4), dtype=jnp.float32)
    batch = jnp.sort(jax.random.randint(ks[3], (N,), 0, G, dtype=jnp.int32))
    w0 = jax.random.normal(ks[4], (8, D), dtype=jnp.float32) * 0.2
    w_rest = jax.random.normal(ks[5], (L - 1, D, D), dtype=jnp.float32) * 0.05
    att_src = jax.random.normal(ks[6], (L, H, C), dtype=jnp.float32) * 0.1
    att_dst = jax.random.normal(ks[7], (L, H, C), dtype=jnp.float32) * 0.1
    bias = jnp.zeros((L, D), dtype=jnp.float32)
    gamma = jnp.ones((L, D), dtype=jnp.float32)
    beta = jnp.zeros((L, D), dtype=jnp.float32)
    return {"x": x, "edge_attr": edge_attr, "w0": w0, "w_rest": w_rest, "att_src": att_src, "att_dst": att_dst, "bias": bias, "gamma": gamma, "beta": beta, "edge_index": edge_index, "batch": batch}


def _gat_layer(h, w, a_s, a_d, b, src, dst, n):
    # PyG GATConv (concat=True, heads=H, out per head=C, negative_slope=0.2)
    hp = (h @ w).reshape(n, H, C)
    al_s = (hp * a_s[None]).sum(-1)  # [n, H]
    al_d = (hp * a_d[None]).sum(-1)  # [n, H]
    e = al_s[src] + al_d[dst]  # [Etot, H]
    e = jnp.where(e > 0, e, 0.2 * e)  # leaky_relu
    m = jax.ops.segment_max(e, dst, num_segments=n)
    m = jnp.where(jnp.isneginf(m), 0.0, m)
    ex = jnp.exp(e - jax.lax.stop_gradient(m)[dst])
    denom = jax.ops.segment_sum(ex, dst, num_segments=n)
    alpha = ex / (denom[dst] + 1e-16)
    msg = hp[src] * alpha[:, :, None]  # [Etot, H, C]
    out = jax.ops.segment_sum(msg, dst, num_segments=n).reshape(n, H * C)
    return out + b[None]


def _bn(h, g, b):
    # BatchNorm1d in training mode: batch statistics over nodes
    mu = h.mean(axis=0, keepdims=True)
    var = h.var(axis=0, keepdims=True)
    return g[None] * (h - mu) / jnp.sqrt(var + 1e-5) + b[None]


def reference(x, edge_attr, w0, w_rest, att_src, att_dst, bias, gamma, beta, edge_index, batch):
    # edge_attr is passed to GATConv but ignored (edge_dim=None in the torch module)
    loops = jnp.arange(N, dtype=edge_index.dtype)
    src = jnp.concatenate([edge_index[0], loops])  # PyG GATConv adds self loops by default
    dst = jnp.concatenate([edge_index[1], loops])
    h = _gat_layer(x, w0, att_src[0], att_dst[0], bias[0], src, dst, N)
    for l in range(1, L):
        h1 = _bn(h, gamma[l - 1], beta[l - 1])
        h2 = jax.nn.relu(h1)
        h = _gat_layer(h2, w_rest[l - 1], att_src[l], att_dst[l], bias[l], src, dst, N) + h
    h = _bn(h, gamma[L - 1], beta[L - 1])
    return jax.ops.segment_sum(h, batch, num_segments=G)

if __name__ == "__main__":
    import jax
    _d = setup_inputs()
    print(jax.jit(kernel)(*tuple(_d.values())))

</pallas_src>

<mosaic_0001>
#map = affine_map<(d0, d1) -> (0, 0, 0)>
#map1 = affine_map<(d0, d1) -> (0, 0)>
module attributes {stable_mosaic.version = 14 : i64} {
  func.func @_sc_body(%arg0: i32, %arg1: i32, %arg2: memref<2x10240x64xf32, #tpu.memory_space<hbm>>, %arg3: memref<2x10240x16xf32, #tpu.memory_space<hbm>>, %arg4: memref<2x10240x16xf32, #tpu.memory_space<hbm>>, %arg5: memref<2593x2x128xi32, #tpu.memory_space<hbm>>, %arg6: memref<10240x16xf32, #tpu.memory_space<hbm>>, %arg7: memref<10240x64xf32, #tpu.memory_space<hbm>>, %arg8: memref<2x10240x64xf32, #tpu.memory_space<hbm>>, %arg9: memref<2x331904x16xf32, #tpu.memory_space<hbm>>, %arg10: memref<10240x64xf32, #tpu.memory_space<vmem_shared>>, %arg11: memref<10240x64xf32, #tpu.memory_space<vmem_shared>>, %arg12: memref<10240x16xf32, #tpu.memory_space<vmem_shared>>, %arg13: memref<10240x16xf32, #tpu.memory_space<vmem_shared>>, %arg14: memref<10240x16xf32, #tpu.memory_space<vmem_shared>>, %arg15: memref<2x128xi32, #tpu.memory_space<vmem>>, %arg16: memref<2x128xi32, #tpu.memory_space<vmem>>, %arg17: memref<128x16xf32, #tpu.memory_space<vmem>>, %arg18: memref<128x16xf32, #tpu.memory_space<vmem>>, %arg19: memref<128x16xf32, #tpu.memory_space<vmem>>, %arg20: memref<128x64xf32, #tpu.memory_space<vmem>>, %arg21: memref<!tpu.dma_semaphore, #tpu.memory_space<semaphore_mem>>, %arg22: memref<!tpu.dma_semaphore, #tpu.memory_space<semaphore_mem>>, %arg23: memref<!tpu.dma_semaphore, #tpu.memory_space<semaphore_mem>>, %arg24: memref<!tpu.dma_semaphore, #tpu.memory_space<semaphore_mem>>) attributes {dimension_semantics = [#tpu.dimension_semantics<core_parallel>, #tpu.dimension_semantics<subcore_parallel>], iteration_bounds = array<i64: 2, 16>, scalar_prefetch = 0 : i64, scratch_operands = 15 : i64, tpu.core_type = #tpu.core_type<sc_vector_subcore>, window_params = [{transform_indices = #map}, {transform_indices = #map}, {transform_indices = #map}, {transform_indices = #map}, {transform_indices = #map1}, {transform_indices = #map1}, {transform_indices = #map}, {transform_indices = #map}]} {
    %mul3A = arith.constant 640 : i32
    %mul3A_0 = arith.muli %arg1, %mul3A : i32
    %mul3A_1 = arith.constant 20736 : i32
    %mul3A_2 = arith.muli %arg1, %mul3A_1 : i32
    %scan3A = arith.constant 0 : i32
    %scan3A_3 = arith.constant 0 : i32
    %scan3A_4 = arith.constant 5 : i32
    %scan3A_5 = arith.addi %scan3A_3, %scan3A_4 : i32
    %scan3A_6 = arith.constant 1 : i32
    %scan3A_7 = scf.for %scan3A_121 = %scan3A_3 to %scan3A_5 step %scan3A_6 iter_args(%scan3A_122 = %scan3A) -> (i32)  : i32 {
      %mul3A_123 = arith.constant 128 : i32
      %mul3A_124 = arith.muli %scan3A_121, %mul3A_123 : i32
      %add3A_125 = arith.addi %mul3A_0, %mul3A_124 : i32
      "tpu.region"() ({
        %run_scoped3A = tpu.sem_alloc : memref<!tpu.dma_semaphore, #tpu.memory_space<semaphore_mem>>
        %dma_start3A_130 = arith.constant 0 : i32
        %dma_start3A_131 = arith.constant 0 : i32
        %dma_start3A_132 = tpu.memref_slice %arg2[%arg0, %dma_start3A_130, %dma_start3A_131] : memref<2x10240x64xf32, #tpu.memory_space<hbm>> -> memref<1x10240x64xf32, #tpu.memory_space<hbm>>
        %dma_start3A_133 = tpu.memref_squeeze %dma_start3A_132 : memref<1x10240x64xf32, #tpu.memory_space<hbm>> -> memref<10240x64xf32, #tpu.memory_space<hbm>>
        %dma_start3A_134 = arith.constant 0 : i32
        %dma_start3A_135 = tpu.memref_slice %dma_start3A_133[%add3A_125, %dma_start3A_134] : memref<10240x64xf32, #tpu.memory_space<hbm>> -> memref<128x64xf32, #tpu.memory_space<hbm>>
        %dma_start3A_136 = arith.constant 0 : i32
        %dma_start3A_137 = arith.constant 0 : i32
        %dma_start3A_138 = tpu.memref_slice %arg2[%arg0, %dma_start3A_136, %dma_start3A_137] : memref<2x10240x64xf32, #tpu.memory_space<hbm>> -> memref<1x10240x64xf32, #tpu.memory_space<hbm>>
        %dma_start3A_139 = tpu.memref_squeeze %dma_start3A_138 : memref<1x10240x64xf32, #tpu.memory_space<hbm>> -> memref<10240x64xf32, #tpu.memory_space<hbm>>
        %dma_start3A_140 = arith.constant 0 : i32
        %dma_start3A_141 = tpu.memref_slice %dma_start3A_139[%add3A_125, %dma_start3A_140] : memref<10240x64xf32, #tpu.memory_space<hbm>> -> memref<128x64xf32, #tpu.memory_space<hbm>>
        tpu.enqueue_dma source(%dma_start3A_141 : memref<128x64xf32, #tpu.memory_space<hbm>>) target(%arg20 : memref<128x64xf32, #tpu.memory_space<vmem>>) target_semaphore(%run_scoped3A : memref<!tpu.dma_semaphore, #tpu.memory_space<semaphore_mem>>)
        %dma_wait3A_142 = arith.constant 0 : i32
        %dma_wait3A_143 = arith.constant 0 : i32
        %dma_wait3A_144 = tpu.memref_slice %arg2[%arg0, %dma_wait3A_142, %dma_wait3A_143] : memref<2x10240x64xf32, #tpu.memory_space<hbm>> -> memref<1x10240x64xf32, #tpu.memory_space<hbm>>
        %dma_wait3A_145 = tpu.memref_squeeze %dma_wait3A_144 : memref<1x10240x64xf32, #tpu.memory_space<hbm>> -> memref<10240x64xf32, #tpu.memory_space<hbm>>
        %dma_wait3A_146 = arith.constant 0 : i32
        %dma_wait3A_147 = tpu.memref_slice %dma_wait3A_145[%add3A_125, %dma_wait3A_146] : memref<10240x64xf32, #tpu.memory_space<hbm>> -> memref<128x64xf32, #tpu.memory_space<hbm>>
        %dma_wait3A_148 = arith.constant 0 : i32
        %dma_wait3A_149 = arith.constant 0 : i32
        %dma_wait3A_150 = tpu.memref_slice %arg2[%arg0, %dma_wait3A_148, %dma_wait3A_149] : memref<2x10240x64xf32, #tpu.memory_space<hbm>> -> memref<1x10240x64xf32, #tpu.memory_space<hbm>>
        %dma_wait3A_151 = tpu.memref_squeeze %dma_wait3A_150 : memref<1x10240x64xf32, #tpu.memory_space<hbm>> -> memref<10240x64xf32, #tpu.memory_space<hbm>>
        %dma_wait3A_152 = arith.constant 0 : i32
        %dma_wait3A_153 = tpu.memref_slice %dma_wait3A_151[%add3A_125, %dma_wait3A_152] : memref<10240x64xf32, #tpu.memory_space<hbm>> -> memref<128x64xf32, #tpu.memory_space<hbm>>
        tpu.wait_dma2 semaphore(%run_scoped3A : memref<!tpu.dma_semaphore, #tpu.memory_space<semaphore_mem>>) src(%dma_wait3A_153 : memref<128x64xf32, #tpu.memory_space<hbm>>) dst(%arg20 : memref<128x64xf32, #tpu.memory_space<vmem>>)
        tpu.yield
      }) : () -> ()
      %mul3A_126 = arith.constant 128 : i32
      %mul3A_127 = arith.muli %scan3A_121, %mul3A_126 : i32
      %add3A_128 = arith.addi %mul3A_0, %mul3A_127 : i32
      "tpu.region"() ({
        %run_scoped3A = tpu.sem_alloc : memref<!tpu.dma_semaphore, #tpu.memory_space<semaphore_mem>>
        %dma_start3A_130 = arith.constant 0 : i32
        %dma_start3A_131 = tpu.memref_slice %arg10[%add3A_128, %dma_start3A_130] : memref<10240x64xf32, #tpu.memory_space<vmem_shared>> -> memref<128x64xf32, #tpu.memory_space<vmem_shared>>
        %dma_start3A_132 = arith.constant 0 : i32
        %dma_start3A_133 = tpu.memref_slice %arg10[%add3A_128, %dma_start3A_132] : memref<10240x64xf32, #tpu.memory_space<vmem_shared>> -> memref<128x64xf32, #tpu.memory_space<vmem_shared>>
        tpu.enqueue_dma source(%arg20 : memref<128x64xf32, #tpu.memory_space<vmem>>) target(%dma_start3A_133 : memref<128x64xf32, #tpu.memory_space<vmem_shared>>) target_semaphore(%run_scoped3A : memref<!tpu.dma_semaphore, #tpu.memory_space<semaphore_mem>>)
        %dma_wait3A_134 = arith.constant 0 : i32
        %dma_wait3A_135 = tpu.memref_slice %arg10[%add3A_128, %dma_wait3A_134] : memref<10240x64xf32, #tpu.memory_space<vmem_shared>> -> memref<128x64xf32, #tpu.memory_space<vmem_shared>>
        %dma_wait3A_136 = arith.constant 0 : i32
        %dma_wait3A_137 = tpu.memref_slice %arg10[%add3A_128, %dma_wait3A_136] : memref<10240x64xf32, #tpu.memory_space<vmem_shared>> -> memref<128x64xf32, #tpu.memory_space<vmem_shared>>
        tpu.wait_dma2 semaphore(%run_scoped3A : memref<!tpu.dma_semaphore, #tpu.memory_space<semaphore_mem>>) src(%arg20 : memref<128x64xf32, #tpu.memory_space<vmem>>) dst(%dma_wait3A_137 : memref<128x64xf32, #tpu.memory_space<vmem_shared>>)
        tpu.yield
      }) : () -> ()
      %scan3A_129 = arith.constant 0 : i32
      scf.yield %scan3A_129 : i32
    }
    %scan3A_8 = arith.constant 5 : i32
    %scan3A_9 = arith.constant 0 : i32
    %scan3A_10 = arith.constant 0 : i32
    %scan3A_11 = arith.constant 5 : i32
    %scan3A_12 = arith.addi %scan3A_10, %scan3A_11 : i32
    %scan3A_13 = arith.constant 1 : i32
    %scan3A_14 = scf.for %scan3A_121 = %scan3A_10 to %scan3A_12 step %scan3A_13 iter_args(%scan3A_122 = %scan3A_9) -> (i32)  : i32 {
      %mul3A_123 = arith.constant 128 : i32
      %mul3A_124 = arith.muli %scan3A_121, %mul3A_123 : i32
      %add3A_125 = arith.addi %mul3A_0, %mul3A_124 : i32
      "tpu.region"() ({
        %run_scoped3A = tpu.sem_alloc : memref<!tpu.dma_semaphore, #tpu.memory_space<semaphore_mem>>
        %dma_start3A_130 = arith.constant 0 : i32
        %dma_start3A_131 = arith.constant 0 : i32
        %dma_start3A_132 = tpu.memref_slice %arg3[%arg0, %dma_start3A_130, %dma_start3A_131] : memref<2x10240x16xf32, #tpu.memory_space<hbm>> -> memref<1x10240x16xf32, #tpu.memory_space<hbm>>
        %dma_start3A_133 = tpu.memref_squeeze %dma_start3A_132 : memref<1x10240x16xf32, #tpu.memory_space<hbm>> -> memref<10240x16xf32, #tpu.memory_space<hbm>>
        %dma_start3A_134 = arith.constant 0 : i32
        %dma_start3A_135 = tpu.memref_slice %dma_start3A_133[%add3A_125, %dma_start3A_134] : memref<10240x16xf32, #tpu.memory_space<hbm>> -> memref<128x16xf32, #tpu.memory_space<hbm>>
        %dma_start3A_136 = arith.constant 0 : i32
        %dma_start3A_137 = arith.constant 0 : i32
        %dma_start3A_138 = tpu.memref_slice %arg3[%arg0, %dma_start3A_136, %dma_start3A_137] : memref<2x10240x16xf32, #tpu.memory_space<hbm>> -> memref<1x10240x16xf32, #tpu.memory_space<hbm>>
        %dma_start3A_139 = tpu.memref_squeeze %dma_start3A_138 : memref<1x10240x16xf32, #tpu.memory_space<hbm>> -> memref<10240x16xf32, #tpu.memory_space<hbm>>
        %dma_start3A_140 = arith.constant 0 : i32
        %dma_start3A_141 = tpu.memref_slice %dma_start3A_139[%add3A_125, %dma_start3A_140] : memref<10240x16xf32, #tpu.memory_space<hbm>> -> memref<128x16xf32, #tpu.memory_space<hbm>>
        tpu.enqueue_dma source(%dma_start3A_141 : memref<128x16xf32, #tpu.memory_space<hbm>>) target(%arg17 : memref<128x16xf32, #tpu.memory_space<vmem>>) target_semaphore(%run_scoped3A : memref<!tpu.dma_semaphore, #tpu.memory_space<semaphore_mem>>)
        %dma_wait3A_142 = arith.constant 0 : i32
        %dma_wait3A_143 = arith.constant 0 : i32
        %dma_wait3A_144 = tpu.memref_slice %arg3[%arg0, %dma_wait3A_142, %dma_wait3A_143] : memref<2x10240x16xf32, #tpu.memory_space<hbm>> -> memref<1x10240x16xf32, #tpu.memory_space<hbm>>
        %dma_wait3A_145 = tpu.memref_squeeze %dma_wait3A_144 : memref<1x10240x16xf32, #tpu.memory_space<hbm>> -> memref<10240x16xf32, #tpu.memory_space<hbm>>
        %dma_wait3A_146 = arith.constant 0 : i32
        %dma_wait3A_147 = tpu.memref_slice %dma_wait3A_145[%add3A_125, %dma_wait3A_146] : memref<10240x16xf32, #tpu.memory_space<hbm>> -> memref<128x16xf32, #tpu.memory_space<hbm>>
        %dma_wait3A_148 = arith.constant 0 : i32
        %dma_wait3A_149 = arith.constant 0 : i32
        %dma_wait3A_150 = tpu.memref_slice %arg3[%arg0, %dma_wait3A_148, %dma_wait3A_149] : memref<2x10240x16xf32, #tpu.memory_space<hbm>> -> memref<1x10240x16xf32, #tpu.memory_space<hbm>>
        %dma_wait3A_151 = tpu.memref_squeeze %dma_wait3A_150 : memref<1x10240x16xf32, #tpu.memory_space<hbm>> -> memref<10240x16xf32, #tpu.memory_space<hbm>>
        %dma_wait3A_152 = arith.constant 0 : i32
        %dma_wait3A_153 = tpu.memref_slice %dma_wait3A_151[%add3A_125, %dma_wait3A_152] : memref<10240x16xf32, #tpu.memory_space<hbm>> -> memref<128x16xf32, #tpu.memory_space<hbm>>
        tpu.wait_dma2 semaphore(%run_scoped3A : memref<!tpu.dma_semaphore, #tpu.memory_space<semaphore_mem>>) src(%dma_wait3A_153 : memref<128x16xf32, #tpu.memory_space<hbm>>) dst(%arg17 : memref<128x16xf32, #tpu.memory_space<vmem>>)
        tpu.yield
      }) : () -> ()
      %mul3A_126 = arith.constant 128 : i32
      %mul3A_127 = arith.muli %scan3A_121, %mul3A_126 : i32
      %add3A_128 = arith.addi %mul3A_0, %mul3A_127 : i32
      "tpu.region"() ({
        %run_scoped3A = tpu.sem_alloc : memref<!tpu.dma_semaphore, #tpu.memory_space<semaphore_mem>>
        %dma_start3A_130 = arith.constant 0 : i32
        %dma_start3A_131 = tpu.memref_slice %arg12[%add3A_128, %dma_start3A_130] : memref<10240x16xf32, #tpu.memory_space<vmem_shared>> -> memref<128x16xf32, #tpu.memory_space<vmem_shared>>
        %dma_start3A_132 = arith.constant 0 : i32
        %dma_start3A_133 = tpu.memref_slice %arg12[%add3A_128, %dma_start3A_132] : memref<10240x16xf32, #tpu.memory_space<vmem_shared>> -> memref<128x16xf32, #tpu.memory_space<vmem_shared>>
        tpu.enqueue_dma source(%arg17 : memref<128x16xf32, #tpu.memory_space<vmem>>) target(%dma_start3A_133 : memref<128x16xf32, #tpu.memory_space<vmem_shared>>) target_semaphore(%run_scoped3A : memref<!tpu.dma_semaphore, #tpu.memory_space<semaphore_mem>>)
        %dma_wait3A_134 = arith.constant 0 : i32
        %dma_wait3A_135 = tpu.memref_slice %arg12[%add3A_128, %dma_wait3A_134] : memref<10240x16xf32, #tpu.memory_space<vmem_shared>> -> memref<128x16xf32, #tpu.memory_space<vmem_shared>>
        %dma_wait3A_136 = arith.constant 0 : i32
        %dma_wait3A_137 = tpu.memref_slice %arg12[%add3A_128, %dma_wait3A_136] : memref<10240x16xf32, #tpu.memory_space<vmem_shared>> -> memref<128x16xf32, #tpu.memory_space<vmem_shared>>
        tpu.wait_dma2 semaphore(%run_scoped3A : memref<!tpu.dma_semaphore, #tpu.memory_space<semaphore_mem>>) src(%arg17 : memref<128x16xf32, #tpu.memory_space<vmem>>) dst(%dma_wait3A_137 : memref<128x16xf32, #tpu.memory_space<vmem_shared>>)
        tpu.yield
      }) : () -> ()
      %scan3A_129 = arith.constant 0 : i32
      scf.yield %scan3A_129 : i32
    }
    %scan3A_15 = arith.constant 5 : i32
    %scan3A_16 = arith.constant 0 : i32
    %scan3A_17 = arith.constant 0 : i32
    %scan3A_18 = arith.constant 5 : i32
    %scan3A_19 = arith.addi %scan3A_17, %scan3A_18 : i32
    %scan3A_20 = arith.constant 1 : i32
    %scan3A_21 = scf.for %scan3A_121 = %scan3A_17 to %scan3A_19 step %scan3A_20 iter_args(%scan3A_122 = %scan3A_16) -> (i32)  : i32 {
      %mul3A_123 = arith.constant 128 : i32
      %mul3A_124 = arith.muli %scan3A_121, %mul3A_123 : i32
      %add3A_125 = arith.addi %mul3A_0, %mul3A_124 : i32
      "tpu.region"() ({
        %run_scoped3A = tpu.sem_alloc : memref<!tpu.dma_semaphore, #tpu.memory_space<semaphore_mem>>
        %dma_start3A_130 = arith.constant 0 : i32
        %dma_start3A_131 = arith.constant 0 : i32
        %dma_start3A_132 = tpu.memref_slice %arg4[%arg0, %dma_start3A_130, %dma_start3A_131] : memref<2x10240x16xf32, #tpu.memory_space<hbm>> -> memref<1x10240x16xf32, #tpu.memory_space<hbm>>
        %dma_start3A_133 = tpu.memref_squeeze %dma_start3A_132 : memref<1x10240x16xf32, #tpu.memory_space<hbm>> -> memref<10240x16xf32, #tpu.memory_space<hbm>>
        %dma_start3A_134 = arith.constant 0 : i32
        %dma_start3A_135 = tpu.memref_slice %dma_start3A_133[%add3A_125, %dma_start3A_134] : memref<10240x16xf32, #tpu.memory_space<hbm>> -> memref<128x16xf32, #tpu.memory_space<hbm>>
        %dma_start3A_136 = arith.constant 0 : i32
        %dma_start3A_137 = arith.constant 0 : i32
        %dma_start3A_138 = tpu.memref_slice %arg4[%arg0, %dma_start3A_136, %dma_start3A_137] : memref<2x10240x16xf32, #tpu.memory_space<hbm>> -> memref<1x10240x16xf32, #tpu.memory_space<hbm>>
        %dma_start3A_139 = tpu.memref_squeeze %dma_start3A_138 : memref<1x10240x16xf32, #tpu.memory_space<hbm>> -> memref<10240x16xf32, #tpu.memory_space<hbm>>
        %dma_start3A_140 = arith.constant 0 : i32
        %dma_start3A_141 = tpu.memref_slice %dma_start3A_139[%add3A_125, %dma_start3A_140] : memref<10240x16xf32, #tpu.memory_space<hbm>> -> memref<128x16xf32, #tpu.memory_space<hbm>>
        tpu.enqueue_dma source(%dma_start3A_141 : memref<128x16xf32, #tpu.memory_space<hbm>>) target(%arg17 : memref<128x16xf32, #tpu.memory_space<vmem>>) target_semaphore(%run_scoped3A : memref<!tpu.dma_semaphore, #tpu.memory_space<semaphore_mem>>)
        %dma_wait3A_142 = arith.constant 0 : i32
        %dma_wait3A_143 = arith.constant 0 : i32
        %dma_wait3A_144 = tpu.memref_slice %arg4[%arg0, %dma_wait3A_142, %dma_wait3A_143] : memref<2x10240x16xf32, #tpu.memory_space<hbm>> -> memref<1x10240x16xf32, #tpu.memory_space<hbm>>
        %dma_wait3A_145 = tpu.memref_squeeze %dma_wait3A_144 : memref<1x10240x16xf32, #tpu.memory_space<hbm>> -> memref<10240x16xf32, #tpu.memory_space<hbm>>
        %dma_wait3A_146 = arith.constant 0 : i32
        %dma_wait3A_147 = tpu.memref_slice %dma_wait3A_145[%add3A_125, %dma_wait3A_146] : memref<10240x16xf32, #tpu.memory_space<hbm>> -> memref<128x16xf32, #tpu.memory_space<hbm>>
        %dma_wait3A_148 = arith.constant 0 : i32
        %dma_wait3A_149 = arith.constant 0 : i32
        %dma_wait3A_150 = tpu.memref_slice %arg4[%arg0, %dma_wait3A_148, %dma_wait3A_149] : memref<2x10240x16xf32, #tpu.memory_space<hbm>> -> memref<1x10240x16xf32, #tpu.memory_space<hbm>>
        %dma_wait3A_151 = tpu.memref_squeeze %dma_wait3A_150 : memref<1x10240x16xf32, #tpu.memory_space<hbm>> -> memref<10240x16xf32, #tpu.memory_space<hbm>>
        %dma_wait3A_152 = arith.constant 0 : i32
        %dma_wait3A_153 = tpu.memref_slice %dma_wait3A_151[%add3A_125, %dma_wait3A_152] : memref<10240x16xf32, #tpu.memory_space<hbm>> -> memref<128x16xf32, #tpu.memory_space<hbm>>
        tpu.wait_dma2 semaphore(%run_scoped3A : memref<!tpu.dma_semaphore, #tpu.memory_space<semaphore_mem>>) src(%dma_wait3A_153 : memref<128x16xf32, #tpu.memory_space<hbm>>) dst(%arg17 : memref<128x16xf32, #tpu.memory_space<vmem>>)
        tpu.yield
      }) : () -> ()
      %mul3A_126 = arith.constant 128 : i32
      %mul3A_127 = arith.muli %scan3A_121, %mul3A_126 : i32
      %add3A_128 = arith.addi %mul3A_0, %mul3A_127 : i32
      "tpu.region"() ({
        %run_scoped3A = tpu.sem_alloc : memref<!tpu.dma_semaphore, #tpu.memory_space<semaphore_mem>>
        %dma_start3A_130 = arith.constant 0 : i32
        %dma_start3A_131 = tpu.memref_slice %arg13[%add3A_128, %dma_start3A_130] : memref<10240x16xf32, #tpu.memory_space<vmem_shared>> -> memref<128x16xf32, #tpu.memory_space<vmem_shared>>
        %dma_start3A_132 = arith.constant 0 : i32
        %dma_start3A_133 = tpu.memref_slice %arg13[%add3A_128, %dma_start3A_132] : memref<10240x16xf32, #tpu.memory_space<vmem_shared>> -> memref<128x16xf32, #tpu.memory_space<vmem_shared>>
        tpu.enqueue_dma source(%arg17 : memref<128x16xf32, #tpu.memory_space<vmem>>) target(%dma_start3A_133 : memref<128x16xf32, #tpu.memory_space<vmem_shared>>) target_semaphore(%run_scoped3A : memref<!tpu.dma_semaphore, #tpu.memory_space<semaphore_mem>>)
        %dma_wait3A_134 = arith.constant 0 : i32
        %dma_wait3A_135 = tpu.memref_slice %arg13[%add3A_128, %dma_wait3A_134] : memref<10240x16xf32, #tpu.memory_space<vmem_shared>> -> memref<128x16xf32, #tpu.memory_space<vmem_shared>>
        %dma_wait3A_136 = arith.constant 0 : i32
        %dma_wait3A_137 = tpu.memref_slice %arg13[%add3A_128, %dma_wait3A_136] : memref<10240x16xf32, #tpu.memory_space<vmem_shared>> -> memref<128x16xf32, #tpu.memory_space<vmem_shared>>
        tpu.wait_dma2 semaphore(%run_scoped3A : memref<!tpu.dma_semaphore, #tpu.memory_space<semaphore_mem>>) src(%arg17 : memref<128x16xf32, #tpu.memory_space<vmem>>) dst(%dma_wait3A_137 : memref<128x16xf32, #tpu.memory_space<vmem_shared>>)
        tpu.yield
      }) : () -> ()
      %scan3A_129 = arith.constant 0 : i32
      scf.yield %scan3A_129 : i32
    }
    %scan3A_22 = arith.constant 5 : i32
    %scan3A_23 = arith.constant 0 : i32
    %scan3A_24 = arith.constant 0 : i32
    %scan3A_25 = arith.constant 5 : i32
    %scan3A_26 = arith.addi %scan3A_24, %scan3A_25 : i32
    %scan3A_27 = arith.constant 1 : i32
    %scan3A_28 = scf.for %scan3A_121 = %scan3A_24 to %scan3A_26 step %scan3A_27 iter_args(%scan3A_122 = %scan3A_23) -> (i32)  : i32 {
      %mul3A_123 = arith.constant 128 : i32
      %mul3A_124 = arith.muli %scan3A_121, %mul3A_123 : i32
      %add3A_125 = arith.addi %mul3A_0, %mul3A_124 : i32
      "tpu.region"() ({
        %run_scoped3A = tpu.sem_alloc : memref<!tpu.dma_semaphore, #tpu.memory_space<semaphore_mem>>
        %dma_start3A_130 = arith.constant 0 : i32
        %dma_start3A_131 = tpu.memref_slice %arg6[%add3A_125, %dma_start3A_130] : memref<10240x16xf32, #tpu.memory_space<hbm>> -> memref<128x16xf32, #tpu.memory_space<hbm>>
        %dma_start3A_132 = arith.constant 0 : i32
        %dma_start3A_133 = tpu.memref_slice %arg6[%add3A_125, %dma_start3A_132] : memref<10240x16xf32, #tpu.memory_space<hbm>> -> memref<128x16xf32, #tpu.memory_space<hbm>>
        tpu.enqueue_dma source(%dma_start3A_133 : memref<128x16xf32, #tpu.memory_space<hbm>>) target(%arg17 : memref<128x16xf32, #tpu.memory_space<vmem>>) target_semaphore(%run_scoped3A : memref<!tpu.dma_semaphore, #tpu.memory_space<semaphore_mem>>)
        %dma_wait3A_134 = arith.constant 0 : i32
        %dma_wait3A_135 = tpu.memref_slice %arg6[%add3A_125, %dma_wait3A_134] : memref<10240x16xf32, #tpu.memory_space<hbm>> -> memref<128x16xf32, #tpu.memory_space<hbm>>
        %dma_wait3A_136 = arith.constant 0 : i32
        %dma_wait3A_137 = tpu.memref_slice %arg6[%add3A_125, %dma_wait3A_136] : memref<10240x16xf32, #tpu.memory_space<hbm>> -> memref<128x16xf32, #tpu.memory_space<hbm>>
        tpu.wait_dma2 semaphore(%run_scoped3A : memref<!tpu.dma_semaphore, #tpu.memory_space<semaphore_mem>>) src(%dma_wait3A_137 : memref<128x16xf32, #tpu.memory_space<hbm>>) dst(%arg17 : memref<128x16xf32, #tpu.memory_space<vmem>>)
        tpu.yield
      }) : () -> ()
      %mul3A_126 = arith.constant 128 : i32
      %mul3A_127 = arith.muli %scan3A_121, %mul3A_126 : i32
      %add3A_128 = arith.addi %mul3A_0, %mul3A_127 : i32
      "tpu.region"() ({
        %run_scoped3A = tpu.sem_alloc : memref<!tpu.dma_semaphore, #tpu.memory_space<semaphore_mem>>
        %dma_start3A_130 = arith.constant 0 : i32
        %dma_start3A_131 = tpu.memref_slice %arg14[%add3A_128, %dma_start3A_130] : memref<10240x16xf32, #tpu.memory_space<vmem_shared>> -> memref<128x16xf32, #tpu.memory_space<vmem_shared>>
        %dma_start3A_132 = arith.constant 0 : i32
        %dma_start3A_133 = tpu.memref_slice %arg14[%add3A_128, %dma_start3A_132] : memref<10240x16xf32, #tpu.memory_space<vmem_shared>> -> memref<128x16xf32, #tpu.memory_space<vmem_shared>>
        tpu.enqueue_dma source(%arg17 : memref<128x16xf32, #tpu.memory_space<vmem>>) target(%dma_start3A_133 : memref<128x16xf32, #tpu.memory_space<vmem_shared>>) target_semaphore(%run_scoped3A : memref<!tpu.dma_semaphore, #tpu.memory_space<semaphore_mem>>)
        %dma_wait3A_134 = arith.constant 0 : i32
        %dma_wait3A_135 = tpu.memref_slice %arg14[%add3A_128, %dma_wait3A_134] : memref<10240x16xf32, #tpu.memory_space<vmem_shared>> -> memref<128x16xf32, #tpu.memory_space<vmem_shared>>
        %dma_wait3A_136 = arith.constant 0 : i32
        %dma_wait3A_137 = tpu.memref_slice %arg14[%add3A_128, %dma_wait3A_136] : memref<10240x16xf32, #tpu.memory_space<vmem_shared>> -> memref<128x16xf32, #tpu.memory_space<vmem_shared>>
        tpu.wait_dma2 semaphore(%run_scoped3A : memref<!tpu.dma_semaphore, #tpu.memory_space<semaphore_mem>>) src(%arg17 : memref<128x16xf32, #tpu.memory_space<vmem>>) dst(%dma_wait3A_137 : memref<128x16xf32, #tpu.memory_space<vmem_shared>>)
        tpu.yield
      }) : () -> ()
      %scan3A_129 = arith.constant 0 : i32
      scf.yield %scan3A_129 : i32
    }
    %scan3A_29 = arith.constant 5 : i32
    %scan3A_30 = arith.constant 0 : i32
    %scan3A_31 = arith.constant 0 : i32
    %scan3A_32 = arith.constant 5 : i32
    %scan3A_33 = arith.addi %scan3A_31, %scan3A_32 : i32
    %scan3A_34 = arith.constant 1 : i32
    %scan3A_35 = scf.for %scan3A_121 = %scan3A_31 to %scan3A_33 step %scan3A_34 iter_args(%scan3A_122 = %scan3A_30) -> (i32)  : i32 {
      %mul3A_123 = arith.constant 128 : i32
      %mul3A_124 = arith.muli %scan3A_121, %mul3A_123 : i32
      %add3A_125 = arith.addi %mul3A_0, %mul3A_124 : i32
      "tpu.region"() ({
        %run_scoped3A = tpu.sem_alloc : memref<!tpu.dma_semaphore, #tpu.memory_space<semaphore_mem>>
        %dma_start3A_130 = arith.constant 0 : i32
        %dma_start3A_131 = tpu.memref_slice %arg7[%add3A_125, %dma_start3A_130] : memref<10240x64xf32, #tpu.memory_space<hbm>> -> memref<128x64xf32, #tpu.memory_space<hbm>>
        %dma_start3A_132 = arith.constant 0 : i32
        %dma_start3A_133 = tpu.memref_slice %arg7[%add3A_125, %dma_start3A_132] : memref<10240x64xf32, #tpu.memory_space<hbm>> -> memref<128x64xf32, #tpu.memory_space<hbm>>
        tpu.enqueue_dma source(%dma_start3A_133 : memref<128x64xf32, #tpu.memory_space<hbm>>) target(%arg20 : memref<128x64xf32, #tpu.memory_space<vmem>>) target_semaphore(%run_scoped3A : memref<!tpu.dma_semaphore, #tpu.memory_space<semaphore_mem>>)
        %dma_wait3A_134 = arith.constant 0 : i32
        %dma_wait3A_135 = tpu.memref_slice %arg7[%add3A_125, %dma_wait3A_134] : memref<10240x64xf32, #tpu.memory_space<hbm>> -> memref<128x64xf32, #tpu.memory_space<hbm>>
        %dma_wait3A_136 = arith.constant 0 : i32
        %dma_wait3A_137 = tpu.memref_slice %arg7[%add3A_125, %dma_wait3A_136] : memref<10240x64xf32, #tpu.memory_space<hbm>> -> memref<128x64xf32, #tpu.memory_space<hbm>>
        tpu.wait_dma2 semaphore(%run_scoped3A : memref<!tpu.dma_semaphore, #tpu.memory_space<semaphore_mem>>) src(%dma_wait3A_137 : memref<128x64xf32, #tpu.memory_space<hbm>>) dst(%arg20 : memref<128x64xf32, #tpu.memory_space<vmem>>)
        tpu.yield
      }) : () -> ()
      %mul3A_126 = arith.constant 128 : i32
      %mul3A_127 = arith.muli %scan3A_121, %mul3A_126 : i32
      %add3A_128 = arith.addi %mul3A_0, %mul3A_127 : i32
      "tpu.region"() ({
        %run_scoped3A = tpu.sem_alloc : memref<!tpu.dma_semaphore, #tpu.memory_space<semaphore_mem>>
        %dma_start3A_130 = arith.constant 0 : i32
        %dma_start3A_131 = tpu.memref_slice %arg11[%add3A_128, %dma_start3A_130] : memref<10240x64xf32, #tpu.memory_space<vmem_shared>> -> memref<128x64xf32, #tpu.memory_space<vmem_shared>>
        %dma_start3A_132 = arith.constant 0 : i32
        %dma_start3A_133 = tpu.memref_slice %arg11[%add3A_128, %dma_start3A_132] : memref<10240x64xf32, #tpu.memory_space<vmem_shared>> -> memref<128x64xf32, #tpu.memory_space<vmem_shared>>
        tpu.enqueue_dma source(%arg20 : memref<128x64xf32, #tpu.memory_space<vmem>>) target(%dma_start3A_133 : memref<128x64xf32, #tpu.memory_space<vmem_shared>>) target_semaphore(%run_scoped3A : memref<!tpu.dma_semaphore, #tpu.memory_space<semaphore_mem>>)
        %dma_wait3A_134 = arith.constant 0 : i32
        %dma_wait3A_135 = tpu.memref_slice %arg11[%add3A_128, %dma_wait3A_134] : memref<10240x64xf32, #tpu.memory_space<vmem_shared>> -> memref<128x64xf32, #tpu.memory_space<vmem_shared>>
        %dma_wait3A_136 = arith.constant 0 : i32
        %dma_wait3A_137 = tpu.memref_slice %arg11[%add3A_128, %dma_wait3A_136] : memref<10240x64xf32, #tpu.memory_space<vmem_shared>> -> memref<128x64xf32, #tpu.memory_space<vmem_shared>>
        tpu.wait_dma2 semaphore(%run_scoped3A : memref<!tpu.dma_semaphore, #tpu.memory_space<semaphore_mem>>) src(%arg20 : memref<128x64xf32, #tpu.memory_space<vmem>>) dst(%dma_wait3A_137 : memref<128x64xf32, #tpu.memory_space<vmem_shared>>)
        tpu.yield
      }) : () -> ()
      %scan3A_129 = arith.constant 0 : i32
      scf.yield %scan3A_129 : i32
    }
    %scan3A_36 = arith.constant 5 : i32
    %barrier3A = arith.constant 0 : index
    tpu.barrier barrier_id(%barrier3A)
    %mul3A_37 = arith.constant 162 : i32
    %mul3A_38 = arith.muli %arg1, %mul3A_37 : i32
    %add3A = arith.constant 0 : i32
    %add3A_39 = arith.addi %mul3A_38, %add3A : i32
    %dma_start3A = arith.constant 0 : i32
    %dma_start3A_40 = arith.constant 0 : i32
    %dma_start3A_41 = tpu.memref_slice %arg5[%add3A_39, %dma_start3A, %dma_start3A_40] : memref<2593x2x128xi32, #tpu.memory_space<hbm>> -> memref<1x2x128xi32, #tpu.memory_space<hbm>>
    %dma_start3A_42 = tpu.memref_squeeze %dma_start3A_41 : memref<1x2x128xi32, #tpu.memory_space<hbm>> -> memref<2x128xi32, #tpu.memory_space<hbm>>
    %dma_start3A_43 = arith.constant 0 : i32
    %dma_start3A_44 = arith.constant 0 : i32
    %dma_start3A_45 = tpu.memref_slice %arg5[%add3A_39, %dma_start3A_43, %dma_start3A_44] : memref<2593x2x128xi32, #tpu.memory_space<hbm>> -> memref<1x2x128xi32, #tpu.memory_space<hbm>>
    %dma_start3A_46 = tpu.memref_squeeze %dma_start3A_45 : memref<1x2x128xi32, #tpu.memory_space<hbm>> -> memref<2x128xi32, #tpu.memory_space<hbm>>
    tpu.enqueue_dma source(%dma_start3A_46 : memref<2x128xi32, #tpu.memory_space<hbm>>) target(%arg15 : memref<2x128xi32, #tpu.memory_space<vmem>>) target_semaphore(%arg23 : memref<!tpu.dma_semaphore, #tpu.memory_space<semaphore_mem>>)
    %scan3A_47 = arith.constant 0 : i32
    %scan3A_48 = arith.constant 0 : i32
    %scan3A_49 = arith.constant 81 : i32
    %scan3A_50 = arith.addi %scan3A_48, %scan3A_49 : i32
    %scan3A_51 = arith.constant 1 : i32
    %scan3A_52 = scf.for %scan3A_121 = %scan3A_48 to %scan3A_50 step %scan3A_51 iter_args(%scan3A_122 = %scan3A_47) -> (i32)  : i32 {
      %mul3A_123 = arith.constant 2 : i32
      %mul3A_124 = arith.muli %mul3A_123, %scan3A_121 : i32
      %add3A_125 = arith.constant 1 : i32
      %add3A_126 = arith.addi %mul3A_124, %add3A_125 : i32
      %add3A_127 = arith.addi %mul3A_38, %add3A_126 : i32
      %dma_start3A_128 = arith.constant 0 : i32
      %dma_start3A_129 = arith.constant 0 : i32
      %dma_start3A_130 = tpu.memref_slice %arg5[%add3A_127, %dma_start3A_128, %dma_start3A_129] : memref<2593x2x128xi32, #tpu.memory_space<hbm>> -> memref<1x2x128xi32, #tpu.memory_space<hbm>>
      %dma_start3A_131 = tpu.memref_squeeze %dma_start3A_130 : memref<1x2x128xi32, #tpu.memory_space<hbm>> -> memref<2x128xi32, #tpu.memory_space<hbm>>
      %dma_start3A_132 = arith.constant 0 : i32
      %dma_start3A_133 = arith.constant 0 : i32
      %dma_start3A_134 = tpu.memref_slice %arg5[%add3A_127, %dma_start3A_132, %dma_start3A_133] : memref<2593x2x128xi32, #tpu.memory_space<hbm>> -> memref<1x2x128xi32, #tpu.memory_space<hbm>>
      %dma_start3A_135 = tpu.memref_squeeze %dma_start3A_134 : memref<1x2x128xi32, #tpu.memory_space<hbm>> -> memref<2x128xi32, #tpu.memory_space<hbm>>
      tpu.enqueue_dma source(%dma_start3A_135 : memref<2x128xi32, #tpu.memory_space<hbm>>) target(%arg16 : memref<2x128xi32, #tpu.memory_space<vmem>>) target_semaphore(%arg24 : memref<!tpu.dma_semaphore, #tpu.memory_space<semaphore_mem>>)
      %dma_wait3A_136 = arith.constant 0 : i32
      %dma_wait3A_137 = arith.constant 0 : i32
      %dma_wait3A_138 = arith.constant 0 : i32
      %dma_wait3A_139 = tpu.memref_slice %arg5[%dma_wait3A_136, %dma_wait3A_137, %dma_wait3A_138] : memref<2593x2x128xi32, #tpu.memory_space<hbm>> -> memref<1x2x128xi32, #tpu.memory_space<hbm>>
      %dma_wait3A_140 = tpu.memref_squeeze %dma_wait3A_139 : memref<1x2x128xi32, #tpu.memory_space<hbm>> -> memref<2x128xi32, #tpu.memory_space<hbm>>
      %dma_wait3A_141 = arith.constant 0 : i32
      %dma_wait3A_142 = arith.constant 0 : i32
      %dma_wait3A_143 = tpu.memref_slice %arg5[%dma_wait3A_136, %dma_wait3A_141, %dma_wait3A_142] : memref<2593x2x128xi32, #tpu.memory_space<hbm>> -> memref<1x2x128xi32, #tpu.memory_space<hbm>>
      %dma_wait3A_144 = tpu.memref_squeeze %dma_wait3A_143 : memref<1x2x128xi32, #tpu.memory_space<hbm>> -> memref<2x128xi32, #tpu.memory_space<hbm>>
      tpu.wait_dma2 semaphore(%arg23 : memref<!tpu.dma_semaphore, #tpu.memory_space<semaphore_mem>>) src(%dma_wait3A_144 : memref<2x128xi32, #tpu.memory_space<hbm>>) dst(%arg15 : memref<2x128xi32, #tpu.memory_space<vmem>>)
      %dma_start3A_145 = arith.constant 0 : i32
      %dma_start3A_146 = arith.constant 0 : i32
      %dma_start3A_147 = tpu.memref_slice %arg15[%dma_start3A_145, %dma_start3A_146] : memref<2x128xi32, #tpu.memory_space<vmem>> -> memref<1x128xi32, #tpu.memory_space<vmem>>
      %dma_start3A_148 = tpu.memref_squeeze %dma_start3A_147 : memref<1x128xi32, #tpu.memory_space<vmem>> -> memref<128xi32, #tpu.memory_space<vmem>>
      %dma_start3A_149 = arith.constant 0 : i32
      %dma_start3A_150 = arith.constant 0 : i32
      %dma_start3A_151 = tpu.memref_slice %arg12[%dma_start3A_149, %dma_start3A_150] : memref<10240x16xf32, #tpu.memory_space<vmem_shared>> -> memref<10240x16xf32, #tpu.memory_space<vmem_shared>>
      tpu.enqueue_indirect_dma source(%dma_start3A_151 : memref<10240x16xf32, #tpu.memory_space<vmem_shared>>) target(%arg17 : memref<128x16xf32, #tpu.memory_space<vmem>>) offsets(%dma_start3A_148 : memref<128xi32, #tpu.memory_space<vmem>>) semaphore(%arg21 : memref<!tpu.dma_semaphore, #tpu.memory_space<semaphore_mem>>)
      %dma_start3A_152 = arith.constant 1 : i32
      %dma_start3A_153 = arith.constant 0 : i32
      %dma_start3A_154 = tpu.memref_slice %arg15[%dma_start3A_152, %dma_start3A_153] : memref<2x128xi32, #tpu.memory_space<vmem>> -> memref<1x128xi32, #tpu.memory_space<vmem>>
      %dma_start3A_155 = tpu.memref_squeeze %dma_start3A_154 : memref<1x128xi32, #tpu.memory_space<vmem>> -> memref<128xi32, #tpu.memory_space<vmem>>
      %dma_start3A_156 = arith.constant 0 : i32
      %dma_start3A_157 = arith.constant 0 : i32
      %dma_start3A_158 = tpu.memref_slice %arg13[%dma_start3A_156, %dma_start3A_157] : memref<10240x16xf32, #tpu.memory_space<vmem_shared>> -> memref<10240x16xf32, #tpu.memory_space<vmem_shared>>
      tpu.enqueue_indirect_dma source(%dma_start3A_158 : memref<10240x16xf32, #tpu.memory_space<vmem_shared>>) target(%arg19 : memref<128x16xf32, #tpu.memory_space<vmem>>) offsets(%dma_start3A_155 : memref<128xi32, #tpu.memory_space<vmem>>) semaphore(%arg22 : memref<!tpu.dma_semaphore, #tpu.memory_space<semaphore_mem>>)
      %dma_wait3A_159 = arith.constant 0 : i32
      %dma_wait3A_160 = arith.constant 0 : i32
      %dma_wait3A_161 = tpu.memref_slice %arg15[%dma_wait3A_159, %dma_wait3A_160] : memref<2x128xi32, #tpu.memory_space<vmem>> -> memref<1x128xi32, #tpu.memory_space<vmem>>
      %dma_wait3A_162 = tpu.memref_squeeze %dma_wait3A_161 : memref<1x128xi32, #tpu.memory_space<vmem>> -> memref<128xi32, #tpu.memory_space<vmem>>
      %dma_wait3A_163 = arith.constant 0 : i32
      %dma_wait3A_164 = arith.constant 0 : i32
      %dma_wait3A_165 = tpu.memref_slice %arg12[%dma_wait3A_163, %dma_wait3A_164] : memref<10240x16xf32, #tpu.memory_space<vmem_shared>> -> memref<10240x16xf32, #tpu.memory_space<vmem_shared>>
      tpu.wait_indirect_dma semaphore(%arg21 : memref<!tpu.dma_semaphore, #tpu.memory_space<semaphore_mem>>) src(%dma_wait3A_165 : memref<10240x16xf32, #tpu.memory_space<vmem_shared>>) dst(%arg17 : memref<128x16xf32, #tpu.memory_space<vmem>>)
      %dma_wait3A_166 = arith.constant 1 : i32
      %dma_wait3A_167 = arith.constant 0 : i32
      %dma_wait3A_168 = tpu.memref_slice %arg15[%dma_wait3A_166, %dma_wait3A_167] : memref<2x128xi32, #tpu.memory_space<vmem>> -> memref<1x128xi32, #tpu.memory_space<vmem>>
      %dma_wait3A_169 = tpu.memref_squeeze %dma_wait3A_168 : memref<1x128xi32, #tpu.memory_space<vmem>> -> memref<128xi32, #tpu.memory_space<vmem>>
      %dma_wait3A_170 = arith.constant 0 : i32
      %dma_wait3A_171 = arith.constant 0 : i32
      %dma_wait3A_172 = tpu.memref_slice %arg13[%dma_wait3A_170, %dma_wait3A_171] : memref<10240x16xf32, #tpu.memory_space<vmem_shared>> -> memref<10240x16xf32, #tpu.memory_space<vmem_shared>>
      tpu.wait_indirect_dma semaphore(%arg22 : memref<!tpu.dma_semaphore, #tpu.memory_space<semaphore_mem>>) src(%dma_wait3A_172 : memref<10240x16xf32, #tpu.memory_space<vmem_shared>>) dst(%arg19 : memref<128x16xf32, #tpu.memory_space<vmem>>)
      %scan3A_173 = arith.constant 0 : i32
      %scan3A_174 = arith.constant 0 : i32
      %scan3A_175 = arith.constant 16 : i32
      %scan3A_176 = arith.addi %scan3A_174, %scan3A_175 : i32
      %scan3A_177 = arith.constant 1 : i32
      %scan3A_178 = scf.for %scan3A_298 = %scan3A_174 to %scan3A_176 step %scan3A_177 iter_args(%scan3A_299 = %scan3A_173) -> (i32)  : i32 {
        %mul3A_300 = arith.constant 8 : i32
        %mul3A_301 = arith.muli %scan3A_298, %mul3A_300 : i32
        %add3A_302 = arith.constant 0 : i32
        %add3A_303 = arith.addi %mul3A_301, %add3A_302 : i32
        %get3A = arith.index_cast %add3A_303 : i32 to index
        %get3A_304 = arith.constant 0 : index
        %get3A_305 = tpu.vector_load %arg17[%get3A, %get3A_304] {strides = array<i32>} : memref<128x16xf32, #tpu.memory_space<vmem>>, vector<1x16xf32>,
        %get3A_306 = vector.shape_cast %get3A_305 : vector<1x16xf32> to vector<16xf32>
        %get3A_307 = arith.index_cast %add3A_303 : i32 to index
        %get3A_308 = arith.constant 0 : index
        %get3A_309 = tpu.vector_load %arg19[%get3A_307, %get3A_308] {strides = array<i32>} : memref<128x16xf32, #tpu.memory_space<vmem>>, vector<1x16xf32>,
        %get3A_310 = vector.shape_cast %get3A_309 : vector<1x16xf32> to vector<16xf32>
        %add3A_311 = arith.addf %get3A_306, %get3A_310 : vector<16xf32>
        %mul3A_312 = arith.constant 2.000000e-01 : f32
        %mul3A_313 = vector.broadcast %mul3A_312 : f32 to vector<16xf32>
        %mul3A_314 = arith.mulf %mul3A_313, %add3A_311 : vector<16xf32>
        %max3A = arith.maximumf %add3A_311, %mul3A_314 : vector<16xf32>
        %exp3A = math.exp %max3A : vector<16xf32>
        %swap3A = arith.index_cast %add3A_303 : i32 to index
        %swap3A_315 = arith.constant 0 : index
        %swap3A_316 = tpu.vector_load %arg17[%swap3A, %swap3A_315] {strides = array<i32>} : memref<128x16xf32, #tpu.memory_space<vmem>>, vector<1x16xf32>,
        %swap3A_317 = vector.shape_cast %swap3A_316 : vector<1x16xf32> to vector<16xf32>
        %swap3A_318 = vector.shape_cast %exp3A : vector<16xf32> to vector<1x16xf32>
        tpu.vector_store %arg17[%swap3A, %swap3A_315], %swap3A_318 {strides = array<i32>} : memref<128x16xf32, #tpu.memory_space<vmem>>, vector<1x16xf32>,
        %mul3A_319 = arith.constant 8 : i32
        %mul3A_320 = arith.muli %scan3A_298, %mul3A_319 : i32
        %add3A_321 = arith.constant 1 : i32
        %add3A_322 = arith.addi %mul3A_320, %add3A_321 : i32
        %get3A_323 = arith.index_cast %add3A_322 : i32 to index
        %get3A_324 = arith.constant 0 : index
        %get3A_325 = tpu.vector_load %arg17[%get3A_323, %get3A_324] {strides = array<i32>} : memref<128x16xf32, #tpu.memory_space<vmem>>, vector<1x16xf32>,
        %get3A_326 = vector.shape_cast %get3A_325 : vector<1x16xf32> to vector<16xf32>
        %get3A_327 = arith.index_cast %add3A_322 : i32 to index
        %get3A_328 = arith.constant 0 : index
        %get3A_329 = tpu.vector_load %arg19[%get3A_327, %get3A_328] {strides = array<i32>} : memref<128x16xf32, #tpu.memory_space<vmem>>, vector<1x16xf32>,
        %get3A_330 = vector.shape_cast %get3A_329 : vector<1x16xf32> to vector<16xf32>
        %add3A_331 = arith.addf %get3A_326, %get3A_330 : vector<16xf32>
        %mul3A_332 = arith.constant 2.000000e-01 : f32
        %mul3A_333 = vector.broadcast %mul3A_332 : f32 to vector<16xf32>
        %mul3A_334 = arith.mulf %mul3A_333, %add3A_331 : vector<16xf32>
        %max3A_335 = arith.maximumf %add3A_331, %mul3A_334 : vector<16xf32>
        %exp3A_336 = math.exp %max3A_335 : vector<16xf32>
        %swap3A_337 = arith.index_cast %add3A_322 : i32 to index
        %swap3A_338 = arith.constant 0 : index
        %swap3A_339 = tpu.vector_load %arg17[%swap3A_337, %swap3A_338] {strides = array<i32>} : memref<128x16xf32, #tpu.memory_space<vmem>>, vector<1x16xf32>,
        %swap3A_340 = vector.shape_cast %swap3A_339 : vector<1x16xf32> to vector<16xf32>
        %swap3A_341 = vector.shape_cast %exp3A_336 : vector<16xf32> to vector<1x16xf32>
        tpu.vector_store %arg17[%swap3A_337, %swap3A_338], %swap3A_341 {strides = array<i32>} : memref<128x16xf32, #tpu.memory_space<vmem>>, vector<1x16xf32>,
        %mul3A_342 = arith.constant 8 : i32
        %mul3A_343 = arith.muli %scan3A_298, %mul3A_342 : i32
        %add3A_344 = arith.constant 2 : i32
        %add3A_345 = arith.addi %mul3A_343, %add3A_344 : i32
        %get3A_346 = arith.index_cast %add3A_345 : i32 to index
        %get3A_347 = arith.constant 0 : index
        %get3A_348 = tpu.vector_load %arg17[%get3A_346, %get3A_347] {strides = array<i32>} : memref<128x16xf32, #tpu.memory_space<vmem>>, vector<1x16xf32>,
        %get3A_349 = vector.shape_cast %get3A_348 : vector<1x16xf32> to vector<16xf32>
        %get3A_350 = arith.index_cast %add3A_345 : i32 to index
        %get3A_351 = arith.constant 0 : index
        %get3A_352 = tpu.vector_load %arg19[%get3A_350, %get3A_351] {strides = array<i32>} : memref<128x16xf32, #tpu.memory_space<vmem>>, vector<1x16xf32>,
        %get3A_353 = vector.shape_cast %get3A_352 : vector<1x16xf32> to vector<16xf32>
        %add3A_354 = arith.addf %get3A_349, %get3A_353 : vector<16xf32>
        %mul3A_355 = arith.constant 2.000000e-01 : f32
        %mul3A_356 = vector.broadcast %mul3A_355 : f32 to vector<16xf32>
        %mul3A_357 = arith.mulf %mul3A_356, %add3A_354 : vector<16xf32>
        %max3A_358 = arith.maximumf %add3A_354, %mul3A_357 : vector<16xf32>
        %exp3A_359 = math.exp %max3A_358 : vector<16xf32>
        %swap3A_360 = arith.index_cast %add3A_345 : i32 to index
        %swap3A_361 = arith.constant 0 : index
        %swap3A_362 = tpu.vector_load %arg17[%swap3A_360, %swap3A_361] {strides = array<i32>} : memref<128x16xf32, #tpu.memory_space<vmem>>, vector<1x16xf32>,
        %swap3A_363 = vector.shape_cast %swap3A_362 : vector<1x16xf32> to vector<16xf32>
        %swap3A_364 = vector.shape_cast %exp3A_359 : vector<16xf32> to vector<1x16xf32>
        tpu.vector_store %arg17[%swap3A_360, %swap3A_361], %swap3A_364 {strides = array<i32>} : memref<128x16xf32, #tpu.memory_space<vmem>>, vector<1x16xf32>,
        %mul3A_365 = arith.constant 8 : i32
        %mul3A_366 = arith.muli %scan3A_298, %mul3A_365 : i32
        %add3A_367 = arith.constant 3 : i32
        %add3A_368 = arith.addi %mul3A_366, %add3A_367 : i32
        %get3A_369 = arith.index_cast %add3A_368 : i32 to index
        %get3A_370 = arith.constant 0 : index
        %get3A_371 = tpu.vector_load %arg17[%get3A_369, %get3A_370] {strides = array<i32>} : memref<128x16xf32, #tpu.memory_space<vmem>>, vector<1x16xf32>,
        %get3A_372 = vector.shape_cast %get3A_371 : vector<1x16xf32> to vector<16xf32>
        %get3A_373 = arith.index_cast %add3A_368 : i32 to index
        %get3A_374 = arith.constant 0 : index
        %get3A_375 = tpu.vector_load %arg19[%get3A_373, %get3A_374] {strides = array<i32>} : memref<128x16xf32, #tpu.memory_space<vmem>>, vector<1x16xf32>,
        %get3A_376 = vector.shape_cast %get3A_375 : vector<1x16xf32> to vector<16xf32>
        %add3A_377 = arith.addf %get3A_372, %get3A_376 : vector<16xf32>
        %mul3A_378 = arith.constant 2.000000e-01 : f32
        %mul3A_379 = vector.broadcast %mul3A_378 : f32 to vector<16xf32>
        %mul3A_380 = arith.mulf %mul3A_379, %add3A_377 : vector<16xf32>
        %max3A_381 = arith.maximumf %add3A_377, %mul3A_380 : vector<16xf32>
        %exp3A_382 = math.exp %max3A_381 : vector<16xf32>
        %swap3A_383 = arith.index_cast %add3A_368 : i32 to index
        %swap3A_384 = arith.constant 0 : index
        %swap3A_385 = tpu.vector_load %arg17[%swap3A_383, %swap3A_384] {strides = array<i32>} : memref<128x16xf32, #tpu.memory_space<vmem>>, vector<1x16xf32>,
        %swap3A_386 = vector.shape_cast %swap3A_385 : vector<1x16xf32> to vector<16xf32>
        %swap3A_387 = vector.shape_cast %exp3A_382 : vector<16xf32> to vector<1x16xf32>
        tpu.vector_store %arg17[%swap3A_383, %swap3A_384], %swap3A_387 {strides = array<i32>} : memref<128x16xf32, #tpu.memory_space<vmem>>, vector<1x16xf32>,
        %mul3A_388 = arith.constant 8 : i32
        %mul3A_389 = arith.muli %scan3A_298, %mul3A_388 : i32
        %add3A_390 = arith.constant 4 : i32
        %add3A_391 = arith.addi %mul3A_389, %add3A_390 : i32
        %get3A_392 = arith.index_cast %add3A_391 : i32 to index
        %get3A_393 = arith.constant 0 : index
        %get3A_394 = tpu.vector_load %arg17[%get3A_392, %get3A_393] {strides = array<i32>} : memref<128x16xf32, #tpu.memory_space<vmem>>, vector<1x16xf32>,
        %get3A_395 = vector.shape_cast %get3A_394 : vector<1x16xf32> to vector<16xf32>
        %get3A_396 = arith.index_cast %add3A_391 : i32 to index
        %get3A_397 = arith.constant 0 : index
        %get3A_398 = tpu.vector_load %arg19[%get3A_396, %get3A_397] {strides = array<i32>} : memref<128x16xf32, #tpu.memory_space<vmem>>, vector<1x16xf32>,
        %get3A_399 = vector.shape_cast %get3A_398 : vector<1x16xf32> to vector<16xf32>
        %add3A_400 = arith.addf %get3A_395, %get3A_399 : vector<16xf32>
        %mul3A_401 = arith.constant 2.000000e-01 : f32
        %mul3A_402 = vector.broadcast %mul3A_401 : f32 to vector<16xf32>
        %mul3A_403 = arith.mulf %mul3A_402, %add3A_400 : vector<16xf32>
        %max3A_404 = arith.maximumf %add3A_400, %mul3A_403 : vector<16xf32>
        %exp3A_405 = math.exp %max3A_404 : vector<16xf32>
        %swap3A_406 = arith.index_cast %add3A_391 : i32 to index
        %swap3A_407 = arith.constant 0 : index
        %swap3A_408 = tpu.vector_load %arg17[%swap3A_406, %swap3A_407] {strides = array<i32>} : memref<128x16xf32, #tpu.memory_space<vmem>>, vector<1x16xf32>,
        %swap3A_409 = vector.shape_cast %swap3A_408 : vector<1x16xf32> to vector<16xf32>
        %swap3A_410 = vector.shape_cast %exp3A_405 : vector<16xf32> to vector<1x16xf32>
        tpu.vector_store %arg17[%swap3A_406, %swap3A_407], %swap3A_410 {strides = array<i32>} : memref<128x16xf32, #tpu.memory_space<vmem>>, vector<1x16xf32>,
        %mul3A_411 = arith.constant 8 : i32
        %mul3A_412 = arith.muli %scan3A_298, %mul3A_411 : i32
        %add3A_413 = arith.constant 5 : i32
        %add3A_414 = arith.addi %mul3A_412, %add3A_413 : i32
        %get3A_415 = arith.index_cast %add3A_414 : i32 to index
        %get3A_416 = arith.constant 0 : index
        %get3A_417 = tpu.vector_load %arg17[%get3A_415, %get3A_416] {strides = array<i32>} : memref<128x16xf32, #tpu.memory_space<vmem>>, vector<1x16xf32>,
        %get3A_418 = vector.shape_cast %get3A_417 : vector<1x16xf32> to vector<16xf32>
        %get3A_419 = arith.index_cast %add3A_414 : i32 to index
        %get3A_420 = arith.constant 0 : index
        %get3A_421 = tpu.vector_load %arg19[%get3A_419, %get3A_420] {strides = array<i32>} : memref<128x16xf32, #tpu.memory_space<vmem>>, vector<1x16xf32>,
        %get3A_422 = vector.shape_cast %get3A_421 : vector<1x16xf32> to vector<16xf32>
        %add3A_423 = arith.addf %get3A_418, %get3A_422 : vector<16xf32>
        %mul3A_424 = arith.constant 2.000000e-01 : f32
        %mul3A_425 = vector.broadcast %mul3A_424 : f32 to vector<16xf32>
        %mul3A_426 = arith.mulf %mul3A_425, %add3A_423 : vector<16xf32>
        %max3A_427 = arith.maximumf %add3A_423, %mul3A_426 : vector<16xf32>
        %exp3A_428 = math.exp %max3A_427 : vector<16xf32>
        %swap3A_429 = arith.index_cast %add3A_414 : i32 to index
        %swap3A_430 = arith.constant 0 : index
        %swap3A_431 = tpu.vector_load %arg17[%swap3A_429, %swap3A_430] {strides = array<i32>} : memref<128x16xf32, #tpu.memory_space<vmem>>, vector<1x16xf32>,
        %swap3A_432 = vector.shape_cast %swap3A_431 : vector<1x16xf32> to vector<16xf32>
        %swap3A_433 = vector.shape_cast %exp3A_428 : vector<16xf32> to vector<1x16xf32>
        tpu.vector_store %arg17[%swap3A_429, %swap3A_430], %swap3A_433 {strides = array<i32>} : memref<128x16xf32, #tpu.memory_space<vmem>>, vector<1x16xf32>,
        %mul3A_434 = arith.constant 8 : i32
        %mul3A_435 = arith.muli %scan3A_298, %mul3A_434 : i32
        %add3A_436 = arith.constant 6 : i32
        %add3A_437 = arith.addi %mul3A_435, %add3A_436 : i32
        %get3A_438 = arith.index_cast %add3A_437 : i32 to index
        %get3A_439 = arith.constant 0 : index
        %get3A_440 = tpu.vector_load %arg17[%get3A_438, %get3A_439] {strides = array<i32>} : memref<128x16xf32, #tpu.memory_space<vmem>>, vector<1x16xf32>,
        %get3A_441 = vector.shape_cast %get3A_440 : vector<1x16xf32> to vector<16xf32>
        %get3A_442 = arith.index_cast %add3A_437 : i32 to index
        %get3A_443 = arith.constant 0 : index
        %get3A_444 = tpu.vector_load %arg19[%get3A_442, %get3A_443] {strides = array<i32>} : memref<128x16xf32, #tpu.memory_space<vmem>>, vector<1x16xf32>,
        %get3A_445 = vector.shape_cast %get3A_444 : vector<1x16xf32> to vector<16xf32>
        %add3A_446 = arith.addf %get3A_441, %get3A_445 : vector<16xf32>
        %mul3A_447 = arith.constant 2.000000e-01 : f32
        %mul3A_448 = vector.broadcast %mul3A_447 : f32 to vector<16xf32>
        %mul3A_449 = arith.mulf %mul3A_448, %add3A_446 : vector<16xf32>
        %max3A_450 = arith.maximumf %add3A_446, %mul3A_449 : vector<16xf32>
        %exp3A_451 = math.exp %max3A_450 : vector<16xf32>
        %swap3A_452 = arith.index_cast %add3A_437 : i32 to index
        %swap3A_453 = arith.constant 0 : index
        %swap3A_454 = tpu.vector_load %arg17[%swap3A_452, %swap3A_453] {strides = array<i32>} : memref<128x16xf32, #tpu.memory_space<vmem>>, vector<1x16xf32>,
        %swap3A_455 = vector.shape_cast %swap3A_454 : vector<1x16xf32> to vector<16xf32>
        %swap3A_456 = vector.shape_cast %exp3A_451 : vector<16xf32> to vector<1x16xf32>
        tpu.vector_store %arg17[%swap3A_452, %swap3A_453], %swap3A_456 {strides = array<i32>} : memref<128x16xf32, #tpu.memory_space<vmem>>, vector<1x16xf32>,
        %mul3A_457 = arith.constant 8 : i32
        %mul3A_458 = arith.muli %scan3A_298, %mul3A_457 : i32
        %add3A_459 = arith.constant 7 : i32
        %add3A_460 = arith.addi %mul3A_458, %add3A_459 : i32
        %get3A_461 = arith.index_cast %add3A_460 : i32 to index
        %get3A_462 = arith.constant 0 : index
        %get3A_463 = tpu.vector_load %arg17[%get3A_461, %get3A_462] {strides = array<i32>} : memref<128x16xf32, #tpu.memory_space<vmem>>, vector<1x16xf32>,
        %get3A_464 = vector.shape_cast %get3A_463 : vector<1x16xf32> to vector<16xf32>
        %get3A_465 = arith.index_cast %add3A_460 : i32 to index
        %get3A_466 = arith.constant 0 : index
        %get3A_467 = tpu.vector_load %arg19[%get3A_465, %get3A_466] {strides = array<i32>} : memref<128x16xf32, #tpu.memory_space<vmem>>, vector<1x16xf32>,
        %get3A_468 = vector.shape_cast %get3A_467 : vector<1x16xf32> to vector<16xf32>
        %add3A_469 = arith.addf %get3A_464, %get3A_468 : vector<16xf32>
        %mul3A_470 = arith.constant 2.000000e-01 : f32
        %mul3A_471 = vector.broadcast %mul3A_470 : f32 to vector<16xf32>
        %mul3A_472 = arith.mulf %mul3A_471, %add3A_469 : vector<16xf32>
        %max3A_473 = arith.maximumf %add3A_469, %mul3A_472 : vector<16xf32>
        %exp3A_474 = math.exp %max3A_473 : vector<16xf32>
        %swap3A_475 = arith.index_cast %add3A_460 : i32 to index
        %swap3A_476 = arith.constant 0 : index
        %swap3A_477 = tpu.vector_load %arg17[%swap3A_475, %swap3A_476] {strides = array<i32>} : memref<128x16xf32, #tpu.memory_space<vmem>>, vector<1x16xf32>,
        %swap3A_478 = vector.shape_cast %swap3A_477 : vector<1x16xf32> to vector<16xf32>
        %swap3A_479 = vector.shape_cast %exp3A_474 : vector<16xf32> to vector<1x16xf32>
        tpu.vector_store %arg17[%swap3A_475, %swap3A_476], %swap3A_479 {strides = array<i32>} : memref<128x16xf32, #tpu.memory_space<vmem>>, vector<1x16xf32>,
        %scan3A_480 = arith.constant 0 : i32
        scf.yield %scan3A_480 : i32
      }
      %scan3A_179 = arith.constant 16 : i32
      %mul3A_180 = arith.constant 128 : i32
      %mul3A_181 = arith.muli %mul3A_124, %mul3A_180 : i32
      %add3A_182 = arith.addi %mul3A_2, %mul3A_181 : i32
      %dma_start3A_183 = arith.constant 1 : i32
      %dma_start3A_184 = arith.constant 0 : i32
      %dma_start3A_185 = tpu.memref_slice %arg15[%dma_start3A_183, %dma_start3A_184] : memref<2x128xi32, #tpu.memory_space<vmem>> -> memref<1x128xi32, #tpu.memory_space<vmem>>
      %dma_start3A_186 = tpu.memref_squeeze %dma_start3A_185 : memref<1x128xi32, #tpu.memory_space<vmem>> -> memref<128xi32, #tpu.memory_space<vmem>>
      %dma_start3A_187 = arith.constant 0 : i32
      %dma_start3A_188 = arith.constant 0 : i32
      %dma_start3A_189 = tpu.memref_slice %arg14[%dma_start3A_187, %dma_start3A_188] : memref<10240x16xf32, #tpu.memory_space<vmem_shared>> -> memref<10240x16xf32, #tpu.memory_space<vmem_shared>>
      tpu.enqueue_indirect_dma source(%arg17 : memref<128x16xf32, #tpu.memory_space<vmem>>) target(%dma_start3A_189 : memref<10240x16xf32, #tpu.memory_space<vmem_shared>>) offsets(%dma_start3A_186 : memref<128xi32, #tpu.memory_space<vmem>>) semaphore(%arg21 : memref<!tpu.dma_semaphore, #tpu.memory_space<semaphore_mem>>) {add = true}
      %dma_start3A_190 = arith.constant 0 : i32
      %dma_start3A_191 = tpu.memref_slice %arg9[%arg0, %add3A_182, %dma_start3A_190] : memref<2x331904x16xf32, #tpu.memory_space<hbm>> -> memref<1x128x16xf32, #tpu.memory_space<hbm>>
      %dma_start3A_192 = tpu.memref_squeeze %dma_start3A_191 : memref<1x128x16xf32, #tpu.memory_space<hbm>> -> memref<128x16xf32, #tpu.memory_space<hbm>>
      %dma_start3A_193 = arith.constant 0 : i32
      %dma_start3A_194 = tpu.memref_slice %arg9[%arg0, %add3A_182, %dma_start3A_193] : memref<2x331904x16xf32, #tpu.memory_space<hbm>> -> memref<1x128x16xf32, #tpu.memory_space<hbm>>
      %dma_start3A_195 = tpu.memref_squeeze %dma_start3A_194 : memref<1x128x16xf32, #tpu.memory_space<hbm>> -> memref<128x16xf32, #tpu.memory_space<hbm>>
      tpu.enqueue_dma source(%arg17 : memref<128x16xf32, #tpu.memory_space<vmem>>) target(%dma_start3A_195 : memref<128x16xf32, #tpu.memory_space<hbm>>) target_semaphore(%arg22 : memref<!tpu.dma_semaphore, #tpu.memory_space<semaphore_mem>>)
      %dma_wait3A_196 = arith.constant 1 : i32
      %dma_wait3A_197 = arith.constant 0 : i32
      %dma_wait3A_198 = tpu.memref_slice %arg15[%dma_wait3A_196, %dma_wait3A_197] : memref<2x128xi32, #tpu.memory_space<vmem>> -> memref<1x128xi32, #tpu.memory_space<vmem>>
      %dma_wait3A_199 = tpu.memref_squeeze %dma_wait3A_198 : memref<1x128xi32, #tpu.memory_space<vmem>> -> memref<128xi32, #tpu.memory_space<vmem>>
      %dma_wait3A_200 = arith.constant 0 : i32
      %dma_wait3A_201 = arith.constant 0 : i32
      %dma_wait3A_202 = tpu.memref_slice %arg14[%dma_wait3A_200, %dma_wait3A_201] : memref<10240x16xf32, #tpu.memory_space<vmem_shared>> -> memref<10240x16xf32, #tpu.memory_space<vmem_shared>>
      tpu.wait_indirect_dma semaphore(%arg21 : memref<!tpu.dma_semaphore, #tpu.memory_space<semaphore_mem>>) src(%arg17 : memref<128x16xf32, #tpu.memory_space<vmem>>) dst(%dma_wait3A_202 : memref<10240x16xf32, #tpu.memory_space<vmem_shared>>)
      %dma_wait3A_203 = arith.constant 0 : i32
      %dma_wait3A_204 = tpu.memref_slice %arg9[%arg0, %add3A_182, %dma_wait3A_203] : memref<2x331904x16xf32, #tpu.memory_space<hbm>> -> memref<1x128x16xf32, #tpu.memory_space<hbm>>
      %dma_wait3A_205 = tpu.memref_squeeze %dma_wait3A_204 : memref<1x128x16xf32, #tpu.memory_space<hbm>> -> memref<128x16xf32, #tpu.memory_space<hbm>>
      %dma_wait3A_206 = arith.constant 0 : i32
      %dma_wait3A_207 = tpu.memref_slice %arg9[%arg0, %add3A_182, %dma_wait3A_206] : memref<2x331904x16xf32, #tpu.memory_space<hbm>> -> memref<1x128x16xf32, #tpu.memory_space<hbm>>
      %dma_wait3A_208 = tpu.memref_squeeze %dma_wait3A_207 : memref<1x128x16xf32, #tpu.memory_space<hbm>> -> memref<128x16xf32, #tpu.memory_space<hbm>>
      tpu.wait_dma2 semaphore(%arg22 : memref<!tpu.dma_semaphore, #tpu.memory_space<semaphore_mem>>) src(%arg17 : memref<128x16xf32, #tpu.memory_space<vmem>>) dst(%dma_wait3A_208 : memref<128x16xf32, #tpu.memory_space<hbm>>)
      %mul3A_209 = arith.constant 2 : i32
      %mul3A_210 = arith.muli %mul3A_209, %scan3A_121 : i32
      %add3A_211 = arith.constant 1 : i32
      %add3A_212 = arith.addi %mul3A_210, %add3A_211 : i32
      %add3A_213 = arith.constant 1 : i32
      %add3A_214 = arith.addi %add3A_212, %add3A_213 : i32
      %add3A_215 = arith.addi %mul3A_38, %add3A_214 : i32
      %dma_start3A_216 = arith.constant 0 : i32
      %dma_start3A_217 = arith.constant 0 : i32
      %dma_start3A_218 = tpu.memref_slice %arg5[%add3A_215, %dma_start3A_216, %dma_start3A_217] : memref<2593x2x128xi32, #tpu.memory_space<hbm>> -> memref<1x2x128xi32, #tpu.memory_space<hbm>>
      %dma_start3A_219 = tpu.memref_squeeze %dma_start3A_218 : memref<1x2x128xi32, #tpu.memory_space<hbm>> -> memref<2x128xi32, #tpu.memory_space<hbm>>
      %dma_start3A_220 = arith.constant 0 : i32
      %dma_start3A_221 = arith.constant 0 : i32
      %dma_start3A_222 = tpu.memref_slice %arg5[%add3A_215, %dma_start3A_220, %dma_start3A_221] : memref<2593x2x128xi32, #tpu.memory_space<hbm>> -> memref<1x2x128xi32, #tpu.memory_space<hbm>>
      %dma_start3A_223 = tpu.memref_squeeze %dma_start3A_222 : memref<1x2x128xi32, #tpu.memory_space<hbm>> -> memref<2x128xi32, #tpu.memory_space<hbm>>
      tpu.enqueue_dma source(%dma_start3A_223 : memref<2x128xi32, #tpu.memory_space<hbm>>) target(%arg15 : memref<2x128xi32, #tpu.memory_space<vmem>>) target_semaphore(%arg23 : memref<!tpu.dma_semaphore, #tpu.memory_space<semaphore_mem>>)
      %dma_wait3A_224 = arith.constant 0 : i32
      %dma_wait3A_225 = arith.constant 0 : i32
      %dma_wait3A_226 = arith.constant 0 : i32
      %dma_wait3A_227 = tpu.memref_slice %arg5[%dma_wait3A_224, %dma_wait3A_225, %dma_wait3A_226] : memref<2593x2x128xi32, #tpu.memory_space<hbm>> -> memref<1x2x128xi32, #tpu.memory_space<hbm>>
      %dma_wait3A_228 = tpu.memref_squeeze %dma_wait3A_227 : memref<1x2x128xi32, #tpu.memory_space<hbm>> -> memref<2x128xi32, #tpu.memory_space<hbm>>
      %dma_wait3A_229 = arith.constant 0 : i32
      %dma_wait3A_230 = arith.constant 0 : i32
      %dma_wait3A_231 = tpu.memref_slice %arg5[%dma_wait3A_224, %dma_wait3A_229, %dma_wait3A_230] : memref<2593x2x128xi32, #tpu.memory_space<hbm>> -> memref<1x2x128xi32, #tpu.memory_space<hbm>>
      %dma_wait3A_232 = tpu.memref_squeeze %dma_wait3A_231 : memref<1x2x128xi32, #tpu.memory_space<hbm>> -> memref<2x128xi32, #tpu.memory_space<hbm>>
      tpu.wait_dma2 semaphore(%arg24 : memref<!tpu.dma_semaphore, #tpu.memory_space<semaphore_mem>>) src(%dma_wait3A_232 : memref<2x128xi32, #tpu.memory_space<hbm>>) dst(%arg16 : memref<2x128xi32, #tpu.memory_space<vmem>>)
      %dma_start3A_233 = arith.constant 0 : i32
      %dma_start3A_234 = arith.constant 0 : i32
      %dma_start3A_235 = tpu.memref_slice %arg16[%dma_start3A_233, %dma_start3A_234] : memref<2x128xi32, #tpu.memory_space<vmem>> -> memref<1x128xi32, #tpu.memory_space<vmem>>
      %dma_start3A_236 = tpu.memref_squeeze %dma_start3A_235 : memref<1x128xi32, #tpu.memory_space<vmem>> -> memref<128xi32, #tpu.memory_space<vmem>>
      %dma_start3A_237 = arith.constant 0 : i32
      %dma_start3A_238 = arith.constant 0 : i32
      %dma_start3A_239 = tpu.memref_slice %arg12[%dma_start3A_237, %dma_start3A_238] : memref<10240x16xf32, #tpu.memory_space<vmem_shared>> -> memref<10240x16xf32, #tpu.memory_space<vmem_shared>>
      tpu.enqueue_indirect_dma source(%dma_start3A_239 : memref<10240x16xf32, #tpu.memory_space<vmem_shared>>) target(%arg18 : memref<128x16xf32, #tpu.memory_space<vmem>>) offsets(%dma_start3A_236 : memref<128xi32, #tpu.memory_space<vmem>>) semaphore(%arg21 : memref<!tpu.dma_semaphore, #tpu.memory_space<semaphore_mem>>)
      %dma_start3A_240 = arith.constant 1 : i32
      %dma_start3A_241 = arith.constant 0 : i32
      %dma_start3A_242 = tpu.memref_slice %arg16[%dma_start3A_240, %dma_start3A_241] : memref<2x128xi32, #tpu.memory_space<vmem>> -> memref<1x128xi32, #tpu.memory_space<vmem>>
      %dma_start3A_243 = tpu.memref_squeeze %dma_start3A_242 : memref<1x128xi32, #tpu.memory_space<vmem>> -> memref<128xi32, #tpu.memory_space<vmem>>
      %dma_start3A_244 = arith.constant 0 : i32
      %dma_start3A_245 = arith.constant 0 : i32
      %dma_start3A_246 = tpu.memref_slice %arg13[%dma_start3A_244, %dma_start3A_245] : memref<10240x16xf32, #tpu.memory_space<vmem_shared>> -> memref<10240x16xf32, #tpu.memory_space<vmem_shared>>
      tpu.enqueue_indirect_dma source(%dma_start3A_246 : memref<10240x16xf32, #tpu.memory_space<vmem_shared>>) target(%arg19 : memref<128x16xf32, #tpu.memory_space<vmem>>) offsets(%dma_start3A_243 : memref<128xi32, #tpu.memory_space<vmem>>) semaphore(%arg22 : memref<!tpu.dma_semaphore, #tpu.memory_space<semaphore_mem>>)
      %dma_wait3A_247 = arith.constant 0 : i32
      %dma_wait3A_248 = arith.constant 0 : i32
      %dma_wait3A_249 = tpu.memref_slice %arg16[%dma_wait3A_247, %dma_wait3A_248] : memref<2x128xi32, #tpu.memory_space<vmem>> -> memref<1x128xi32, #tpu.memory_space<vmem>>
      %dma_wait3A_250 = tpu.memref_squeeze %dma_wait3A_249 : memref<1x128xi32, #tpu.memory_space<vmem>> -> memref<128xi32, #tpu.memory_space<vmem>>
      %dma_wait3A_251 = arith.constant 0 : i32
      %dma_wait3A_252 = arith.constant 0 : i32
      %dma_wait3A_253 = tpu.memref_slice %arg12[%dma_wait3A_251, %dma_wait3A_252] : memref<10240x16xf32, #tpu.memory_space<vmem_shared>> -> memref<10240x16xf32, #tpu.memory_space<vmem_shared>>
      tpu.wait_indirect_dma semaphore(%arg21 : memref<!tpu.dma_semaphore, #tpu.memory_space<semaphore_mem>>) src(%dma_wait3A_253 : memref<10240x16xf32, #tpu.memory_space<vmem_shared>>) dst(%arg18 : memref<128x16xf32, #tpu.memory_space<vmem>>)
      %dma_wait3A_254 = arith.constant 1 : i32
      %dma_wait3A_255 = arith.constant 0 : i32
      %dma_wait3A_256 = tpu.memref_slice %arg16[%dma_wait3A_254, %dma_wait3A_255] : memref<2x128xi32, #tpu.memory_space<vmem>> -> memref<1x128xi32, #tpu.memory_space<vmem>>
      %dma_wait3A_257 = tpu.memref_squeeze %dma_wait3A_256 : memref<1x128xi32, #tpu.memory_space<vmem>> -> memref<128xi32, #tpu.memory_space<vmem>>
      %dma_wait3A_258 = arith.constant 0 : i32
      %dma_wait3A_259 = arith.constant 0 : i32
      %dma_wait3A_260 = tpu.memref_slice %arg13[%dma_wait3A_258, %dma_wait3A_259] : memref<10240x16xf32, #tpu.memory_space<vmem_shared>> -> memref<10240x16xf32, #tpu.memory_space<vmem_shared>>
      tpu.wait_indirect_dma semaphore(%arg22 : memref<!tpu.dma_semaphore, #tpu.memory_space<semaphore_mem>>) src(%dma_wait3A_260 : memref<10240x16xf32, #tpu.memory_space<vmem_shared>>) dst(%arg19 : memref<128x16xf32, #tpu.memory_space<vmem>>)
      %scan3A_261 = arith.constant 0 : i32
      %scan3A_262 = arith.constant 0 : i32
      %scan3A_263 = arith.constant 16 : i32
      %scan3A_264 = arith.addi %scan3A_262, %scan3A_263 : i32
      %scan3A_265 = arith.constant 1 : i32
      %scan3A_266 = scf.for %scan3A_298 = %scan3A_262 to %scan3A_264 step %scan3A_265 iter_args(%scan3A_299 = %scan3A_261) -> (i32)  : i32 {
        %mul3A_300 = arith.constant 8 : i32
        %mul3A_301 = arith.muli %scan3A_298, %mul3A_300 : i32
        %add3A_302 = arith.constant 0 : i32
        %add3A_303 = arith.addi %mul3A_301, %add3A_302 : i32
        %get3A = arith.index_cast %add3A_303 : i32 to index
        %get3A_304 = arith.constant 0 : index
        %get3A_305 = tpu.vector_load %arg18[%get3A, %get3A_304] {strides = array<i32>} : memref<128x16xf32, #tpu.memory_space<vmem>>, vector<1x16xf32>,
        %get3A_306 = vector.shape_cast %get3A_305 : vector<1x16xf32> to vector<16xf32>
        %get3A_307 = arith.index_cast %add3A_303 : i32 to index
        %get3A_308 = arith.constant 0 : index
        %get3A_309 = tpu.vector_load %arg19[%get3A_307, %get3A_308] {strides = array<i32>} : memref<128x16xf32, #tpu.memory_space<vmem>>, vector<1x16xf32>,
        %get3A_310 = vector.shape_cast %get3A_309 : vector<1x16xf32> to vector<16xf32>
        %add3A_311 = arith.addf %get3A_306, %get3A_310 : vector<16xf32>
        %mul3A_312 = arith.constant 2.000000e-01 : f32
        %mul3A_313 = vector.broadcast %mul3A_312 : f32 to vector<16xf32>
        %mul3A_314 = arith.mulf %mul3A_313, %add3A_311 : vector<16xf32>
        %max3A = arith.maximumf %add3A_311, %mul3A_314 : vector<16xf32>
        %exp3A = math.exp %max3A : vector<16xf32>
        %swap3A = arith.index_cast %add3A_303 : i32 to index
        %swap3A_315 = arith.constant 0 : index
        %swap3A_316 = tpu.vector_load %arg18[%swap3A, %swap3A_315] {strides = array<i32>} : memref<128x16xf32, #tpu.memory_space<vmem>>, vector<1x16xf32>,
        %swap3A_317 = vector.shape_cast %swap3A_316 : vector<1x16xf32> to vector<16xf32>
        %swap3A_318 = vector.shape_cast %exp3A : vector<16xf32> to vector<1x16xf32>
        tpu.vector_store %arg18[%swap3A, %swap3A_315], %swap3A_318 {strides = array<i32>} : memref<128x16xf32, #tpu.memory_space<vmem>>, vector<1x16xf32>,
        %mul3A_319 = arith.constant 8 : i32
        %mul3A_320 = arith.muli %scan3A_298, %mul3A_319 : i32
        %add3A_321 = arith.constant 1 : i32
        %add3A_322 = arith.addi %mul3A_320, %add3A_321 : i32
        %get3A_323 = arith.index_cast %add3A_322 : i32 to index
        %get3A_324 = arith.constant 0 : index
        %get3A_325 = tpu.vector_load %arg18[%get3A_323, %get3A_324] {strides = array<i32>} : memref<128x16xf32, #tpu.memory_space<vmem>>, vector<1x16xf32>,
        %get3A_326 = vector.shape_cast %get3A_325 : vector<1x16xf32> to vector<16xf32>
        %get3A_327 = arith.index_cast %add3A_322 : i32 to index
        %get3A_328 = arith.constant 0 : index
        %get3A_329 = tpu.vector_load %arg19[%get3A_327, %get3A_328] {strides = array<i32>} : memref<128x16xf32, #tpu.memory_space<vmem>>, vector<1x16xf32>,
        %get3A_330 = vector.shape_cast %get3A_329 : vector<1x16xf32> to vector<16xf32>
        %add3A_331 = arith.addf %get3A_326, %get3A_330 : vector<16xf32>
        %mul3A_332 = arith.constant 2.000000e-01 : f32
        %mul3A_333 = vector.broadcast %mul3A_332 : f32 to vector<16xf32>
        %mul3A_334 = arith.mulf %mul3A_333, %add3A_331 : vector<16xf32>
        %max3A_335 = arith.maximumf %add3A_331, %mul3A_334 : vector<16xf32>
        %exp3A_336 = math.exp %max3A_335 : vector<16xf32>
        %swap3A_337 = arith.index_cast %add3A_322 : i32 to index
        %swap3A_338 = arith.constant 0 : index
        %swap3A_339 = tpu.vector_load %arg18[%swap3A_337, %swap3A_338] {strides = array<i32>} : memref<128x16xf32, #tpu.memory_space<vmem>>, vector<1x16xf32>,
        %swap3A_340 = vector.shape_cast %swap3A_339 : vector<1x16xf32> to vector<16xf32>
        %swap3A_341 = vector.shape_cast %exp3A_336 : vector<16xf32> to vector<1x16xf32>
        tpu.vector_store %arg18[%swap3A_337, %swap3A_338], %swap3A_341 {strides = array<i32>} : memref<128x16xf32, #tpu.memory_space<vmem>>, vector<1x16xf32>,
        %mul3A_342 = arith.constant 8 : i32
        %mul3A_343 = arith.muli %scan3A_298, %mul3A_342 : i32
        %add3A_344 = arith.constant 2 : i32
        %add3A_345 = arith.addi %mul3A_343, %add3A_344 : i32
        %get3A_346 = arith.index_cast %add3A_345 : i32 to index
        %get3A_347 = arith.constant 0 : index
        %get3A_348 = tpu.vector_load %arg18[%get3A_346, %get3A_347] {strides = array<i32>} : memref<128x16xf32, #tpu.memory_space<vmem>>, vector<1x16xf32>,
        %get3A_349 = vector.shape_cast %get3A_348 : vector<1x16xf32> to vector<16xf32>
        %get3A_350 = arith.index_cast %add3A_345 : i32 to index
        %get3A_351 = arith.constant 0 : index
        %get3A_352 = tpu.vector_load %arg19[%get3A_350, %get3A_351] {strides = array<i32>} : memref<128x16xf32, #tpu.memory_space<vmem>>, vector<1x16xf32>,
        %get3A_353 = vector.shape_cast %get3A_352 : vector<1x16xf32> to vector<16xf32>
        %add3A_354 = arith.addf %get3A_349, %get3A_353 : vector<16xf32>
        %mul3A_355 = arith.constant 2.000000e-01 : f32
        %mul3A_356 = vector.broadcast %mul3A_355 : f32 to vector<16xf32>
        %mul3A_357 = arith.mulf %mul3A_356, %add3A_354 : vector<16xf32>
        %max3A_358 = arith.maximumf %add3A_354, %mul3A_357 : vector<16xf32>
        %exp3A_359 = math.exp %max3A_358 : vector<16xf32>
        %swap3A_360 = arith.index_cast %add3A_345 : i32 to index
        %swap3A_361 = arith.constant 0 : index
        %swap3A_362 = tpu.vector_load %arg18[%swap3A_360, %swap3A_361] {strides = array<i32>} : memref<128x16xf32, #tpu.memory_space<vmem>>, vector<1x16xf32>,
        %swap3A_363 = vector.shape_cast %swap3A_362 : vector<1x16xf32> to vector<16xf32>
        %swap3A_364 = vector.shape_cast %exp3A_359 : vector<16xf32> to vector<1x16xf32>
        tpu.vector_store %arg18[%swap3A_360, %swap3A_361], %swap3A_364 {strides = array<i32>} : memref<128x16xf32, #tpu.memory_space<vmem>>, vector<1x16xf32>,
        %mul3A_365 = arith.constant 8 : i32
        %mul3A_366 = arith.muli %scan3A_298, %mul3A_365 : i32
        %add3A_367 = arith.constant 3 : i32
        %add3A_368 = arith.addi %mul3A_366, %add3A_367 : i32
        %get3A_369 = arith.index_cast %add3A_368 : i32 to index
        %get3A_370 = arith.constant 0 : index
        %get3A_371 = tpu.vector_load %arg18[%get3A_369, %get3A_370] {strides = array<i32>} : memref<128x16xf32, #tpu.memory_space<vmem>>, vector<1x16xf32>,
        %get3A_372 = vector.shape_cast %get3A_371 : vector<1x16xf32> to vector<16xf32>
        %get3A_373 = arith.index_cast %add3A_368 : i32 to index
        %get3A_374 = arith.constant 0 : index
        %get3A_375 = tpu.vector_load %arg19[%get3A_373, %get3A_374] {strides = array<i32>} : memref<128x16xf32, #tpu.memory_space<vmem>>, vector<1x16xf32>,
        %get3A_376 = vector.shape_cast %get3A_375 : vector<1x16xf32> to vector<16xf32>
        %add3A_377 = arith.addf %get3A_372, %get3A_376 : vector<16xf32>
        %mul3A_378 = arith.constant 2.000000e-01 : f32
        %mul3A_379 = vector.broadcast %mul3A_378 : f32 to vector<16xf32>
        %mul3A_380 = arith.mulf %mul3A_379, %add3A_377 : vector<16xf32>
        %max3A_381 = arith.maximumf %add3A_377, %mul3A_380 : vector<16xf32>
        %exp3A_382 = math.exp %max3A_381 : vector<16xf32>
        %swap3A_383 = arith.index_cast %add3A_368 : i32 to index
        %swap3A_384 = arith.constant 0 : index
        %swap3A_385 = tpu.vector_load %arg18[%swap3A_383, %swap3A_384] {strides = array<i32>} : memref<128x16xf32, #tpu.memory_space<vmem>>, vector<1x16xf32>,
        %swap3A_386 = vector.shape_cast %swap3A_385 : vector<1x16xf32> to vector<16xf32>
        %swap3A_387 = vector.shape_cast %exp3A_382 : vector<16xf32> to vector<1x16xf32>
        tpu.vector_store %arg18[%swap3A_383, %swap3A_384], %swap3A_387 {strides = array<i32>} : memref<128x16xf32, #tpu.memory_space<vmem>>, vector<1x16xf32>,
        %mul3A_388 = arith.constant 8 : i32
        %mul3A_389 = arith.muli %scan3A_298, %mul3A_388 : i32
        %add3A_390 = arith.constant 4 : i32
        %add3A_391 = arith.addi %mul3A_389, %add3A_390 : i32
        %get3A_392 = arith.index_cast %add3A_391 : i32 to index
        %get3A_393 = arith.constant 0 : index
        %get3A_394 = tpu.vector_load %arg18[%get3A_392, %get3A_393] {strides = array<i32>} : memref<128x16xf32, #tpu.memory_space<vmem>>, vector<1x16xf32>,
        %get3A_395 = vector.shape_cast %get3A_394 : vector<1x16xf32> to vector<16xf32>
        %get3A_396 = arith.index_cast %add3A_391 : i32 to index
        %get3A_397 = arith.constant 0 : index
        %get3A_398 = tpu.vector_load %arg19[%get3A_396, %get3A_397] {strides = array<i32>} : memref<128x16xf32, #tpu.memory_space<vmem>>, vector<1x16xf32>,
        %get3A_399 = vector.shape_cast %get3A_398 : vector<1x16xf32> to vector<16xf32>
        %add3A_400 = arith.addf %get3A_395, %get3A_399 : vector<16xf32>
        %mul3A_401 = arith.constant 2.000000e-01 : f32
        %mul3A_402 = vector.broadcast %mul3A_401 : f32 to vector<16xf32>
        %mul3A_403 = arith.mulf %mul3A_402, %add3A_400 : vector<16xf32>
        %max3A_404 = arith.maximumf %add3A_400, %mul3A_403 : vector<16xf32>
        %exp3A_405 = math.exp %max3A_404 : vector<16xf32>
        %swap3A_406 = arith.index_cast %add3A_391 : i32 to index
        %swap3A_407 = arith.constant 0 : index
        %swap3A_408 = tpu.vector_load %arg18[%swap3A_406, %swap3A_407] {strides = array<i32>} : memref<128x16xf32, #tpu.memory_space<vmem>>, vector<1x16xf32>,
        %swap3A_409 = vector.shape_cast %swap3A_408 : vector<1x16xf32> to vector<16xf32>
        %swap3A_410 = vector.shape_cast %exp3A_405 : vector<16xf32> to vector<1x16xf32>
        tpu.vector_store %arg18[%swap3A_406, %swap3A_407], %swap3A_410 {strides = array<i32>} : memref<128x16xf32, #tpu.memory_space<vmem>>, vector<1x16xf32>,
        %mul3A_411 = arith.constant 8 : i32
        %mul3A_412 = arith.muli %scan3A_298, %mul3A_411 : i32
        %add3A_413 = arith.constant 5 : i32
        %add3A_414 = arith.addi %mul3A_412, %add3A_413 : i32
        %get3A_415 = arith.index_cast %add3A_414 : i32 to index
        %get3A_416 = arith.constant 0 : index
        %get3A_417 = tpu.vector_load %arg18[%get3A_415, %get3A_416] {strides = array<i32>} : memref<128x16xf32, #tpu.memory_space<vmem>>, vector<1x16xf32>,
        %get3A_418 = vector.shape_cast %get3A_417 : vector<1x16xf32> to vector<16xf32>
        %get3A_419 = arith.index_cast %add3A_414 : i32 to index
        %get3A_420 = arith.constant 0 : index
        %get3A_421 = tpu.vector_load %arg19[%get3A_419, %get3A_420] {strides = array<i32>} : memref<128x16xf32, #tpu.memory_space<vmem>>, vector<1x16xf32>,
        %get3A_422 = vector.shape_cast %get3A_421 : vector<1x16xf32> to vector<16xf32>
        %add3A_423 = arith.addf %get3A_418, %get3A_422 : vector<16xf32>
        %mul3A_424 = arith.constant 2.000000e-01 : f32
        %mul3A_425 = vector.broadcast %mul3A_424 : f32 to vector<16xf32>
        %mul3A_426 = arith.mulf %mul3A_425, %add3A_423 : vector<16xf32>
        %max3A_427 = arith.maximumf %add3A_423, %mul3A_426 : vector<16xf32>
        %exp3A_428 = math.exp %max3A_427 : vector<16xf32>
        %swap3A_429 = arith.index_cast %add3A_414 : i32 to index
        %swap3A_430 = arith.constant 0 : index
        %swap3A_431 = tpu.vector_load %arg18[%swap3A_429, %swap3A_430] {strides = array<i32>} : memref<128x16xf32, #tpu.memory_space<vmem>>, vector<1x16xf32>,
        %swap3A_432 = vector.shape_cast %swap3A_431 : vector<1x16xf32> to vector<16xf32>
        %swap3A_433 = vector.shape_cast %exp3A_428 : vector<16xf32> to vector<1x16xf32>
        tpu.vector_store %arg18[%swap3A_429, %swap3A_430], %swap3A_433 {strides = array<i32>} : memref<128x16xf32, #tpu.memory_space<vmem>>, vector<1x16xf32>,
        %mul3A_434 = arith.constant 8 : i32
        %mul3A_435 = arith.muli %scan3A_298, %mul3A_434 : i32
        %add3A_436 = arith.constant 6 : i32
        %add3A_437 = arith.addi %mul3A_435, %add3A_436 : i32
        %get3A_438 = arith.index_cast %add3A_437 : i32 to index
        %get3A_439 = arith.constant 0 : index
        %get3A_440 = tpu.vector_load %arg18[%get3A_438, %get3A_439] {strides = array<i32>} : memref<128x16xf32, #tpu.memory_space<vmem>>, vector<1x16xf32>,
        %get3A_441 = vector.shape_cast %get3A_440 : vector<1x16xf32> to vector<16xf32>
        %get3A_442 = arith.index_cast %add3A_437 : i32 to index
        %get3A_443 = arith.constant 0 : index
        %get3A_444 = tpu.vector_load %arg19[%get3A_442, %get3A_443] {strides = array<i32>} : memref<128x16xf32, #tpu.memory_space<vmem>>, vector<1x16xf32>,
        %get3A_445 = vector.shape_cast %get3A_444 : vector<1x16xf32> to vector<16xf32>
        %add3A_446 = arith.addf %get3A_441, %get3A_445 : vector<16xf32>
        %mul3A_447 = arith.constant 2.000000e-01 : f32
        %mul3A_448 = vector.broadcast %mul3A_447 : f32 to vector<16xf32>
        %mul3A_449 = arith.mulf %mul3A_448, %add3A_446 : vector<16xf32>
        %max3A_450 = arith.maximumf %add3A_446, %mul3A_449 : vector<16xf32>
        %exp3A_451 = math.exp %max3A_450 : vector<16xf32>
        %swap3A_452 = arith.index_cast %add3A_437 : i32 to index
        %swap3A_453 = arith.constant 0 : index
        %swap3A_454 = tpu.vector_load %arg18[%swap3A_452, %swap3A_453] {strides = array<i32>} : memref<128x16xf32, #tpu.memory_space<vmem>>, vector<1x16xf32>,
        %swap3A_455 = vector.shape_cast %swap3A_454 : vector<1x16xf32> to vector<16xf32>
        %swap3A_456 = vector.shape_cast %exp3A_451 : vector<16xf32> to vector<1x16xf32>
        tpu.vector_store %arg18[%swap3A_452, %swap3A_453], %swap3A_456 {strides = array<i32>} : memref<128x16xf32, #tpu.memory_space<vmem>>, vector<1x16xf32>,
        %mul3A_457 = arith.constant 8 : i32
        %mul3A_458 = arith.muli %scan3A_298, %mul3A_457 : i32
        %add3A_459 = arith.constant 7 : i32
        %add3A_460 = arith.addi %mul3A_458, %add3A_459 : i32
        %get3A_461 = arith.index_cast %add3A_460 : i32 to index
        %get3A_462 = arith.constant 0 : index
        %get3A_463 = tpu.vector_load %arg18[%get3A_461, %get3A_462] {strides = array<i32>} : memref<128x16xf32, #tpu.memory_space<vmem>>, vector<1x16xf32>,
        %get3A_464 = vector.shape_cast %get3A_463 : vector<1x16xf32> to vector<16xf32>
        %get3A_465 = arith.index_cast %add3A_460 : i32 to index
        %get3A_466 = arith.constant 0 : index
        %get3A_467 = tpu.vector_load %arg19[%get3A_465, %get3A_466] {strides = array<i32>} : memref<128x16xf32, #tpu.memory_space<vmem>>, vector<1x16xf32>,
        %get3A_468 = vector.shape_cast %get3A_467 : vector<1x16xf32> to vector<16xf32>
        %add3A_469 = arith.addf %get3A_464, %get3A_468 : vector<16xf32>
        %mul3A_470 = arith.constant 2.000000e-01 : f32
        %mul3A_471 = vector.broadcast %mul3A_470 : f32 to vector<16xf32>
        %mul3A_472 = arith.mulf %mul3A_471, %add3A_469 : vector<16xf32>
        %max3A_473 = arith.maximumf %add3A_469, %mul3A_472 : vector<16xf32>
        %exp3A_474 = math.exp %max3A_473 : vector<16xf32>
        %swap3A_475 = arith.index_cast %add3A_460 : i32 to index
        %swap3A_476 = arith.constant 0 : index
        %swap3A_477 = tpu.vector_load %arg18[%swap3A_475, %swap3A_476] {strides = array<i32>} : memref<128x16xf32, #tpu.memory_space<vmem>>, vector<1x16xf32>,
        %swap3A_478 = vector.shape_cast %swap3A_477 : vector<1x16xf32> to vector<16xf32>
        %swap3A_479 = vector.shape_cast %exp3A_474 : vector<16xf32> to vector<1x16xf32>
        tpu.vector_store %arg18[%swap3A_475, %swap3A_476], %swap3A_479 {strides = array<i32>} : memref<128x16xf32, #tpu.memory_space<vmem>>, vector<1x16xf32>,
        %scan3A_480 = arith.constant 0 : i32
        scf.yield %scan3A_480 : i32
      }
      %scan3A_267 = arith.constant 16 : i32
      %mul3A_268 = arith.constant 128 : i32
      %mul3A_269 = arith.muli %add3A_212, %mul3A_268 : i32
      %add3A_270 = arith.addi %mul3A_2, %mul3A_269 : i32
      %dma_start3A_271 = arith.constant 1 : i32
      %dma_start3A_272 = arith.constant 0 : i32
      %dma_start3A_273 = tpu.memref_slice %arg16[%dma_start3A_271, %dma_start3A_272] : memref<2x128xi32, #tpu.memory_space<vmem>> -> memref<1x128xi32, #tpu.memory_space<vmem>>
      %dma_start3A_274 = tpu.memref_squeeze %dma_start3A_273 : memref<1x128xi32, #tpu.memory_space<vmem>> -> memref<128xi32, #tpu.memory_space<vmem>>
      %dma_start3A_275 = arith.constant 0 : i32
      %dma_start3A_276 = arith.constant 0 : i32
      %dma_start3A_277 = tpu.memref_slice %arg14[%dma_start3A_275, %dma_start3A_276] : memref<10240x16xf32, #tpu.memory_space<vmem_shared>> -> memref<10240x16xf32, #tpu.memory_space<vmem_shared>>
      tpu.enqueue_indirect_dma source(%arg18 : memref<128x16xf32, #tpu.memory_space<vmem>>) target(%dma_start3A_277 : memref<10240x16xf32, #tpu.memory_space<vmem_shared>>) offsets(%dma_start3A_274 : memref<128xi32, #tpu.memory_space<vmem>>) semaphore(%arg21 : memref<!tpu.dma_semaphore, #tpu.memory_space<semaphore_mem>>) {add = true}
      %dma_start3A_278 = arith.constant 0 : i32
      %dma_start3A_279 = tpu.memref_slice %arg9[%arg0, %add3A_270, %dma_start3A_278] : memref<2x331904x16xf32, #tpu.memory_space<hbm>> -> memref<1x128x16xf32, #tpu.memory_space<hbm>>
      %dma_start3A_280 = tpu.memref_squeeze %dma_start3A_279 : memref<1x128x16xf32, #tpu.memory_space<hbm>> -> memref<128x16xf32, #tpu.memory_space<hbm>>
      %dma_start3A_281 = arith.constant 0 : i32
      %dma_start3A_282 = tpu.memref_slice %arg9[%arg0, %add3A_270, %dma_start3A_281] : memref<2x331904x16xf32, #tpu.memory_space<hbm>> -> memref<1x128x16xf32, #tpu.memory_space<hbm>>
      %dma_start3A_283 = tpu.memref_squeeze %dma_start3A_282 : memref<1x128x16xf32, #tpu.memory_space<hbm>> -> memref<128x16xf32, #tpu.memory_space<hbm>>
      tpu.enqueue_dma source(%arg18 : memref<128x16xf32, #tpu.memory_space<vmem>>) target(%dma_start3A_283 : memref<128x16xf32, #tpu.memory_space<hbm>>) target_semaphore(%arg22 : memref<!tpu.dma_semaphore, #tpu.memory_space<semaphore_mem>>)
      %dma_wait3A_284 = arith.constant 1 : i32
      %dma_wait3A_285 = arith.constant 0 : i32
      %dma_wait3A_286 = tpu.memref_slice %arg16[%dma_wait3A_284, %dma_wait3A_285] : memref<2x128xi32, #tpu.memory_space<vmem>> -> memref<1x128xi32, #tpu.memory_space<vmem>>
      %dma_wait3A_287 = tpu.memref_squeeze %dma_wait3A_286 : memref<1x128xi32, #tpu.memory_space<vmem>> -> memref<128xi32, #tpu.memory_space<vmem>>
      %dma_wait3A_288 = arith.constant 0 : i32
      %dma_wait3A_289 = arith.constant 0 : i32
      %dma_wait3A_290 = tpu.memref_slice %arg14[%dma_wait3A_288, %dma_wait3A_289] : memref<10240x16xf32, #tpu.memory_space<vmem_shared>> -> memref<10240x16xf32, #tpu.memory_space<vmem_shared>>
      tpu.wait_indirect_dma semaphore(%arg21 : memref<!tpu.dma_semaphore, #tpu.memory_space<semaphore_mem>>) src(%arg18 : memref<128x16xf32, #tpu.memory_space<vmem>>) dst(%dma_wait3A_290 : memref<10240x16xf32, #tpu.memory_space<vmem_shared>>)
      %dma_wait3A_291 = arith.constant 0 : i32
      %dma_wait3A_292 = tpu.memref_slice %arg9[%arg0, %add3A_270, %dma_wait3A_291] : memref<2x331904x16xf32, #tpu.memory_space<hbm>> -> memref<1x128x16xf32, #tpu.memory_space<hbm>>
      %dma_wait3A_293 = tpu.memref_squeeze %dma_wait3A_292 : memref<1x128x16xf32, #tpu.memory_space<hbm>> -> memref<128x16xf32, #tpu.memory_space<hbm>>
      %dma_wait3A_294 = arith.constant 0 : i32
      %dma_wait3A_295 = tpu.memref_slice %arg9[%arg0, %add3A_270, %dma_wait3A_294] : memref<2x331904x16xf32, #tpu.memory_space<hbm>> -> memref<1x128x16xf32, #tpu.memory_space<hbm>>
      %dma_wait3A_296 = tpu.memref_squeeze %dma_wait3A_295 : memref<1x128x16xf32, #tpu.memory_space<hbm>> -> memref<128x16xf32, #tpu.memory_space<hbm>>
      tpu.wait_dma2 semaphore(%arg22 : memref<!tpu.dma_semaphore, #tpu.memory_space<semaphore_mem>>) src(%arg18 : memref<128x16xf32, #tpu.memory_space<vmem>>) dst(%dma_wait3A_296 : memref<128x16xf32, #tpu.memory_space<hbm>>)
      %scan3A_297 = arith.constant 0 : i32
      scf.yield %scan3A_297 : i32
    }
    %scan3A_53 = arith.constant 81 : i32
    %dma_wait3A = arith.constant 0 : i32
    %dma_wait3A_54 = arith.constant 0 : i32
    %dma_wait3A_55 = arith.constant 0 : i32
    %dma_wait3A_56 = tpu.memref_slice %arg5[%dma_wait3A, %dma_wait3A_54, %dma_wait3A_55] : memref<2593x2x128xi32, #tpu.memory_space<hbm>> -> memref<1x2x128xi32, #tpu.memory_space<hbm>>
    %dma_wait3A_57 = tpu.memref_squeeze %dma_wait3A_56 : memref<1x2x128xi32, #tpu.memory_space<hbm>> -> memref<2x128xi32, #tpu.memory_space<hbm>>
    %dma_wait3A_58 = arith.constant 0 : i32
    %dma_wait3A_59 = arith.constant 0 : i32
    %dma_wait3A_60 = tpu.memref_slice %arg5[%dma_wait3A, %dma_wait3A_58, %dma_wait3A_59] : memref<2593x2x128xi32, #tpu.memory_space<hbm>> -> memref<1x2x128xi32, #tpu.memory_space<hbm>>
    %dma_wait3A_61 = tpu.memref_squeeze %dma_wait3A_60 : memref<1x2x128xi32, #tpu.memory_space<hbm>> -> memref<2x128xi32, #tpu.memory_space<hbm>>
    tpu.wait_dma2 semaphore(%arg23 : memref<!tpu.dma_semaphore, #tpu.memory_space<semaphore_mem>>) src(%dma_wait3A_61 : memref<2x128xi32, #tpu.memory_space<hbm>>) dst(%arg15 : memref<2x128xi32, #tpu.memory_space<vmem>>)
    %barrier3A_62 = arith.constant 0 : index
    tpu.barrier barrier_id(%barrier3A_62)
    %scan3A_63 = arith.constant 0 : i32
    %scan3A_64 = arith.constant 0 : i32
    %scan3A_65 = arith.constant 5 : i32
    %scan3A_66 = arith.addi %scan3A_64, %scan3A_65 : i32
    %scan3A_67 = arith.constant 1 : i32
    %scan3A_68 = scf.for %scan3A_121 = %scan3A_64 to %scan3A_66 step %scan3A_67 iter_args(%scan3A_122 = %scan3A_63) -> (i32)  : i32 {
      %mul3A_123 = arith.constant 128 : i32
      %mul3A_124 = arith.muli %scan3A_121, %mul3A_123 : i32
      %add3A_125 = arith.addi %mul3A_0, %mul3A_124 : i32
      "tpu.region"() ({
        %run_scoped3A = tpu.sem_alloc : memref<!tpu.dma_semaphore, #tpu.memory_space<semaphore_mem>>
        %dma_start3A_137 = arith.constant 0 : i32
        %dma_start3A_138 = tpu.memref_slice %arg14[%add3A_125, %dma_start3A_137] : memref<10240x16xf32, #tpu.memory_space<vmem_shared>> -> memref<128x16xf32, #tpu.memory_space<vmem_shared>>
        %dma_start3A_139 = arith.constant 0 : i32
        %dma_start3A_140 = tpu.memref_slice %arg14[%add3A_125, %dma_start3A_139] : memref<10240x16xf32, #tpu.memory_space<vmem_shared>> -> memref<128x16xf32, #tpu.memory_space<vmem_shared>>
        tpu.enqueue_dma source(%dma_start3A_140 : memref<128x16xf32, #tpu.memory_space<vmem_shared>>) target(%arg17 : memref<128x16xf32, #tpu.memory_space<vmem>>) target_semaphore(%run_scoped3A : memref<!tpu.dma_semaphore, #tpu.memory_space<semaphore_mem>>)
        %dma_wait3A_141 = arith.constant 0 : i32
        %dma_wait3A_142 = tpu.memref_slice %arg14[%add3A_125, %dma_wait3A_141] : memref<10240x16xf32, #tpu.memory_space<vmem_shared>> -> memref<128x16xf32, #tpu.memory_space<vmem_shared>>
        %dma_wait3A_143 = arith.constant 0 : i32
        %dma_wait3A_144 = tpu.memref_slice %arg14[%add3A_125, %dma_wait3A_143] : memref<10240x16xf32, #tpu.memory_space<vmem_shared>> -> memref<128x16xf32, #tpu.memory_space<vmem_shared>>
        tpu.wait_dma2 semaphore(%run_scoped3A : memref<!tpu.dma_semaphore, #tpu.memory_space<semaphore_mem>>) src(%dma_wait3A_144 : memref<128x16xf32, #tpu.memory_space<vmem_shared>>) dst(%arg17 : memref<128x16xf32, #tpu.memory_space<vmem>>)
        tpu.yield
      }) : () -> ()
      %scan3A_126 = arith.constant 0 : i32
      %scan3A_127 = arith.constant 0 : i32
      %scan3A_128 = arith.constant 128 : i32
      %scan3A_129 = arith.addi %scan3A_127, %scan3A_128 : i32
      %scan3A_130 = arith.constant 1 : i32
      %scan3A_131 = scf.for %scan3A_137 = %scan3A_127 to %scan3A_129 step %scan3A_130 iter_args(%scan3A_138 = %scan3A_126) -> (i32)  : i32 {
        %get3A = arith.index_cast %scan3A_137 : i32 to index
        %get3A_139 = arith.constant 0 : index
        %get3A_140 = tpu.vector_load %arg17[%get3A, %get3A_139] {strides = array<i32>} : memref<128x16xf32, #tpu.memory_space<vmem>>, vector<1x16xf32>,
        %get3A_141 = vector.shape_cast %get3A_140 : vector<1x16xf32> to vector<16xf32>
        %add3A_142 = arith.constant 1.000000e-16 : f32
        %add3A_143 = vector.broadcast %add3A_142 : f32 to vector<16xf32>
        %add3A_144 = arith.addf %get3A_141, %add3A_143 : vector<16xf32>
        %div3A = arith.constant 1.000000e+00 : f32
        %div3A_145 = vector.broadcast %div3A : f32 to vector<16xf32>
        %div3A_146 = arith.divf %div3A_145, %add3A_144 : vector<16xf32>
        %swap3A = arith.index_cast %scan3A_137 : i32 to index
        %swap3A_147 = arith.constant 0 : index
        %swap3A_148 = tpu.vector_load %arg17[%swap3A, %swap3A_147] {strides = array<i32>} : memref<128x16xf32, #tpu.memory_space<vmem>>, vector<1x16xf32>,
        %swap3A_149 = vector.shape_cast %swap3A_148 : vector<1x16xf32> to vector<16xf32>
        %swap3A_150 = vector.shape_cast %div3A_146 : vector<16xf32> to vector<1x16xf32>
        tpu.vector_store %arg17[%swap3A, %swap3A_147], %swap3A_150 {strides = array<i32>} : memref<128x16xf32, #tpu.memory_space<vmem>>, vector<1x16xf32>,
        %scan3A_151 = arith.constant 0 : i32
        scf.yield %scan3A_151 : i32
      }
      %scan3A_132 = arith.constant 128 : i32
      %mul3A_133 = arith.constant 128 : i32
      %mul3A_134 = arith.muli %scan3A_121, %mul3A_133 : i32
      %add3A_135 = arith.addi %mul3A_0, %mul3A_134 : i32
      "tpu.region"() ({
        %run_scoped3A = tpu.sem_alloc : memref<!tpu.dma_semaphore, #tpu.memory_space<semaphore_mem>>
        %dma_start3A_137 = arith.constant 0 : i32
        %dma_start3A_138 = tpu.memref_slice %arg14[%add3A_135, %dma_start3A_137] : memref<10240x16xf32, #tpu.memory_space<vmem_shared>> -> memref<128x16xf32, #tpu.memory_space<vmem_shared>>
        %dma_start3A_139 = arith.constant 0 : i32
        %dma_start3A_140 = tpu.memref_slice %arg14[%add3A_135, %dma_start3A_139] : memref<10240x16xf32, #tpu.memory_space<vmem_shared>> -> memref<128x16xf32, #tpu.memory_space<vmem_shared>>
        tpu.enqueue_dma source(%arg17 : memref<128x16xf32, #tpu.memory_space<vmem>>) target(%dma_start3A_140 : memref<128x16xf32, #tpu.memory_space<vmem_shared>>) target_semaphore(%run_scoped3A : memref<!tpu.dma_semaphore, #tpu.memory_space<semaphore_mem>>)
        %dma_wait3A_141 = arith.constant 0 : i32
        %dma_wait3A_142 = tpu.memref_slice %arg14[%add3A_135, %dma_wait3A_141] : memref<10240x16xf32, #tpu.memory_space<vmem_shared>> -> memref<128x16xf32, #tpu.memory_space<vmem_shared>>
        %dma_wait3A_143 = arith.constant 0 : i32
        %dma_wait3A_144 = tpu.memref_slice %arg14[%add3A_135, %dma_wait3A_143] : memref<10240x16xf32, #tpu.memory_space<vmem_shared>> -> memref<128x16xf32, #tpu.memory_space<vmem_shared>>
        tpu.wait_dma2 semaphore(%run_scoped3A : memref<!tpu.dma_semaphore, #tpu.memory_space<semaphore_mem>>) src(%arg17 : memref<128x16xf32, #tpu.memory_space<vmem>>) dst(%dma_wait3A_144 : memref<128x16xf32, #tpu.memory_space<vmem_shared>>)
        tpu.yield
      }) : () -> ()
      %scan3A_136 = arith.constant 0 : i32
      scf.yield %scan3A_136 : i32
    }
    %scan3A_69 = arith.constant 5 : i32
    %barrier3A_70 = arith.constant 0 : index
    tpu.barrier barrier_id(%barrier3A_70)
    %add3A_71 = arith.constant 0 : i32
    %add3A_72 = arith.addi %mul3A_2, %add3A_71 : i32
    %add3A_73 = arith.constant 0 : i32
    %add3A_74 = arith.addi %mul3A_38, %add3A_73 : i32
    %dma_start3A_75 = arith.constant 0 : i32
    %dma_start3A_76 = arith.constant 0 : i32
    %dma_start3A_77 = tpu.memref_slice %arg5[%add3A_74, %dma_start3A_75, %dma_start3A_76] : memref<2593x2x128xi32, #tpu.memory_space<hbm>> -> memref<1x2x128xi32, #tpu.memory_space<hbm>>
    %dma_start3A_78 = tpu.memref_squeeze %dma_start3A_77 : memref<1x2x128xi32, #tpu.memory_space<hbm>> -> memref<2x128xi32, #tpu.memory_space<hbm>>
    %dma_start3A_79 = arith.constant 0 : i32
    %dma_start3A_80 = arith.constant 0 : i32
    %dma_start3A_81 = tpu.memref_slice %arg5[%add3A_74, %dma_start3A_79, %dma_start3A_80] : memref<2593x2x128xi32, #tpu.memory_space<hbm>> -> memref<1x2x128xi32, #tpu.memory_space<hbm>>
    %dma_start3A_82 = tpu.memref_squeeze %dma_start3A_81 : memref<1x2x128xi32, #tpu.memory_space<hbm>> -> memref<2x128xi32, #tpu.memory_space<hbm>>
    tpu.enqueue_dma source(%dma_start3A_82 : memref<2x128xi32, #tpu.memory_space<hbm>>) target(%arg15 : memref<2x128xi32, #tpu.memory_space<vmem>>) target_semaphore(%arg23 : memref<!tpu.dma_semaphore, #tpu.memory_space<semaphore_mem>>)
    %dma_start3A_83 = arith.constant 0 : i32
    %dma_start3A_84 = tpu.memref_slice %arg9[%arg0, %add3A_72, %dma_start3A_83] : memref<2x331904x16xf32, #tpu.memory_space<hbm>> -> memref<1x128x16xf32, #tpu.memory_space<hbm>>
    %dma_start3A_85 = tpu.memref_squeeze %dma_start3A_84 : memref<1x128x16xf32, #tpu.memory_space<hbm>> -> memref<128x16xf32, #tpu.memory_space<hbm>>
    %dma_start3A_86 = arith.constant 0 : i32
    %dma_start3A_87 = tpu.memref_slice %arg9[%arg0, %add3A_72, %dma_start3A_86] : memref<2x331904x16xf32, #tpu.memory_space<hbm>> -> memref<1x128x16xf32, #tpu.memory_space<hbm>>
    %dma_start3A_88 = tpu.memref_squeeze %dma_start3A_87 : memref<1x128x16xf32, #tpu.memory_space<hbm>> -> memref<128x16xf32, #tpu.memory_space<hbm>>
    tpu.enqueue_dma source(%dma_start3A_88 : memref<128x16xf32, #tpu.memory_space<hbm>>) target(%arg17 : memref<128x16xf32, #tpu.memory_space<vmem>>) target_semaphore(%arg23 : memref<!tpu.dma_semaphore, #tpu.memory_space<semaphore_mem>>)
    %scan3A_89 = arith.constant 0 : i32
    %scan3A_90 = arith.constant 0 : i32
    %scan3A_91 = arith.constant 81 : i32
    %scan3A_92 = arith.addi %scan3A_90, %scan3A_91 : i32
    %scan3A_93 = arith.constant 1 : i32
    %scan3A_94 = scf.for %scan3A_121 = %scan3A_90 to %scan3A_92 step %scan3A_93 iter_args(%scan3A_122 = %scan3A_89) -> (i32)  : i32 {
      %mul3A_123 = arith.constant 2 : i32
      %mul3A_124 = arith.muli %mul3A_123, %scan3A_121 : i32
      %add3A_125 = arith.constant 1 : i32
      %add3A_126 = arith.addi %mul3A_124, %add3A_125 : i32
      %mul3A_127 = arith.constant 128 : i32
      %mul3A_128 = arith.muli %add3A_126, %mul3A_127 : i32
      %add3A_129 = arith.addi %mul3A_2, %mul3A_128 : i32
      %add3A_130 = arith.addi %mul3A_38, %add3A_126 : i32
      %dma_start3A_131 = arith.constant 0 : i32
      %dma_start3A_132 = arith.constant 0 : i32
      %dma_start3A_133 = tpu.memref_slice %arg5[%add3A_130, %dma_start3A_131, %dma_start3A_132] : memref<2593x2x128xi32, #tpu.memory_space<hbm>> -> memref<1x2x128xi32, #tpu.memory_space<hbm>>
      %dma_start3A_134 = tpu.memref_squeeze %dma_start3A_133 : memref<1x2x128xi32, #tpu.memory_space<hbm>> -> memref<2x128xi32, #tpu.memory_space<hbm>>
      %dma_start3A_135 = arith.constant 0 : i32
      %dma_start3A_136 = arith.constant 0 : i32
      %dma_start3A_137 = tpu.memref_slice %arg5[%add3A_130, %dma_start3A_135, %dma_start3A_136] : memref<2593x2x128xi32, #tpu.memory_space<hbm>> -> memref<1x2x128xi32, #tpu.memory_space<hbm>>
      %dma_start3A_138 = tpu.memref_squeeze %dma_start3A_137 : memref<1x2x128xi32, #tpu.memory_space<hbm>> -> memref<2x128xi32, #tpu.memory_space<hbm>>
      tpu.enqueue_dma source(%dma_start3A_138 : memref<2x128xi32, #tpu.memory_space<hbm>>) target(%arg16 : memref<2x128xi32, #tpu.memory_space<vmem>>) target_semaphore(%arg24 : memref<!tpu.dma_semaphore, #tpu.memory_space<semaphore_mem>>)
      %dma_start3A_139 = arith.constant 0 : i32
      %dma_start3A_140 = tpu.memref_slice %arg9[%arg0, %add3A_129, %dma_start3A_139] : memref<2x331904x16xf32, #tpu.memory_space<hbm>> -> memref<1x128x16xf32, #tpu.memory_space<hbm>>
      %dma_start3A_141 = tpu.memref_squeeze %dma_start3A_140 : memref<1x128x16xf32, #tpu.memory_space<hbm>> -> memref<128x16xf32, #tpu.memory_space<hbm>>
      %dma_start3A_142 = arith.constant 0 : i32
      %dma_start3A_143 = tpu.memref_slice %arg9[%arg0, %add3A_129, %dma_start3A_142] : memref<2x331904x16xf32, #tpu.memory_space<hbm>> -> memref<1x128x16xf32, #tpu.memory_space<hbm>>
      %dma_start3A_144 = tpu.memref_squeeze %dma_start3A_143 : memref<1x128x16xf32, #tpu.memory_space<hbm>> -> memref<128x16xf32, #tpu.memory_space<hbm>>
      tpu.enqueue_dma source(%dma_start3A_144 : memref<128x16xf32, #tpu.memory_space<hbm>>) target(%arg18 : memref<128x16xf32, #tpu.memory_space<vmem>>) target_semaphore(%arg24 : memref<!tpu.dma_semaphore, #tpu.memory_space<semaphore_mem>>)
      %dma_wait3A_145 = arith.constant 0 : i32
      %dma_wait3A_146 = arith.constant 0 : i32
      %dma_wait3A_147 = arith.constant 0 : i32
      %dma_wait3A_148 = tpu.memref_slice %arg5[%dma_wait3A_145, %dma_wait3A_146, %dma_wait3A_147] : memref<2593x2x128xi32, #tpu.memory_space<hbm>> -> memref<1x2x128xi32, #tpu.memory_space<hbm>>
      %dma_wait3A_149 = tpu.memref_squeeze %dma_wait3A_148 : memref<1x2x128xi32, #tpu.memory_space<hbm>> -> memref<2x128xi32, #tpu.memory_space<hbm>>
      %dma_wait3A_150 = arith.constant 0 : i32
      %dma_wait3A_151 = arith.constant 0 : i32
      %dma_wait3A_152 = tpu.memref_slice %arg5[%dma_wait3A_145, %dma_wait3A_150, %dma_wait3A_151] : memref<2593x2x128xi32, #tpu.memory_space<hbm>> -> memref<1x2x128xi32, #tpu.memory_space<hbm>>
      %dma_wait3A_153 = tpu.memref_squeeze %dma_wait3A_152 : memref<1x2x128xi32, #tpu.memory_space<hbm>> -> memref<2x128xi32, #tpu.memory_space<hbm>>
      tpu.wait_dma2 semaphore(%arg23 : memref<!tpu.dma_semaphore, #tpu.memory_space<semaphore_mem>>) src(%dma_wait3A_153 : memref<2x128xi32, #tpu.memory_space<hbm>>) dst(%arg15 : memref<2x128xi32, #tpu.memory_space<vmem>>)
      %dma_wait3A_154 = arith.constant 0 : i32
      %dma_wait3A_155 = arith.constant 0 : i32
      %dma_wait3A_156 = tpu.memref_slice %arg9[%arg0, %dma_wait3A_154, %dma_wait3A_155] : memref<2x331904x16xf32, #tpu.memory_space<hbm>> -> memref<1x128x16xf32, #tpu.memory_space<hbm>>
      %dma_wait3A_157 = tpu.memref_squeeze %dma_wait3A_156 : memref<1x128x16xf32, #tpu.memory_space<hbm>> -> memref<128x16xf32, #tpu.memory_space<hbm>>
      %dma_wait3A_158 = arith.constant 0 : i32
      %dma_wait3A_159 = arith.constant 0 : i32
      %dma_wait3A_160 = tpu.memref_slice %arg9[%arg0, %dma_wait3A_158, %dma_wait3A_159] : memref<2x331904x16xf32, #tpu.memory_space<hbm>> -> memref<1x128x16xf32, #tpu.memory_space<hbm>>
      %dma_wait3A_161 = tpu.memref_squeeze %dma_wait3A_160 : memref<1x128x16xf32, #tpu.memory_space<hbm>> -> memref<128x16xf32, #tpu.memory_space<hbm>>
      tpu.wait_dma2 semaphore(%arg23 : memref<!tpu.dma_semaphore, #tpu.memory_space<semaphore_mem>>) src(%dma_wait3A_161 : memref<128x16xf32, #tpu.memory_space<hbm>>) dst(%arg17 : memref<128x16xf32, #tpu.memory_space<vmem>>)
      %dma_start3A_162 = arith.constant 1 : i32
      %dma_start3A_163 = arith.constant 0 : i32
      %dma_start3A_164 = tpu.memref_slice %arg15[%dma_start3A_162, %dma_start3A_163] : memref<2x128xi32, #tpu.memory_space<vmem>> -> memref<1x128xi32, #tpu.memory_space<vmem>>
      %dma_start3A_165 = tpu.memref_squeeze %dma_start3A_164 : memref<1x128xi32, #tpu.memory_space<vmem>> -> memref<128xi32, #tpu.memory_space<vmem>>
      %dma_start3A_166 = arith.constant 0 : i32
      %dma_start3A_167 = arith.constant 0 : i32
      %dma_start3A_168 = tpu.memref_slice %arg14[%dma_start3A_166, %dma_start3A_167] : memref<10240x16xf32, #tpu.memory_space<vmem_shared>> -> memref<10240x16xf32, #tpu.memory_space<vmem_shared>>
      tpu.enqueue_indirect_dma source(%dma_start3A_168 : memref<10240x16xf32, #tpu.memory_space<vmem_shared>>) target(%arg19 : memref<128x16xf32, #tpu.memory_space<vmem>>) offsets(%dma_start3A_165 : memref<128xi32, #tpu.memory_space<vmem>>) semaphore(%arg21 : memref<!tpu.dma_semaphore, #tpu.memory_space<semaphore_mem>>)
      %dma_start3A_169 = arith.constant 0 : i32
      %dma_start3A_170 = arith.constant 0 : i32
      %dma_start3A_171 = tpu.memref_slice %arg15[%dma_start3A_169, %dma_start3A_170] : memref<2x128xi32, #tpu.memory_space<vmem>> -> memref<1x128xi32, #tpu.memory_space<vmem>>
      %dma_start3A_172 = tpu.memref_squeeze %dma_start3A_171 : memref<1x128xi32, #tpu.memory_space<vmem>> -> memref<128xi32, #tpu.memory_space<vmem>>
      %dma_start3A_173 = arith.constant 0 : i32
      %dma_start3A_174 = arith.constant 0 : i32
      %dma_start3A_175 = tpu.memref_slice %arg10[%dma_start3A_173, %dma_start3A_174] : memref<10240x64xf32, #tpu.memory_space<vmem_shared>> -> memref<10240x64xf32, #tpu.memory_space<vmem_shared>>
      tpu.enqueue_indirect_dma source(%dma_start3A_175 : memref<10240x64xf32, #tpu.memory_space<vmem_shared>>) target(%arg20 : memref<128x64xf32, #tpu.memory_space<vmem>>) offsets(%dma_start3A_172 : memref<128xi32, #tpu.memory_space<vmem>>) semaphore(%arg22 : memref<!tpu.dma_semaphore, #tpu.memory_space<semaphore_mem>>)
      %dma_wait3A_176 = arith.constant 1 : i32
      %dma_wait3A_177 = arith.constant 0 : i32
      %dma_wait3A_178 = tpu.memref_slice %arg15[%dma_wait3A_176, %dma_wait3A_177] : memref<2x128xi32, #tpu.memory_space<vmem>> -> memref<1x128xi32, #tpu.memory_space<vmem>>
      %dma_wait3A_179 = tpu.memref_squeeze %dma_wait3A_178 : memref<1x128xi32, #tpu.memory_space<vmem>> -> memref<128xi32, #tpu.memory_space<vmem>>
      %dma_wait3A_180 = arith.constant 0 : i32
      %dma_wait3A_181 = arith.constant 0 : i32
      %dma_wait3A_182 = tpu.memref_slice %arg14[%dma_wait3A_180, %dma_wait3A_181] : memref<10240x16xf32, #tpu.memory_space<vmem_shared>> -> memref<10240x16xf32, #tpu.memory_space<vmem_shared>>
      tpu.wait_indirect_dma semaphore(%arg21 : memref<!tpu.dma_semaphore, #tpu.memory_space<semaphore_mem>>) src(%dma_wait3A_182 : memref<10240x16xf32, #tpu.memory_space<vmem_shared>>) dst(%arg19 : memref<128x16xf32, #tpu.memory_space<vmem>>)
      %dma_wait3A_183 = arith.constant 0 : i32
      %dma_wait3A_184 = arith.constant 0 : i32
      %dma_wait3A_185 = tpu.memref_slice %arg15[%dma_wait3A_183, %dma_wait3A_184] : memref<2x128xi32, #tpu.memory_space<vmem>> -> memref<1x128xi32, #tpu.memory_space<vmem>>
      %dma_wait3A_186 = tpu.memref_squeeze %dma_wait3A_185 : memref<1x128xi32, #tpu.memory_space<vmem>> -> memref<128xi32, #tpu.memory_space<vmem>>
      %dma_wait3A_187 = arith.constant 0 : i32
      %dma_wait3A_188 = arith.constant 0 : i32
      %dma_wait3A_189 = tpu.memref_slice %arg10[%dma_wait3A_187, %dma_wait3A_188] : memref<10240x64xf32, #tpu.memory_space<vmem_shared>> -> memref<10240x64xf32, #tpu.memory_space<vmem_shared>>
      tpu.wait_indirect_dma semaphore(%arg22 : memref<!tpu.dma_semaphore, #tpu.memory_space<semaphore_mem>>) src(%dma_wait3A_189 : memref<10240x64xf32, #tpu.memory_space<vmem_shared>>) dst(%arg20 : memref<128x64xf32, #tpu.memory_space<vmem>>)
      %scan3A_190 = arith.constant 0 : i32
      %scan3A_191 = arith.constant 0 : i32
      %scan3A_192 = arith.constant 32 : i32
      %scan3A_193 = arith.addi %scan3A_191, %scan3A_192 : i32
      %scan3A_194 = arith.constant 1 : i32
      %scan3A_195 = scf.for %scan3A_275 = %scan3A_191 to %scan3A_193 step %scan3A_194 iter_args(%scan3A_276 = %scan3A_190) -> (i32)  : i32 {
        %mul3A_277 = arith.constant 4 : i32
        %mul3A_278 = arith.muli %scan3A_275, %mul3A_277 : i32
        %add3A_279 = arith.constant 0 : i32
        %add3A_280 = arith.addi %mul3A_278, %add3A_279 : i32
        %get3A = arith.index_cast %add3A_280 : i32 to index
        %get3A_281 = arith.constant 0 : index
        %get3A_282 = tpu.vector_load %arg17[%get3A, %get3A_281] {strides = array<i32>} : memref<128x16xf32, #tpu.memory_space<vmem>>, vector<1x16xf32>,
        %get3A_283 = vector.shape_cast %get3A_282 : vector<1x16xf32> to vector<16xf32>
        %get3A_284 = arith.index_cast %add3A_280 : i32 to index
        %get3A_285 = arith.constant 0 : index
        %get3A_286 = tpu.vector_load %arg19[%get3A_284, %get3A_285] {strides = array<i32>} : memref<128x16xf32, #tpu.memory_space<vmem>>, vector<1x16xf32>,
        %get3A_287 = vector.shape_cast %get3A_286 : vector<1x16xf32> to vector<16xf32>
        %mul3A_288 = arith.mulf %get3A_283, %get3A_287 : vector<16xf32>
        %broadcast_in_dim3A = arith.constant 0 : i32
        %broadcast_in_dim3A_289 = vector.broadcast %broadcast_in_dim3A : i32 to vector<16x1xi32>
        %gather3A = vector.shape_cast %broadcast_in_dim3A_289 : vector<16x1xi32> to vector<16xi32>
        %gather3A_290 = tpu.dynamic_gather %mul3A_288[%gather3A] in [0] : vector<16xf32>, vector<16xi32> -> vector<16xf32>
        %get3A_291 = arith.index_cast %add3A_280 : i32 to index
        %get3A_292 = arith.constant 0 : index
        %get3A_293 = tpu.vector_load %arg20[%get3A_291, %get3A_292] {strides = array<i32>} : memref<128x64xf32, #tpu.memory_space<vmem>>, vector<1x16xf32>,
        %get3A_294 = vector.shape_cast %get3A_293 : vector<1x16xf32> to vector<16xf32>
        %mul3A_295 = arith.mulf %get3A_294, %gather3A_290 : vector<16xf32>
        %swap3A = arith.index_cast %add3A_280 : i32 to index
        %swap3A_296 = arith.constant 0 : index
        %swap3A_297 = tpu.vector_load %arg20[%swap3A, %swap3A_296] {strides = array<i32>} : memref<128x64xf32, #tpu.memory_space<vmem>>, vector<1x16xf32>,
        %swap3A_298 = vector.shape_cast %swap3A_297 : vector<1x16xf32> to vector<16xf32>
        %swap3A_299 = vector.shape_cast %mul3A_295 : vector<16xf32> to vector<1x16xf32>
        tpu.vector_store %arg20[%swap3A, %swap3A_296], %swap3A_299 {strides = array<i32>} : memref<128x64xf32, #tpu.memory_space<vmem>>, vector<1x16xf32>,
        %broadcast_in_dim3A_300 = arith.constant 1 : i32
        %broadcast_in_dim3A_301 = vector.broadcast %broadcast_in_dim3A_300 : i32 to vector<16x1xi32>
        %gather3A_302 = vector.shape_cast %broadcast_in_dim3A_301 : vector<16x1xi32> to vector<16xi32>
        %gather3A_303 = tpu.dynamic_gather %mul3A_288[%gather3A_302] in [0] : vector<16xf32>, vector<16xi32> -> vector<16xf32>
        %get3A_304 = arith.index_cast %add3A_280 : i32 to index
        %get3A_305 = arith.constant 16 : index
        %get3A_306 = tpu.vector_load %arg20[%get3A_304, %get3A_305] {strides = array<i32>} : memref<128x64xf32, #tpu.memory_space<vmem>>, vector<1x16xf32>,
        %get3A_307 = vector.shape_cast %get3A_306 : vector<1x16xf32> to vector<16xf32>
        %mul3A_308 = arith.mulf %get3A_307, %gather3A_303 : vector<16xf32>
        %swap3A_309 = arith.index_cast %add3A_280 : i32 to index
        %swap3A_310 = arith.constant 16 : index
        %swap3A_311 = tpu.vector_load %arg20[%swap3A_309, %swap3A_310] {strides = array<i32>} : memref<128x64xf32, #tpu.memory_space<vmem>>, vector<1x16xf32>,
        %swap3A_312 = vector.shape_cast %swap3A_311 : vector<1x16xf32> to vector<16xf32>
        %swap3A_313 = vector.shape_cast %mul3A_308 : vector<16xf32> to vector<1x16xf32>
        tpu.vector_store %arg20[%swap3A_309, %swap3A_310], %swap3A_313 {strides = array<i32>} : memref<128x64xf32, #tpu.memory_space<vmem>>, vector<1x16xf32>,
        %broadcast_in_dim3A_314 = arith.constant 2 : i32
        %broadcast_in_dim3A_315 = vector.broadcast %broadcast_in_dim3A_314 : i32 to vector<16x1xi32>
        %gather3A_316 = vector.shape_cast %broadcast_in_dim3A_315 : vector<16x1xi32> to vector<16xi32>
        %gather3A_317 = tpu.dynamic_gather %mul3A_288[%gather3A_316] in [0] : vector<16xf32>, vector<16xi32> -> vector<16xf32>
        %get3A_318 = arith.index_cast %add3A_280 : i32 to index
        %get3A_319 = arith.constant 32 : index
        %get3A_320 = tpu.vector_load %arg20[%get3A_318, %get3A_319] {strides = array<i32>} : memref<128x64xf32, #tpu.memory_space<vmem>>, vector<1x16xf32>,
        %get3A_321 = vector.shape_cast %get3A_320 : vector<1x16xf32> to vector<16xf32>
        %mul3A_322 = arith.mulf %get3A_321, %gather3A_317 : vector<16xf32>
        %swap3A_323 = arith.index_cast %add3A_280 : i32 to index
        %swap3A_324 = arith.constant 32 : index
        %swap3A_325 = tpu.vector_load %arg20[%swap3A_323, %swap3A_324] {strides = array<i32>} : memref<128x64xf32, #tpu.memory_space<vmem>>, vector<1x16xf32>,
        %swap3A_326 = vector.shape_cast %swap3A_325 : vector<1x16xf32> to vector<16xf32>
        %swap3A_327 = vector.shape_cast %mul3A_322 : vector<16xf32> to vector<1x16xf32>
        tpu.vector_store %arg20[%swap3A_323, %swap3A_324], %swap3A_327 {strides = array<i32>} : memref<128x64xf32, #tpu.memory_space<vmem>>, vector<1x16xf32>,
        %broadcast_in_dim3A_328 = arith.constant 3 : i32
        %broadcast_in_dim3A_329 = vector.broadcast %broadcast_in_dim3A_328 : i32 to vector<16x1xi32>
        %gather3A_330 = vector.shape_cast %broadcast_in_dim3A_329 : vector<16x1xi32> to vector<16xi32>
        %gather3A_331 = tpu.dynamic_gather %mul3A_288[%gather3A_330] in [0] : vector<16xf32>, vector<16xi32> -> vector<16xf32>
        %get3A_332 = arith.index_cast %add3A_280 : i32 to index
        %get3A_333 = arith.constant 48 : index
        %get3A_334 = tpu.vector_load %arg20[%get3A_332, %get3A_333] {strides = array<i32>} : memref<128x64xf32, #tpu.memory_space<vmem>>, vector<1x16xf32>,
        %get3A_335 = vector.shape_cast %get3A_334 : vector<1x16xf32> to vector<16xf32>
        %mul3A_336 = arith.mulf %get3A_335, %gather3A_331 : vector<16xf32>
        %swap3A_337 = arith.index_cast %add3A_280 : i32 to index
        %swap3A_338 = arith.constant 48 : index
        %swap3A_339 = tpu.vector_load %arg20[%swap3A_337, %swap3A_338] {strides = array<i32>} : memref<128x64xf32, #tpu.memory_space<vmem>>, vector<1x16xf32>,
        %swap3A_340 = vector.shape_cast %swap3A_339 : vector<1x16xf32> to vector<16xf32>
        %swap3A_341 = vector.shape_cast %mul3A_336 : vector<16xf32> to vector<1x16xf32>
        tpu.vector_store %arg20[%swap3A_337, %swap3A_338], %swap3A_341 {strides = array<i32>} : memref<128x64xf32, #tpu.memory_space<vmem>>, vector<1x16xf32>,
        %mul3A_342 = arith.constant 4 : i32
        %mul3A_343 = arith.muli %scan3A_275, %mul3A_342 : i32
        %add3A_344 = arith.constant 1 : i32
        %add3A_345 = arith.addi %mul3A_343, %add3A_344 : i32
        %get3A_346 = arith.index_cast %add3A_345 : i32 to index
        %get3A_347 = arith.constant 0 : index
        %get3A_348 = tpu.vector_load %arg17[%get3A_346, %get3A_347] {strides = array<i32>} : memref<128x16xf32, #tpu.memory_space<vmem>>, vector<1x16xf32>,
        %get3A_349 = vector.shape_cast %get3A_348 : vector<1x16xf32> to vector<16xf32>
        %get3A_350 = arith.index_cast %add3A_345 : i32 to index
        %get3A_351 = arith.constant 0 : index
        %get3A_352 = tpu.vector_load %arg19[%get3A_350, %get3A_351] {strides = array<i32>} : memref<128x16xf32, #tpu.memory_space<vmem>>, vector<1x16xf32>,
        %get3A_353 = vector.shape_cast %get3A_352 : vector<1x16xf32> to vector<16xf32>
        %mul3A_354 = arith.mulf %get3A_349, %get3A_353 : vector<16xf32>
        %broadcast_in_dim3A_355 = arith.constant 0 : i32
        %broadcast_in_dim3A_356 = vector.broadcast %broadcast_in_dim3A_355 : i32 to vector<16x1xi32>
        %gather3A_357 = vector.shape_cast %broadcast_in_dim3A_356 : vector<16x1xi32> to vector<16xi32>
        %gather3A_358 = tpu.dynamic_gather %mul3A_354[%gather3A_357] in [0] : vector<16xf32>, vector<16xi32> -> vector<16xf32>
        %get3A_359 = arith.index_cast %add3A_345 : i32 to index
        %get3A_360 = arith.constant 0 : index
        %get3A_361 = tpu.vector_load %arg20[%get3A_359, %get3A_360] {strides = array<i32>} : memref<128x64xf32, #tpu.memory_space<vmem>>, vector<1x16xf32>,
        %get3A_362 = vector.shape_cast %get3A_361 : vector<1x16xf32> to vector<16xf32>
        %mul3A_363 = arith.mulf %get3A_362, %gather3A_358 : vector<16xf32>
        %swap3A_364 = arith.index_cast %add3A_345 : i32 to index
        %swap3A_365 = arith.constant 0 : index
        %swap3A_366 = tpu.vector_load %arg20[%swap3A_364, %swap3A_365] {strides = array<i32>} : memref<128x64xf32, #tpu.memory_space<vmem>>, vector<1x16xf32>,
        %swap3A_367 = vector.shape_cast %swap3A_366 : vector<1x16xf32> to vector<16xf32>
        %swap3A_368 = vector.shape_cast %mul3A_363 : vector<16xf32> to vector<1x16xf32>
        tpu.vector_store %arg20[%swap3A_364, %swap3A_365], %swap3A_368 {strides = array<i32>} : memref<128x64xf32, #tpu.memory_space<vmem>>, vector<1x16xf32>,
        %broadcast_in_dim3A_369 = arith.constant 1 : i32
        %broadcast_in_dim3A_370 = vector.broadcast %broadcast_in_dim3A_369 : i32 to vector<16x1xi32>
        %gather3A_371 = vector.shape_cast %broadcast_in_dim3A_370 : vector<16x1xi32> to vector<16xi32>
        %gather3A_372 = tpu.dynamic_gather %mul3A_354[%gather3A_371] in [0] : vector<16xf32>, vector<16xi32> -> vector<16xf32>
        %get3A_373 = arith.index_cast %add3A_345 : i32 to index
        %get3A_374 = arith.constant 16 : index
        %get3A_375 = tpu.vector_load %arg20[%get3A_373, %get3A_374] {strides = array<i32>} : memref<128x64xf32, #tpu.memory_space<vmem>>, vector<1x16xf32>,
        %get3A_376 = vector.shape_cast %get3A_375 : vector<1x16xf32> to vector<16xf32>
        %mul3A_377 = arith.mulf %get3A_376, %gather3A_372 : vector<16xf32>
        %swap3A_378 = arith.index_cast %add3A_345 : i32 to index
        %swap3A_379 = arith.constant 16 : index
        %swap3A_380 = tpu.vector_load %arg20[%swap3A_378, %swap3A_379] {strides = array<i32>} : memref<128x64xf32, #tpu.memory_space<vmem>>, vector<1x16xf32>,
        %swap3A_381 = vector.shape_cast %swap3A_380 : vector<1x16xf32> to vector<16xf32>
        %swap3A_382 = vector.shape_cast %mul3A_377 : vector<16xf32> to vector<1x16xf32>
        tpu.vector_store %arg20[%swap3A_378, %swap3A_379], %swap3A_382 {strides = array<i32>} : memref<128x64xf32, #tpu.memory_space<vmem>>, vector<1x16xf32>,
        %broadcast_in_dim3A_383 = arith.constant 2 : i32
        %broadcast_in_dim3A_384 = vector.broadcast %broadcast_in_dim3A_383 : i32 to vector<16x1xi32>
        %gather3A_385 = vector.shape_cast %broadcast_in_dim3A_384 : vector<16x1xi32> to vector<16xi32>
        %gather3A_386 = tpu.dynamic_gather %mul3A_354[%gather3A_385] in [0] : vector<16xf32>, vector<16xi32> -> vector<16xf32>
        %get3A_387 = arith.index_cast %add3A_345 : i32 to index
        %get3A_388 = arith.constant 32 : index
        %get3A_389 = tpu.vector_load %arg20[%get3A_387, %get3A_388] {strides = array<i32>} : memref<128x64xf32, #tpu.memory_space<vmem>>, vector<1x16xf32>,
        %get3A_390 = vector.shape_cast %get3A_389 : vector<1x16xf32> to vector<16xf32>
        %mul3A_391 = arith.mulf %get3A_390, %gather3A_386 : vector<16xf32>
        %swap3A_392 = arith.index_cast %add3A_345 : i32 to index
        %swap3A_393 = arith.constant 32 : index
        %swap3A_394 = tpu.vector_load %arg20[%swap3A_392, %swap3A_393] {strides = array<i32>} : memref<128x64xf32, #tpu.memory_space<vmem>>, vector<1x16xf32>,
        %swap3A_395 = vector.shape_cast %swap3A_394 : vector<1x16xf32> to vector<16xf32>
        %swap3A_396 = vector.shape_cast %mul3A_391 : vector<16xf32> to vector<1x16xf32>
        tpu.vector_store %arg20[%swap3A_392, %swap3A_393], %swap3A_396 {strides = array<i32>} : memref<128x64xf32, #tpu.memory_space<vmem>>, vector<1x16xf32>,
        %broadcast_in_dim3A_397 = arith.constant 3 : i32
        %broadcast_in_dim3A_398 = vector.broadcast %broadcast_in_dim3A_397 : i32 to vector<16x1xi32>
        %gather3A_399 = vector.shape_cast %broadcast_in_dim3A_398 : vector<16x1xi32> to vector<16xi32>
        %gather3A_400 = tpu.dynamic_gather %mul3A_354[%gather3A_399] in [0] : vector<16xf32>, vector<16xi32> -> vector<16xf32>
        %get3A_401 = arith.index_cast %add3A_345 : i32 to index
        %get3A_402 = arith.constant 48 : index
        %get3A_403 = tpu.vector_load %arg20[%get3A_401, %get3A_402] {strides = array<i32>} : memref<128x64xf32, #tpu.memory_space<vmem>>, vector<1x16xf32>,
        %get3A_404 = vector.shape_cast %get3A_403 : vector<1x16xf32> to vector<16xf32>
        %mul3A_405 = arith.mulf %get3A_404, %gather3A_400 : vector<16xf32>
        %swap3A_406 = arith.index_cast %add3A_345 : i32 to index
        %swap3A_407 = arith.constant 48 : index
        %swap3A_408 = tpu.vector_load %arg20[%swap3A_406, %swap3A_407] {strides = array<i32>} : memref<128x64xf32, #tpu.memory_space<vmem>>, vector<1x16xf32>,
        %swap3A_409 = vector.shape_cast %swap3A_408 : vector<1x16xf32> to vector<16xf32>
        %swap3A_410 = vector.shape_cast %mul3A_405 : vector<16xf32> to vector<1x16xf32>
        tpu.vector_store %arg20[%swap3A_406, %swap3A_407], %swap3A_410 {strides = array<i32>} : memref<128x64xf32, #tpu.memory_space<vmem>>, vector<1x16xf32>,
        %mul3A_411 = arith.constant 4 : i32
        %mul3A_412 = arith.muli %scan3A_275, %mul3A_411 : i32
        %add3A_413 = arith.constant 2 : i32
        %add3A_414 = arith.addi %mul3A_412, %add3A_413 : i32
        %get3A_415 = arith.index_cast %add3A_414 : i32 to index
        %get3A_416 = arith.constant 0 : index
        %get3A_417 = tpu.vector_load %arg17[%get3A_415, %get3A_416] {strides = array<i32>} : memref<128x16xf32, #tpu.memory_space<vmem>>, vector<1x16xf32>,
        %get3A_418 = vector.shape_cast %get3A_417 : vector<1x16xf32> to vector<16xf32>
        %get3A_419 = arith.index_cast %add3A_414 : i32 to index
        %get3A_420 = arith.constant 0 : index
        %get3A_421 = tpu.vector_load %arg19[%get3A_419, %get3A_420] {strides = array<i32>} : memref<128x16xf32, #tpu.memory_space<vmem>>, vector<1x16xf32>,
        %get3A_422 = vector.shape_cast %get3A_421 : vector<1x16xf32> to vector<16xf32>
        %mul3A_423 = arith.mulf %get3A_418, %get3A_422 : vector<16xf32>
        %broadcast_in_dim3A_424 = arith.constant 0 : i32
        %broadcast_in_dim3A_425 = vector.broadcast %broadcast_in_dim3A_424 : i32 to vector<16x1xi32>
        %gather3A_426 = vector.shape_cast %broadcast_in_dim3A_425 : vector<16x1xi32> to vector<16xi32>
        %gather3A_427 = tpu.dynamic_gather %mul3A_423[%gather3A_426] in [0] : vector<16xf32>, vector<16xi32> -> vector<16xf32>
        %get3A_428 = arith.index_cast %add3A_414 : i32 to index
        %get3A_429 = arith.constant 0 : index
        %get3A_430 = tpu.vector_load %arg20[%get3A_428, %get3A_429] {strides = array<i32>} : memref<128x64xf32, #tpu.memory_space<vmem>>, vector<1x16xf32>,
        %get3A_431 = vector.shape_cast %get3A_430 : vector<1x16xf32> to vector<16xf32>
        %mul3A_432 = arith.mulf %get3A_431, %gather3A_427 : vector<16xf32>
        %swap3A_433 = arith.index_cast %add3A_414 : i32 to index
        %swap3A_434 = arith.constant 0 : index
        %swap3A_435 = tpu.vector_load %arg20[%swap3A_433, %swap3A_434] {strides = array<i32>} : memref<128x64xf32, #tpu.memory_space<vmem>>, vector<1x16xf32>,
        %swap3A_436 = vector.shape_cast %swap3A_435 : vector<1x16xf32> to vector<16xf32>
        %swap3A_437 = vector.shape_cast %mul3A_432 : vector<16xf32> to vector<1x16xf32>
        tpu.vector_store %arg20[%swap3A_433, %swap3A_434], %swap3A_437 {strides = array<i32>} : memref<128x64xf32, #tpu.memory_space<vmem>>, vector<1x16xf32>,
        %broadcast_in_dim3A_438 = arith.constant 1 : i32
        %broadcast_in_dim3A_439 = vector.broadcast %broadcast_in_dim3A_438 : i32 to vector<16x1xi32>
        %gather3A_440 = vector.shape_cast %broadcast_in_dim3A_439 : vector<16x1xi32> to vector<16xi32>
        %gather3A_441 = tpu.dynamic_gather %mul3A_423[%gather3A_440] in [0] : vector<16xf32>, vector<16xi32> -> vector<16xf32>
        %get3A_442 = arith.index_cast %add3A_414 : i32 to index
        %get3A_443 = arith.constant 16 : index
        %get3A_444 = tpu.vector_load %arg20[%get3A_442, %get3A_443] {strides = array<i32>} : memref<128x64xf32, #tpu.memory_space<vmem>>, vector<1x16xf32>,
        %get3A_445 = vector.shape_cast %get3A_444 : vector<1x16xf32> to vector<16xf32>
        %mul3A_446 = arith.mulf %get3A_445, %gather3A_441 : vector<16xf32>
        %swap3A_447 = arith.index_cast %add3A_414 : i32 to index
        %swap3A_448 = arith.constant 16 : index
        %swap3A_449 = tpu.vector_load %arg20[%swap3A_447, %swap3A_448] {strides = array<i32>} : memref<128x64xf32, #tpu.memory_space<vmem>>, vector<1x16xf32>,
        %swap3A_450 = vector.shape_cast %swap3A_449 : vector<1x16xf32> to vector<16xf32>
        %swap3A_451 = vector.shape_cast %mul3A_446 : vector<16xf32> to vector<1x16xf32>
        tpu.vector_store %arg20[%swap3A_447, %swap3A_448], %swap3A_451 {strides = array<i32>} : memref<128x64xf32, #tpu.memory_space<vmem>>, vector<1x16xf32>,
        %broadcast_in_dim3A_452 = arith.constant 2 : i32
        %broadcast_in_dim3A_453 = vector.broadcast %broadcast_in_dim3A_452 : i32 to vector<16x1xi32>
        %gather3A_454 = vector.shape_cast %broadcast_in_dim3A_453 : vector<16x1xi32> to vector<16xi32>
        %gather3A_455 = tpu.dynamic_gather %mul3A_423[%gather3A_454] in [0] : vector<16xf32>, vector<16xi32> -> vector<16xf32>
        %get3A_456 = arith.index_cast %add3A_414 : i32 to index
        %get3A_457 = arith.constant 32 : index
        %get3A_458 = tpu.vector_load %arg20[%get3A_456, %get3A_457] {strides = array<i32>} : memref<128x64xf32, #tpu.memory_space<vmem>>, vector<1x16xf32>,
        %get3A_459 = vector.shape_cast %get3A_458 : vector<1x16xf32> to vector<16xf32>
        %mul3A_460 = arith.mulf %get3A_459, %gather3A_455 : vector<16xf32>
        %swap3A_461 = arith.index_cast %add3A_414 : i32 to index
        %swap3A_462 = arith.constant 32 : index
        %swap3A_463 = tpu.vector_load %arg20[%swap3A_461, %swap3A_462] {strides = array<i32>} : memref<128x64xf32, #tpu.memory_space<vmem>>, vector<1x16xf32>,
        %swap3A_464 = vector.shape_cast %swap3A_463 : vector<1x16xf32> to vector<16xf32>
        %swap3A_465 = vector.shape_cast %mul3A_460 : vector<16xf32> to vector<1x16xf32>
        tpu.vector_store %arg20[%swap3A_461, %swap3A_462], %swap3A_465 {strides = array<i32>} : memref<128x64xf32, #tpu.memory_space<vmem>>, vector<1x16xf32>,
        %broadcast_in_dim3A_466 = arith.constant 3 : i32
        %broadcast_in_dim3A_467 = vector.broadcast %broadcast_in_dim3A_466 : i32 to vector<16x1xi32>
        %gather3A_468 = vector.shape_cast %broadcast_in_dim3A_467 : vector<16x1xi32> to vector<16xi32>
        %gather3A_469 = tpu.dynamic_gather %mul3A_423[%gather3A_468] in [0] : vector<16xf32>, vector<16xi32> -> vector<16xf32>
        %get3A_470 = arith.index_cast %add3A_414 : i32 to index
        %get3A_471 = arith.constant 48 : index
        %get3A_472 = tpu.vector_load %arg20[%get3A_470, %get3A_471] {strides = array<i32>} : memref<128x64xf32, #tpu.memory_space<vmem>>, vector<1x16xf32>,
        %get3A_473 = vector.shape_cast %get3A_472 : vector<1x16xf32> to vector<16xf32>
        %mul3A_474 = arith.mulf %get3A_473, %gather3A_469 : vector<16xf32>
        %swap3A_475 = arith.index_cast %add3A_414 : i32 to index
        %swap3A_476 = arith.constant 48 : index
        %swap3A_477 = tpu.vector_load %arg20[%swap3A_475, %swap3A_476] {strides = array<i32>} : memref<128x64xf32, #tpu.memory_space<vmem>>, vector<1x16xf32>,
        %swap3A_478 = vector.shape_cast %swap3A_477 : vector<1x16xf32> to vector<16xf32>
        %swap3A_479 = vector.shape_cast %mul3A_474 : vector<16xf32> to vector<1x16xf32>
        tpu.vector_store %arg20[%swap3A_475, %swap3A_476], %swap3A_479 {strides = array<i32>} : memref<128x64xf32, #tpu.memory_space<vmem>>, vector<1x16xf32>,
        %mul3A_480 = arith.constant 4 : i32
        %mul3A_481 = arith.muli %scan3A_275, %mul3A_480 : i32
        %add3A_482 = arith.constant 3 : i32
        %add3A_483 = arith.addi %mul3A_481, %add3A_482 : i32
        %get3A_484 = arith.index_cast %add3A_483 : i32 to index
        %get3A_485 = arith.constant 0 : index
        %get3A_486 = tpu.vector_load %arg17[%get3A_484, %get3A_485] {strides = array<i32>} : memref<128x16xf32, #tpu.memory_space<vmem>>, vector<1x16xf32>,
        %get3A_487 = vector.shape_cast %get3A_486 : vector<1x16xf32> to vector<16xf32>
        %get3A_488 = arith.index_cast %add3A_483 : i32 to index
        %get3A_489 = arith.constant 0 : index
        %get3A_490 = tpu.vector_load %arg19[%get3A_488, %get3A_489] {strides = array<i32>} : memref<128x16xf32, #tpu.memory_space<vmem>>, vector<1x16xf32>,
        %get3A_491 = vector.shape_cast %get3A_490 : vector<1x16xf32> to vector<16xf32>
        %mul3A_492 = arith.mulf %get3A_487, %get3A_491 : vector<16xf32>
        %broadcast_in_dim3A_493 = arith.constant 0 : i32
        %broadcast_in_dim3A_494 = vector.broadcast %broadcast_in_dim3A_493 : i32 to vector<16x1xi32>
        %gather3A_495 = vector.shape_cast %broadcast_in_dim3A_494 : vector<16x1xi32> to vector<16xi32>
        %gather3A_496 = tpu.dynamic_gather %mul3A_492[%gather3A_495] in [0] : vector<16xf32>, vector<16xi32> -> vector<16xf32>
        %get3A_497 = arith.index_cast %add3A_483 : i32 to index
        %get3A_498 = arith.constant 0 : index
        %get3A_499 = tpu.vector_load %arg20[%get3A_497, %get3A_498] {strides = array<i32>} : memref<128x64xf32, #tpu.memory_space<vmem>>, vector<1x16xf32>,
        %get3A_500 = vector.shape_cast %get3A_499 : vector<1x16xf32> to vector<16xf32>
        %mul3A_501 = arith.mulf %get3A_500, %gather3A_496 : vector<16xf32>
        %swap3A_502 = arith.index_cast %add3A_483 : i32 to index
        %swap3A_503 = arith.constant 0 : index
        %swap3A_504 = tpu.vector_load %arg20[%swap3A_502, %swap3A_503] {strides = array<i32>} : memref<128x64xf32, #tpu.memory_space<vmem>>, vector<1x16xf32>,
        %swap3A_505 = vector.shape_cast %swap3A_504 : vector<1x16xf32> to vector<16xf32>
        %swap3A_506 = vector.shape_cast %mul3A_501 : vector<16xf32> to vector<1x16xf32>
        tpu.vector_store %arg20[%swap3A_502, %swap3A_503], %swap3A_506 {strides = array<i32>} : memref<128x64xf32, #tpu.memory_space<vmem>>, vector<1x16xf32>,
        %broadcast_in_dim3A_507 = arith.constant 1 : i32
        %broadcast_in_dim3A_508 = vector.broadcast %broadcast_in_dim3A_507 : i32 to vector<16x1xi32>
        %gather3A_509 = vector.shape_cast %broadcast_in_dim3A_508 : vector<16x1xi32> to vector<16xi32>
        %gather3A_510 = tpu.dynamic_gather %mul3A_492[%gather3A_509] in [0] : vector<16xf32>, vector<16xi32> -> vector<16xf32>
        %get3A_511 = arith.index_cast %add3A_483 : i32 to index
        %get3A_512 = arith.constant 16 : index
        %get3A_513 = tpu.vector_load %arg20[%get3A_511, %get3A_512] {strides = array<i32>} : memref<128x64xf32, #tpu.memory_space<vmem>>, vector<1x16xf32>,
        %get3A_514 = vector.shape_cast %get3A_513 : vector<1x16xf32> to vector<16xf32>
        %mul3A_515 = arith.mulf %get3A_514, %gather3A_510 : vector<16xf32>
        %swap3A_516 = arith.index_cast %add3A_483 : i32 to index
        %swap3A_517 = arith.constant 16 : index
        %swap3A_518 = tpu.vector_load %arg20[%swap3A_516, %swap3A_517] {strides = array<i32>} : memref<128x64xf32, #tpu.memory_space<vmem>>, vector<1x16xf32>,
        %swap3A_519 = vector.shape_cast %swap3A_518 : vector<1x16xf32> to vector<16xf32>
        %swap3A_520 = vector.shape_cast %mul3A_515 : vector<16xf32> to vector<1x16xf32>
        tpu.vector_store %arg20[%swap3A_516, %swap3A_517], %swap3A_520 {strides = array<i32>} : memref<128x64xf32, #tpu.memory_space<vmem>>, vector<1x16xf32>,
        %broadcast_in_dim3A_521 = arith.constant 2 : i32
        %broadcast_in_dim3A_522 = vector.broadcast %broadcast_in_dim3A_521 : i32 to vector<16x1xi32>
        %gather3A_523 = vector.shape_cast %broadcast_in_dim3A_522 : vector<16x1xi32> to vector<16xi32>
        %gather3A_524 = tpu.dynamic_gather %mul3A_492[%gather3A_523] in [0] : vector<16xf32>, vector<16xi32> -> vector<16xf32>
        %get3A_525 = arith.index_cast %add3A_483 : i32 to index
        %get3A_526 = arith.constant 32 : index
        %get3A_527 = tpu.vector_load %arg20[%get3A_525, %get3A_526] {strides = array<i32>} : memref<128x64xf32, #tpu.memory_space<vmem>>, vector<1x16xf32>,
        %get3A_528 = vector.shape_cast %get3A_527 : vector<1x16xf32> to vector<16xf32>
        %mul3A_529 = arith.mulf %get3A_528, %gather3A_524 : vector<16xf32>
        %swap3A_530 = arith.index_cast %add3A_483 : i32 to index
        %swap3A_531 = arith.constant 32 : index
        %swap3A_532 = tpu.vector_load %arg20[%swap3A_530, %swap3A_531] {strides = array<i32>} : memref<128x64xf32, #tpu.memory_space<vmem>>, vector<1x16xf32>,
        %swap3A_533 = vector.shape_cast %swap3A_532 : vector<1x16xf32> to vector<16xf32>
        %swap3A_534 = vector.shape_cast %mul3A_529 : vector<16xf32> to vector<1x16xf32>
        tpu.vector_store %arg20[%swap3A_530, %swap3A_531], %swap3A_534 {strides = array<i32>} : memref<128x64xf32, #tpu.memory_space<vmem>>, vector<1x16xf32>,
        %broadcast_in_dim3A_535 = arith.constant 3 : i32
        %broadcast_in_dim3A_536 = vector.broadcast %broadcast_in_dim3A_535 : i32 to vector<16x1xi32>
        %gather3A_537 = vector.shape_cast %broadcast_in_dim3A_536 : vector<16x1xi32> to vector<16xi32>
        %gather3A_538 = tpu.dynamic_gather %mul3A_492[%gather3A_537] in [0] : vector<16xf32>, vector<16xi32> -> vector<16xf32>
        %get3A_539 = arith.index_cast %add3A_483 : i32 to index
        %get3A_540 = arith.constant 48 : index
        %get3A_541 = tpu.vector_load %arg20[%get3A_539, %get3A_540] {strides = array<i32>} : memref<128x64xf32, #tpu.memory_space<vmem>>, vector<1x16xf32>,
        %get3A_542 = vector.shape_cast %get3A_541 : vector<1x16xf32> to vector<16xf32>
        %mul3A_543 = arith.mulf %get3A_542, %gather3A_538 : vector<16xf32>
        %swap3A_544 = arith.index_cast %add3A_483 : i32 to index
        %swap3A_545 = arith.constant 48 : index
        %swap3A_546 = tpu.vector_load %arg20[%swap3A_544, %swap3A_545] {strides = array<i32>} : memref<128x64xf32, #tpu.memory_space<vmem>>, vector<1x16xf32>,
        %swap3A_547 = vector.shape_cast %swap3A_546 : vector<1x16xf32> to vector<16xf32>
        %swap3A_548 = vector.shape_cast %mul3A_543 : vector<16xf32> to vector<1x16xf32>
        tpu.vector_store %arg20[%swap3A_544, %swap3A_545], %swap3A_548 {strides = array<i32>} : memref<128x64xf32, #tpu.memory_space<vmem>>, vector<1x16xf32>,
        %scan3A_549 = arith.constant 0 : i32
        scf.yield %scan3A_549 : i32
      }
      %scan3A_196 = arith.constant 32 : i32
      %run_scoped3A = arith.constant 1 : i32
      "tpu.region"() ({
        %run_scoped3A_275 = tpu.sem_alloc : memref<!tpu.dma_semaphore, #tpu.memory_space<semaphore_mem>>
        %dma_start3A_276 = arith.constant 0 : i32
        %dma_start3A_277 = tpu.memref_slice %arg15[%run_scoped3A, %dma_start3A_276] : memref<2x128xi32, #tpu.memory_space<vmem>> -> memref<1x128xi32, #tpu.memory_space<vmem>>
        %dma_start3A_278 = tpu.memref_squeeze %dma_start3A_277 : memref<1x128xi32, #tpu.memory_space<vmem>> -> memref<128xi32, #tpu.memory_space<vmem>>
        %dma_start3A_279 = arith.constant 0 : i32
        %dma_start3A_280 = arith.constant 0 : i32
        %dma_start3A_281 = tpu.memref_slice %arg11[%dma_start3A_279, %dma_start3A_280] : memref<10240x64xf32, #tpu.memory_space<vmem_shared>> -> memref<10240x64xf32, #tpu.memory_space<vmem_shared>>
        tpu.enqueue_indirect_dma source(%arg20 : memref<128x64xf32, #tpu.memory_space<vmem>>) target(%dma_start3A_281 : memref<10240x64xf32, #tpu.memory_space<vmem_shared>>) offsets(%dma_start3A_278 : memref<128xi32, #tpu.memory_space<vmem>>) semaphore(%run_scoped3A_275 : memref<!tpu.dma_semaphore, #tpu.memory_space<semaphore_mem>>) {add = true}
        %dma_wait3A_282 = arith.constant 0 : i32
        %dma_wait3A_283 = tpu.memref_slice %arg15[%run_scoped3A, %dma_wait3A_282] : memref<2x128xi32, #tpu.memory_space<vmem>> -> memref<1x128xi32, #tpu.memory_space<vmem>>
        %dma_wait3A_284 = tpu.memref_squeeze %dma_wait3A_283 : memref<1x128xi32, #tpu.memory_space<vmem>> -> memref<128xi32, #tpu.memory_space<vmem>>
        %dma_wait3A_285 = arith.constant 0 : i32
        %dma_wait3A_286 = arith.constant 0 : i32
        %dma_wait3A_287 = tpu.memref_slice %arg11[%dma_wait3A_285, %dma_wait3A_286] : memref<10240x64xf32, #tpu.memory_space<vmem_shared>> -> memref<10240x64xf32, #tpu.memory_space<vmem_shared>>
        tpu.wait_indirect_dma semaphore(%run_scoped3A_275 : memref<!tpu.dma_semaphore, #tpu.memory_space<semaphore_mem>>) src(%arg20 : memref<128x64xf32, #tpu.memory_space<vmem>>) dst(%dma_wait3A_287 : memref<10240x64xf32, #tpu.memory_space<vmem_shared>>)
        tpu.yield
      }) : () -> ()
      %mul3A_197 = arith.constant 2 : i32
      %mul3A_198 = arith.muli %mul3A_197, %scan3A_121 : i32
      %add3A_199 = arith.constant 1 : i32
      %add3A_200 = arith.addi %mul3A_198, %add3A_199 : i32
      %add3A_201 = arith.constant 1 : i32
      %add3A_202 = arith.addi %add3A_200, %add3A_201 : i32
      %mul3A_203 = arith.constant 128 : i32
      %mul3A_204 = arith.muli %add3A_202, %mul3A_203 : i32
      %add3A_205 = arith.addi %mul3A_2, %mul3A_204 : i32
      %add3A_206 = arith.addi %mul3A_38, %add3A_202 : i32
      %dma_start3A_207 = arith.constant 0 : i32
      %dma_start3A_208 = arith.constant 0 : i32
      %dma_start3A_209 = tpu.memref_slice %arg5[%add3A_206, %dma_start3A_207, %dma_start3A_208] : memref<2593x2x128xi32, #tpu.memory_space<hbm>> -> memref<1x2x128xi32, #tpu.memory_space<hbm>>
      %dma_start3A_210 = tpu.memref_squeeze %dma_start3A_209 : memref<1x2x128xi32, #tpu.memory_space<hbm>> -> memref<2x128xi32, #tpu.memory_space<hbm>>
      %dma_start3A_211 = arith.constant 0 : i32
      %dma_start3A_212 = arith.constant 0 : i32
      %dma_start3A_213 = tpu.memref_slice %arg5[%add3A_206, %dma_start3A_211, %dma_start3A_212] : memref<2593x2x128xi32, #tpu.memory_space<hbm>> -> memref<1x2x128xi32, #tpu.memory_space<hbm>>
      %dma_start3A_214 = tpu.memref_squeeze %dma_start3A_213 : memref<1x2x128xi32, #tpu.memory_space<hbm>> -> memref<2x128xi32, #tpu.memory_space<hbm>>
      tpu.enqueue_dma source(%dma_start3A_214 : memref<2x128xi32, #tpu.memory_space<hbm>>) target(%arg15 : memref<2x128xi32, #tpu.memory_space<vmem>>) target_semaphore(%arg23 : memref<!tpu.dma_semaphore, #tpu.memory_space<semaphore_mem>>)
      %dma_start3A_215 = arith.constant 0 : i32
      %dma_start3A_216 = tpu.memref_slice %arg9[%arg0, %add3A_205, %dma_start3A_215] : memref<2x331904x16xf32, #tpu.memory_space<hbm>> -> memref<1x128x16xf32, #tpu.memory_space<hbm>>
      %dma_start3A_217 = tpu.memref_squeeze %dma_start3A_216 : memref<1x128x16xf32, #tpu.memory_space<hbm>> -> memref<128x16xf32, #tpu.memory_space<hbm>>
      %dma_start3A_218 = arith.constant 0 : i32
      %dma_start3A_219 = tpu.memref_slice %arg9[%arg0, %add3A_205, %dma_start3A_218] : memref<2x331904x16xf32, #tpu.memory_space<hbm>> -> memref<1x128x16xf32, #tpu.memory_space<hbm>>
      %dma_start3A_220 = tpu.memref_squeeze %dma_start3A_219 : memref<1x128x16xf32, #tpu.memory_space<hbm>> -> memref<128x16xf32, #tpu.memory_space<hbm>>
      tpu.enqueue_dma source(%dma_start3A_220 : memref<128x16xf32, #tpu.memory_space<hbm>>) target(%arg17 : memref<128x16xf32, #tpu.memory_space<vmem>>) target_semaphore(%arg23 : memref<!tpu.dma_semaphore, #tpu.memory_space<semaphore_mem>>)
      %dma_wait3A_221 = arith.constant 0 : i32
      %dma_wait3A_222 = arith.constant 0 : i32
      %dma_wait3A_223 = arith.constant 0 : i32
      %dma_wait3A_224 = tpu.memref_slice %arg5[%dma_wait3A_221, %dma_wait3A_222, %dma_wait3A_223] : memref<2593x2x128xi32, #tpu.memory_space<hbm>> -> memref<1x2x128xi32, #tpu.memory_space<hbm>>
      %dma_wait3A_225 = tpu.memref_squeeze %dma_wait3A_224 : memref<1x2x128xi32, #tpu.memory_space<hbm>> -> memref<2x128xi32, #tpu.memory_space<hbm>>
      %dma_wait3A_226 = arith.constant 0 : i32
      %dma_wait3A_227 = arith.constant 0 : i32
      %dma_wait3A_228 = tpu.memref_slice %arg5[%dma_wait3A_221, %dma_wait3A_226, %dma_wait3A_227] : memref<2593x2x128xi32, #tpu.memory_space<hbm>> -> memref<1x2x128xi32, #tpu.memory_space<hbm>>
      %dma_wait3A_229 = tpu.memref_squeeze %dma_wait3A_228 : memref<1x2x128xi32, #tpu.memory_space<hbm>> -> memref<2x128xi32, #tpu.memory_space<hbm>>
      tpu.wait_dma2 semaphore(%arg24 : memref<!tpu.dma_semaphore, #tpu.memory_space<semaphore_mem>>) src(%dma_wait3A_229 : memref<2x128xi32, #tpu.memory_space<hbm>>) dst(%arg16 : memref<2x128xi32, #tpu.memory_space<vmem>>)
      %dma_wait3A_230 = arith.constant 0 : i32
      %dma_wait3A_231 = arith.constant 0 : i32
      %dma_wait3A_232 = tpu.memref_slice %arg9[%arg0, %dma_wait3A_230, %dma_wait3A_231] : memref<2x331904x16xf32, #tpu.memory_space<hbm>> -> memref<1x128x16xf32, #tpu.memory_space<hbm>>
      %dma_wait3A_233 = tpu.memref_squeeze %dma_wait3A_232 : memref<1x128x16xf32, #tpu.memory_space<hbm>> -> memref<128x16xf32, #tpu.memory_space<hbm>>
      %dma_wait3A_234 = arith.constant 0 : i32
      %dma_wait3A_235 = arith.constant 0 : i32
      %dma_wait3A_236 = tpu.memref_slice %arg9[%arg0, %dma_wait3A_234, %dma_wait3A_235] : memref<2x331904x16xf32, #tpu.memory_space<hbm>> -> memref<1x128x16xf32, #tpu.memory_space<hbm>>
      %dma_wait3A_237 = tpu.memref_squeeze %dma_wait3A_236 : memref<1x128x16xf32, #tpu.memory_space<hbm>> -> memref<128x16xf32, #tpu.memory_space<hbm>>
      tpu.wait_dma2 semaphore(%arg24 : memref<!tpu.dma_semaphore, #tpu.memory_space<semaphore_mem>>) src(%dma_wait3A_237 : memref<128x16xf32, #tpu.memory_space<hbm>>) dst(%arg18 : memref<128x16xf32, #tpu.memory_space<vmem>>)
      %dma_start3A_238 = arith.constant 1 : i32
      %dma_start3A_239 = arith.constant 0 : i32
      %dma_start3A_240 = tpu.memref_slice %arg16[%dma_start3A_238, %dma_start3A_239] : memref<2x128xi32, #tpu.memory_space<vmem>> -> memref<1x128xi32, #tpu.memory_space<vmem>>
      %dma_start3A_241 = tpu.memref_squeeze %dma_start3A_240 : memref<1x128xi32, #tpu.memory_space<vmem>> -> memref<128xi32, #tpu.memory_space<vmem>>
      %dma_start3A_242 = arith.constant 0 : i32
      %dma_start3A_243 = arith.constant 0 : i32
      %dma_start3A_244 = tpu.memref_slice %arg14[%dma_start3A_242, %dma_start3A_243] : memref<10240x16xf32, #tpu.memory_space<vmem_shared>> -> memref<10240x16xf32, #tpu.memory_space<vmem_shared>>
      tpu.enqueue_indirect_dma source(%dma_start3A_244 : memref<10240x16xf32, #tpu.memory_space<vmem_shared>>) target(%arg19 : memref<128x16xf32, #tpu.memory_space<vmem>>) offsets(%dma_start3A_241 : memref<128xi32, #tpu.memory_space<vmem>>) semaphore(%arg21 : memref<!tpu.dma_semaphore, #tpu.memory_space<semaphore_mem>>)
      %dma_start3A_245 = arith.constant 0 : i32
      %dma_start3A_246 = arith.constant 0 : i32
      %dma_start3A_247 = tpu.memref_slice %arg16[%dma_start3A_245, %dma_start3A_246] : memref<2x128xi32, #tpu.memory_space<vmem>> -> memref<1x128xi32, #tpu.memory_space<vmem>>
      %dma_start3A_248 = tpu.memref_squeeze %dma_start3A_247 : memref<1x128xi32, #tpu.memory_space<vmem>> -> memref<128xi32, #tpu.memory_space<vmem>>
      %dma_start3A_249 = arith.constant 0 : i32
      %dma_start3A_250 = arith.constant 0 : i32
      %dma_start3A_251 = tpu.memref_slice %arg10[%dma_start3A_249, %dma_start3A_250] : memref<10240x64xf32, #tpu.memory_space<vmem_shared>> -> memref<10240x64xf32, #tpu.memory_space<vmem_shared>>
      tpu.enqueue_indirect_dma source(%dma_start3A_251 : memref<10240x64xf32, #tpu.memory_space<vmem_shared>>) target(%arg20 : memref<128x64xf32, #tpu.memory_space<vmem>>) offsets(%dma_start3A_248 : memref<128xi32, #tpu.memory_space<vmem>>) semaphore(%arg22 : memref<!tpu.dma_semaphore, #tpu.memory_space<semaphore_mem>>)
      %dma_wait3A_252 = arith.constant 1 : i32
      %dma_wait3A_253 = arith.constant 0 : i32
      %dma_wait3A_254 = tpu.memref_slice %arg16[%dma_wait3A_252, %dma_wait3A_253] : memref<2x128xi32, #tpu.memory_space<vmem>> -> memref<1x128xi32, #tpu.memory_space<vmem>>
      %dma_wait3A_255 = tpu.memref_squeeze %dma_wait3A_254 : memref<1x128xi32, #tpu.memory_space<vmem>> -> memref<128xi32, #tpu.memory_space<vmem>>
      %dma_wait3A_256 = arith.constant 0 : i32
      %dma_wait3A_257 = arith.constant 0 : i32
      %dma_wait3A_258 = tpu.memref_slice %arg14[%dma_wait3A_256, %dma_wait3A_257] : memref<10240x16xf32, #tpu.memory_space<vmem_shared>> -> memref<10240x16xf32, #tpu.memory_space<vmem_shared>>
      tpu.wait_indirect_dma semaphore(%arg21 : memref<!tpu.dma_semaphore, #tpu.memory_space<semaphore_mem>>) src(%dma_wait3A_258 : memref<10240x16xf32, #tpu.memory_space<vmem_shared>>) dst(%arg19 : memref<128x16xf32, #tpu.memory_space<vmem>>)
      %dma_wait3A_259 = arith.constant 0 : i32
      %dma_wait3A_260 = arith.constant 0 : i32
      %dma_wait3A_261 = tpu.memref_slice %arg16[%dma_wait3A_259, %dma_wait3A_260] : memref<2x128xi32, #tpu.memory_space<vmem>> -> memref<1x128xi32, #tpu.memory_space<vmem>>
      %dma_wait3A_262 = tpu.memref_squeeze %dma_wait3A_261 : memref<1x128xi32, #tpu.memory_space<vmem>> -> memref<128xi32, #tpu.memory_space<vmem>>
      %dma_wait3A_263 = arith.constant 0 : i32
      %dma_wait3A_264 = arith.constant 0 : i32
      %dma_wait3A_265 = tpu.memref_slice %arg10[%dma_wait3A_263, %dma_wait3A_264] : memref<10240x64xf32, #tpu.memory_space<vmem_shared>> -> memref<10240x64xf32, #tpu.memory_space<vmem_shared>>
      tpu.wait_indirect_dma semaphore(%arg22 : memref<!tpu.dma_semaphore, #tpu.memory_space<semaphore_mem>>) src(%dma_wait3A_265 : memref<10240x64xf32, #tpu.memory_space<vmem_shared>>) dst(%arg20 : memref<128x64xf32, #tpu.memory_space<vmem>>)
      %scan3A_266 = arith.constant 0 : i32
      %scan3A_267 = arith.constant 0 : i32
      %scan3A_268 = arith.constant 32 : i32
      %scan3A_269 = arith.addi %scan3A_267, %scan3A_268 : i32
      %scan3A_270 = arith.constant 1 : i32
      %scan3A_271 = scf.for %scan3A_275 = %scan3A_267 to %scan3A_269 step %scan3A_270 iter_args(%scan3A_276 = %scan3A_266) -> (i32)  : i32 {
        %mul3A_277 = arith.constant 4 : i32
        %mul3A_278 = arith.muli %scan3A_275, %mul3A_277 : i32
        %add3A_279 = arith.constant 0 : i32
        %add3A_280 = arith.addi %mul3A_278, %add3A_279 : i32
        %get3A = arith.index_cast %add3A_280 : i32 to index
        %get3A_281 = arith.constant 0 : index
        %get3A_282 = tpu.vector_load %arg18[%get3A, %get3A_281] {strides = array<i32>} : memref<128x16xf32, #tpu.memory_space<vmem>>, vector<1x16xf32>,
        %get3A_283 = vector.shape_cast %get3A_282 : vector<1x16xf32> to vector<16xf32>
        %get3A_284 = arith.index_cast %add3A_280 : i32 to index
        %get3A_285 = arith.constant 0 : index
        %get3A_286 = tpu.vector_load %arg19[%get3A_284, %get3A_285] {strides = array<i32>} : memref<128x16xf32, #tpu.memory_space<vmem>>, vector<1x16xf32>,
        %get3A_287 = vector.shape_cast %get3A_286 : vector<1x16xf32> to vector<16xf32>
        %mul3A_288 = arith.mulf %get3A_283, %get3A_287 : vector<16xf32>
        %broadcast_in_dim3A = arith.constant 0 : i32
        %broadcast_in_dim3A_289 = vector.broadcast %broadcast_in_dim3A : i32 to vector<16x1xi32>
        %gather3A = vector.shape_cast %broadcast_in_dim3A_289 : vector<16x1xi32> to vector<16xi32>
        %gather3A_290 = tpu.dynamic_gather %mul3A_288[%gather3A] in [0] : vector<16xf32>, vector<16xi32> -> vector<16xf32>
        %get3A_291 = arith.index_cast %add3A_280 : i32 to index
        %get3A_292 = arith.constant 0 : index
        %get3A_293 = tpu.vector_load %arg20[%get3A_291, %get3A_292] {strides = array<i32>} : memref<128x64xf32, #tpu.memory_space<vmem>>, vector<1x16xf32>,
        %get3A_294 = vector.shape_cast %get3A_293 : vector<1x16xf32> to vector<16xf32>
        %mul3A_295 = arith.mulf %get3A_294, %gather3A_290 : vector<16xf32>
        %swap3A = arith.index_cast %add3A_280 : i32 to index
        %swap3A_296 = arith.constant 0 : index
        %swap3A_297 = tpu.vector_load %arg20[%swap3A, %swap3A_296] {strides = array<i32>} : memref<128x64xf32, #tpu.memory_space<vmem>>, vector<1x16xf32>,
        %swap3A_298 = vector.shape_cast %swap3A_297 : vector<1x16xf32> to vector<16xf32>
        %swap3A_299 = vector.shape_cast %mul3A_295 : vector<16xf32> to vector<1x16xf32>
        tpu.vector_store %arg20[%swap3A, %swap3A_296], %swap3A_299 {strides = array<i32>} : memref<128x64xf32, #tpu.memory_space<vmem>>, vector<1x16xf32>,
        %broadcast_in_dim3A_300 = arith.constant 1 : i32
        %broadcast_in_dim3A_301 = vector.broadcast %broadcast_in_dim3A_300 : i32 to vector<16x1xi32>
        %gather3A_302 = vector.shape_cast %broadcast_in_dim3A_301 : vector<16x1xi32> to vector<16xi32>
        %gather3A_303 = tpu.dynamic_gather %mul3A_288[%gather3A_302] in [0] : vector<16xf32>, vector<16xi32> -> vector<16xf32>
        %get3A_304 = arith.index_cast %add3A_280 : i32 to index
        %get3A_305 = arith.constant 16 : index
        %get3A_306 = tpu.vector_load %arg20[%get3A_304, %get3A_305] {strides = array<i32>} : memref<128x64xf32, #tpu.memory_space<vmem>>, vector<1x16xf32>,
        %get3A_307 = vector.shape_cast %get3A_306 : vector<1x16xf32> to vector<16xf32>
        %mul3A_308 = arith.mulf %get3A_307, %gather3A_303 : vector<16xf32>
        %swap3A_309 = arith.index_cast %add3A_280 : i32 to index
        %swap3A_310 = arith.constant 16 : index
        %swap3A_311 = tpu.vector_load %arg20[%swap3A_309, %swap3A_310] {strides = array<i32>} : memref<128x64xf32, #tpu.memory_space<vmem>>, vector<1x16xf32>,
        %swap3A_312 = vector.shape_cast %swap3A_311 : vector<1x16xf32> to vector<16xf32>
        %swap3A_313 = vector.shape_cast %mul3A_308 : vector<16xf32> to vector<1x16xf32>
        tpu.vector_store %arg20[%swap3A_309, %swap3A_310], %swap3A_313 {strides = array<i32>} : memref<128x64xf32, #tpu.memory_space<vmem>>, vector<1x16xf32>,
        %broadcast_in_dim3A_314 = arith.constant 2 : i32
        %broadcast_in_dim3A_315 = vector.broadcast %broadcast_in_dim3A_314 : i32 to vector<16x1xi32>
        %gather3A_316 = vector.shape_cast %broadcast_in_dim3A_315 : vector<16x1xi32> to vector<16xi32>
        %gather3A_317 = tpu.dynamic_gather %mul3A_288[%gather3A_316] in [0] : vector<16xf32>, vector<16xi32> -> vector<16xf32>
        %get3A_318 = arith.index_cast %add3A_280 : i32 to index
        %get3A_319 = arith.constant 32 : index
        %get3A_320 = tpu.vector_load %arg20[%get3A_318, %get3A_319] {strides = array<i32>} : memref<128x64xf32, #tpu.memory_space<vmem>>, vector<1x16xf32>,
        %get3A_321 = vector.shape_cast %get3A_320 : vector<1x16xf32> to vector<16xf32>
        %mul3A_322 = arith.mulf %get3A_321, %gather3A_317 : vector<16xf32>
        %swap3A_323 = arith.index_cast %add3A_280 : i32 to index
        %swap3A_324 = arith.constant 32 : index
        %swap3A_325 = tpu.vector_load %arg20[%swap3A_323, %swap3A_324] {strides = array<i32>} : memref<128x64xf32, #tpu.memory_space<vmem>>, vector<1x16xf32>,
        %swap3A_326 = vector.shape_cast %swap3A_325 : vector<1x16xf32> to vector<16xf32>
        %swap3A_327 = vector.shape_cast %mul3A_322 : vector<16xf32> to vector<1x16xf32>
        tpu.vector_store %arg20[%swap3A_323, %swap3A_324], %swap3A_327 {strides = array<i32>} : memref<128x64xf32, #tpu.memory_space<vmem>>, vector<1x16xf32>,
        %broadcast_in_dim3A_328 = arith.constant 3 : i32
        %broadcast_in_dim3A_329 = vector.broadcast %broadcast_in_dim3A_328 : i32 to vector<16x1xi32>
        %gather3A_330 = vector.shape_cast %broadcast_in_dim3A_329 : vector<16x1xi32> to vector<16xi32>
        %gather3A_331 = tpu.dynamic_gather %mul3A_288[%gather3A_330] in [0] : vector<16xf32>, vector<16xi32> -> vector<16xf32>
        %get3A_332 = arith.index_cast %add3A_280 : i32 to index
        %get3A_333 = arith.constant 48 : index
        %get3A_334 = tpu.vector_load %arg20[%get3A_332, %get3A_333] {strides = array<i32>} : memref<128x64xf32, #tpu.memory_space<vmem>>, vector<1x16xf32>,
        %get3A_335 = vector.shape_cast %get3A_334 : vector<1x16xf32> to vector<16xf32>
        %mul3A_336 = arith.mulf %get3A_335, %gather3A_331 : vector<16xf32>
        %swap3A_337 = arith.index_cast %add3A_280 : i32 to index
        %swap3A_338 = arith.constant 48 : index
        %swap3A_339 = tpu.vector_load %arg20[%swap3A_337, %swap3A_338] {strides = array<i32>} : memref<128x64xf32, #tpu.memory_space<vmem>>, vector<1x16xf32>,
        %swap3A_340 = vector.shape_cast %swap3A_339 : vector<1x16xf32> to vector<16xf32>
        %swap3A_341 = vector.shape_cast %mul3A_336 : vector<16xf32> to vector<1x16xf32>
        tpu.vector_store %arg20[%swap3A_337, %swap3A_338], %swap3A_341 {strides = array<i32>} : memref<128x64xf32, #tpu.memory_space<vmem>>, vector<1x16xf32>,
        %mul3A_342 = arith.constant 4 : i32
        %mul3A_343 = arith.muli %scan3A_275, %mul3A_342 : i32
        %add3A_344 = arith.constant 1 : i32
        %add3A_345 = arith.addi %mul3A_343, %add3A_344 : i32
        %get3A_346 = arith.index_cast %add3A_345 : i32 to index
        %get3A_347 = arith.constant 0 : index
        %get3A_348 = tpu.vector_load %arg18[%get3A_346, %get3A_347] {strides = array<i32>} : memref<128x16xf32, #tpu.memory_space<vmem>>, vector<1x16xf32>,
        %get3A_349 = vector.shape_cast %get3A_348 : vector<1x16xf32> to vector<16xf32>
        %get3A_350 = arith.index_cast %add3A_345 : i32 to index
        %get3A_351 = arith.constant 0 : index
        %get3A_352 = tpu.vector_load %arg19[%get3A_350, %get3A_351] {strides = array<i32>} : memref<128x16xf32, #tpu.memory_space<vmem>>, vector<1x16xf32>,
        %get3A_353 = vector.shape_cast %get3A_352 : vector<1x16xf32> to vector<16xf32>
        %mul3A_354 = arith.mulf %get3A_349, %get3A_353 : vector<16xf32>
        %broadcast_in_dim3A_355 = arith.constant 0 : i32
        %broadcast_in_dim3A_356 = vector.broadcast %broadcast_in_dim3A_355 : i32 to vector<16x1xi32>
        %gather3A_357 = vector.shape_cast %broadcast_in_dim3A_356 : vector<16x1xi32> to vector<16xi32>
        %gather3A_358 = tpu.dynamic_gather %mul3A_354[%gather3A_357] in [0] : vector<16xf32>, vector<16xi32> -> vector<16xf32>
        %get3A_359 = arith.index_cast %add3A_345 : i32 to index
        %get3A_360 = arith.constant 0 : index
        %get3A_361 = tpu.vector_load %arg20[%get3A_359, %get3A_360] {strides = array<i32>} : memref<128x64xf32, #tpu.memory_space<vmem>>, vector<1x16xf32>,
        %get3A_362 = vector.shape_cast %get3A_361 : vector<1x16xf32> to vector<16xf32>
        %mul3A_363 = arith.mulf %get3A_362, %gather3A_358 : vector<16xf32>
        %swap3A_364 = arith.index_cast %add3A_345 : i32 to index
        %swap3A_365 = arith.constant 0 : index
        %swap3A_366 = tpu.vector_load %arg20[%swap3A_364, %swap3A_365] {strides = array<i32>} : memref<128x64xf32, #tpu.memory_space<vmem>>, vector<1x16xf32>,
        %swap3A_367 = vector.shape_cast %swap3A_366 : vector<1x16xf32> to vector<16xf32>
        %swap3A_368 = vector.shape_cast %mul3A_363 : vector<16xf32> to vector<1x16xf32>
        tpu.vector_store %arg20[%swap3A_364, %swap3A_365], %swap3A_368 {strides = array<i32>} : memref<128x64xf32, #tpu.memory_space<vmem>>, vector<1x16xf32>,
        %broadcast_in_dim3A_369 = arith.constant 1 : i32
        %broadcast_in_dim3A_370 = vector.broadcast %broadcast_in_dim3A_369 : i32 to vector<16x1xi32>
        %gather3A_371 = vector.shape_cast %broadcast_in_dim3A_370 : vector<16x1xi32> to vector<16xi32>
        %gather3A_372 = tpu.dynamic_gather %mul3A_354[%gather3A_371] in [0] : vector<16xf32>, vector<16xi32> -> vector<16xf32>
        %get3A_373 = arith.index_cast %add3A_345 : i32 to index
        %get3A_374 = arith.constant 16 : index
        %get3A_375 = tpu.vector_load %arg20[%get3A_373, %get3A_374] {strides = array<i32>} : memref<128x64xf32, #tpu.memory_space<vmem>>, vector<1x16xf32>,
        %get3A_376 = vector.shape_cast %get3A_375 : vector<1x16xf32> to vector<16xf32>
        %mul3A_377 = arith.mulf %get3A_376, %gather3A_372 : vector<16xf32>
        %swap3A_378 = arith.index_cast %add3A_345 : i32 to index
        %swap3A_379 = arith.constant 16 : index
        %swap3A_380 = tpu.vector_load %arg20[%swap3A_378, %swap3A_379] {strides = array<i32>} : memref<128x64xf32, #tpu.memory_space<vmem>>, vector<1x16xf32>,
        %swap3A_381 = vector.shape_cast %swap3A_380 : vector<1x16xf32> to vector<16xf32>
        %swap3A_382 = vector.shape_cast %mul3A_377 : vector<16xf32> to vector<1x16xf32>
        tpu.vector_store %arg20[%swap3A_378, %swap3A_379], %swap3A_382 {strides = array<i32>} : memref<128x64xf32, #tpu.memory_space<vmem>>, vector<1x16xf32>,
        %broadcast_in_dim3A_383 = arith.constant 2 : i32
        %broadcast_in_dim3A_384 = vector.broadcast %broadcast_in_dim3A_383 : i32 to vector<16x1xi32>
        %gather3A_385 = vector.shape_cast %broadcast_in_dim3A_384 : vector<16x1xi32> to vector<16xi32>
        %gather3A_386 = tpu.dynamic_gather %mul3A_354[%gather3A_385] in [0] : vector<16xf32>, vector<16xi32> -> vector<16xf32>
        %get3A_387 = arith.index_cast %add3A_345 : i32 to index
        %get3A_388 = arith.constant 32 : index
        %get3A_389 = tpu.vector_load %arg20[%get3A_387, %get3A_388] {strides = array<i32>} : memref<128x64xf32, #tpu.memory_space<vmem>>, vector<1x16xf32>,
        %get3A_390 = vector.shape_cast %get3A_389 : vector<1x16xf32> to vector<16xf32>
        %mul3A_391 = arith.mulf %get3A_390, %gather3A_386 : vector<16xf32>
        %swap3A_392 = arith.index_cast %add3A_345 : i32 to index
        %swap3A_393 = arith.constant 32 : index
        %swap3A_394 = tpu.vector_load %arg20[%swap3A_392, %swap3A_393] {strides = array<i32>} : memref<128x64xf32, #tpu.memory_space<vmem>>, vector<1x16xf32>,
        %swap3A_395 = vector.shape_cast %swap3A_394 : vector<1x16xf32> to vector<16xf32>
        %swap3A_396 = vector.shape_cast %mul3A_391 : vector<16xf32> to vector<1x16xf32>
        tpu.vector_store %arg20[%swap3A_392, %swap3A_393], %swap3A_396 {strides = array<i32>} : memref<128x64xf32, #tpu.memory_space<vmem>>, vector<1x16xf32>,
        %broadcast_in_dim3A_397 = arith.constant 3 : i32
        %broadcast_in_dim3A_398 = vector.broadcast %broadcast_in_dim3A_397 : i32 to vector<16x1xi32>
        %gather3A_399 = vector.shape_cast %broadcast_in_dim3A_398 : vector<16x1xi32> to vector<16xi32>
        %gather3A_400 = tpu.dynamic_gather %mul3A_354[%gather3A_399] in [0] : vector<16xf32>, vector<16xi32> -> vector<16xf32>
        %get3A_401 = arith.index_cast %add3A_345 : i32 to index
        %get3A_402 = arith.constant 48 : index
        %get3A_403 = tpu.vector_load %arg20[%get3A_401, %get3A_402] {strides = array<i32>} : memref<128x64xf32, #tpu.memory_space<vmem>>, vector<1x16xf32>,
        %get3A_404 = vector.shape_cast %get3A_403 : vector<1x16xf32> to vector<16xf32>
        %mul3A_405 = arith.mulf %get3A_404, %gather3A_400 : vector<16xf32>
        %swap3A_406 = arith.index_cast %add3A_345 : i32 to index
        %swap3A_407 = arith.constant 48 : index
        %swap3A_408 = tpu.vector_load %arg20[%swap3A_406, %swap3A_407] {strides = array<i32>} : memref<128x64xf32, #tpu.memory_space<vmem>>, vector<1x16xf32>,
        %swap3A_409 = vector.shape_cast %swap3A_408 : vector<1x16xf32> to vector<16xf32>
        %swap3A_410 = vector.shape_cast %mul3A_405 : vector<16xf32> to vector<1x16xf32>
        tpu.vector_store %arg20[%swap3A_406, %swap3A_407], %swap3A_410 {strides = array<i32>} : memref<128x64xf32, #tpu.memory_space<vmem>>, vector<1x16xf32>,
        %mul3A_411 = arith.constant 4 : i32
        %mul3A_412 = arith.muli %scan3A_275, %mul3A_411 : i32
        %add3A_413 = arith.constant 2 : i32
        %add3A_414 = arith.addi %mul3A_412, %add3A_413 : i32
        %get3A_415 = arith.index_cast %add3A_414 : i32 to index
        %get3A_416 = arith.constant 0 : index
        %get3A_417 = tpu.vector_load %arg18[%get3A_415, %get3A_416] {strides = array<i32>} : memref<128x16xf32, #tpu.memory_space<vmem>>, vector<1x16xf32>,
        %get3A_418 = vector.shape_cast %get3A_417 : vector<1x16xf32> to vector<16xf32>
        %get3A_419 = arith.index_cast %add3A_414 : i32 to index
        %get3A_420 = arith.constant 0 : index
        %get3A_421 = tpu.vector_load %arg19[%get3A_419, %get3A_420] {strides = array<i32>} : memref<128x16xf32, #tpu.memory_space<vmem>>, vector<1x16xf32>,
        %get3A_422 = vector.shape_cast %get3A_421 : vector<1x16xf32> to vector<16xf32>
        %mul3A_423 = arith.mulf %get3A_418, %get3A_422 : vector<16xf32>
        %broadcast_in_dim3A_424 = arith.constant 0 : i32
        %broadcast_in_dim3A_425 = vector.broadcast %broadcast_in_dim3A_424 : i32 to vector<16x1xi32>
        %gather3A_426 = vector.shape_cast %broadcast_in_dim3A_425 : vector<16x1xi32> to vector<16xi32>
        %gather3A_427 = tpu.dynamic_gather %mul3A_423[%gather3A_426] in [0] : vector<16xf32>, vector<16xi32> -> vector<16xf32>
        %get3A_428 = arith.index_cast %add3A_414 : i32 to index
        %get3A_429 = arith.constant 0 : index
        %get3A_430 = tpu.vector_load %arg20[%get3A_428, %get3A_429] {strides = array<i32>} : memref<128x64xf32, #tpu.memory_space<vmem>>, vector<1x16xf32>,
        %get3A_431 = vector.shape_cast %get3A_430 : vector<1x16xf32> to vector<16xf32>
        %mul3A_432 = arith.mulf %get3A_431, %gather3A_427 : vector<16xf32>
        %swap3A_433 = arith.index_cast %add3A_414 : i32 to index
        %swap3A_434 = arith.constant 0 : index
        %swap3A_435 = tpu.vector_load %arg20[%swap3A_433, %swap3A_434] {strides = array<i32>} : memref<128x64xf32, #tpu.memory_space<vmem>>, vector<1x16xf32>,
        %swap3A_436 = vector.shape_cast %swap3A_435 : vector<1x16xf32> to vector<16xf32>
        %swap3A_437 = vector.shape_cast %mul3A_432 : vector<16xf32> to vector<1x16xf32>
        tpu.vector_store %arg20[%swap3A_433, %swap3A_434], %swap3A_437 {strides = array<i32>} : memref<128x64xf32, #tpu.memory_space<vmem>>, vector<1x16xf32>,
        %broadcast_in_dim3A_438 = arith.constant 1 : i32
        %broadcast_in_dim3A_439 = vector.broadcast %broadcast_in_dim3A_438 : i32 to vector<16x1xi32>
        %gather3A_440 = vector.shape_cast %broadcast_in_dim3A_439 : vector<16x1xi32> to vector<16xi32>
        %gather3A_441 = tpu.dynamic_gather %mul3A_423[%gather3A_440] in [0] : vector<16xf32>, vector<16xi32> -> vector<16xf32>
        %get3A_442 = arith.index_cast %add3A_414 : i32 to index
        %get3A_443 = arith.constant 16 : index
        %get3A_444 = tpu.vector_load %arg20[%get3A_442, %get3A_443] {strides = array<i32>} : memref<128x64xf32, #tpu.memory_space<vmem>>, vector<1x16xf32>,
        %get3A_445 = vector.shape_cast %get3A_444 : vector<1x16xf32> to vector<16xf32>
        %mul3A_446 = arith.mulf %get3A_445, %gather3A_441 : vector<16xf32>
        %swap3A_447 = arith.index_cast %add3A_414 : i32 to index
        %swap3A_448 = arith.constant 16 : index
        %swap3A_449 = tpu.vector_load %arg20[%swap3A_447, %swap3A_448] {strides = array<i32>} : memref<128x64xf32, #tpu.memory_space<vmem>>, vector<1x16xf32>,
        %swap3A_450 = vector.shape_cast %swap3A_449 : vector<1x16xf32> to vector<16xf32>
        %swap3A_451 = vector.shape_cast %mul3A_446 : vector<16xf32> to vector<1x16xf32>
        tpu.vector_store %arg20[%swap3A_447, %swap3A_448], %swap3A_451 {strides = array<i32>} : memref<128x64xf32, #tpu.memory_space<vmem>>, vector<1x16xf32>,
        %broadcast_in_dim3A_452 = arith.constant 2 : i32
        %broadcast_in_dim3A_453 = vector.broadcast %broadcast_in_dim3A_452 : i32 to vector<16x1xi32>
        %gather3A_454 = vector.shape_cast %broadcast_in_dim3A_453 : vector<16x1xi32> to vector<16xi32>
        %gather3A_455 = tpu.dynamic_gather %mul3A_423[%gather3A_454] in [0] : vector<16xf32>, vector<16xi32> -> vector<16xf32>
        %get3A_456 = arith.index_cast %add3A_414 : i32 to index
        %get3A_457 = arith.constant 32 : index
        %get3A_458 = tpu.vector_load %arg20[%get3A_456, %get3A_457] {strides = array<i32>} : memref<128x64xf32, #tpu.memory_space<vmem>>, vector<1x16xf32>,
        %get3A_459 = vector.shape_cast %get3A_458 : vector<1x16xf32> to vector<16xf32>
        %mul3A_460 = arith.mulf %get3A_459, %gather3A_455 : vector<16xf32>
        %swap3A_461 = arith.index_cast %add3A_414 : i32 to index
        %swap3A_462 = arith.constant 32 : index
        %swap3A_463 = tpu.vector_load %arg20[%swap3A_461, %swap3A_462] {strides = array<i32>} : memref<128x64xf32, #tpu.memory_space<vmem>>, vector<1x16xf32>,
        %swap3A_464 = vector.shape_cast %swap3A_463 : vector<1x16xf32> to vector<16xf32>
        %swap3A_465 = vector.shape_cast %mul3A_460 : vector<16xf32> to vector<1x16xf32>
        tpu.vector_store %arg20[%swap3A_461, %swap3A_462], %swap3A_465 {strides = array<i32>} : memref<128x64xf32, #tpu.memory_space<vmem>>, vector<1x16xf32>,
        %broadcast_in_dim3A_466 = arith.constant 3 : i32
        %broadcast_in_dim3A_467 = vector.broadcast %broadcast_in_dim3A_466 : i32 to vector<16x1xi32>
        %gather3A_468 = vector.shape_cast %broadcast_in_dim3A_467 : vector<16x1xi32> to vector<16xi32>
        %gather3A_469 = tpu.dynamic_gather %mul3A_423[%gather3A_468] in [0] : vector<16xf32>, vector<16xi32> -> vector<16xf32>
        %get3A_470 = arith.index_cast %add3A_414 : i32 to index
        %get3A_471 = arith.constant 48 : index
        %get3A_472 = tpu.vector_load %arg20[%get3A_470, %get3A_471] {strides = array<i32>} : memref<128x64xf32, #tpu.memory_space<vmem>>, vector<1x16xf32>,
        %get3A_473 = vector.shape_cast %get3A_472 : vector<1x16xf32> to vector<16xf32>
        %mul3A_474 = arith.mulf %get3A_473, %gather3A_469 : vector<16xf32>
        %swap3A_475 = arith.index_cast %add3A_414 : i32 to index
        %swap3A_476 = arith.constant 48 : index
        %swap3A_477 = tpu.vector_load %arg20[%swap3A_475, %swap3A_476] {strides = array<i32>} : memref<128x64xf32, #tpu.memory_space<vmem>>, vector<1x16xf32>,
        %swap3A_478 = vector.shape_cast %swap3A_477 : vector<1x16xf32> to vector<16xf32>
        %swap3A_479 = vector.shape_cast %mul3A_474 : vector<16xf32> to vector<1x16xf32>
        tpu.vector_store %arg20[%swap3A_475, %swap3A_476], %swap3A_479 {strides = array<i32>} : memref<128x64xf32, #tpu.memory_space<vmem>>, vector<1x16xf32>,
        %mul3A_480 = arith.constant 4 : i32
        %mul3A_481 = arith.muli %scan3A_275, %mul3A_480 : i32
        %add3A_482 = arith.constant 3 : i32
        %add3A_483 = arith.addi %mul3A_481, %add3A_482 : i32
        %get3A_484 = arith.index_cast %add3A_483 : i32 to index
        %get3A_485 = arith.constant 0 : index
        %get3A_486 = tpu.vector_load %arg18[%get3A_484, %get3A_485] {strides = array<i32>} : memref<128x16xf32, #tpu.memory_space<vmem>>, vector<1x16xf32>,
        %get3A_487 = vector.shape_cast %get3A_486 : vector<1x16xf32> to vector<16xf32>
        %get3A_488 = arith.index_cast %add3A_483 : i32 to index
        %get3A_489 = arith.constant 0 : index
        %get3A_490 = tpu.vector_load %arg19[%get3A_488, %get3A_489] {strides = array<i32>} : memref<128x16xf32, #tpu.memory_space<vmem>>, vector<1x16xf32>,
        %get3A_491 = vector.shape_cast %get3A_490 : vector<1x16xf32> to vector<16xf32>
        %mul3A_492 = arith.mulf %get3A_487, %get3A_491 : vector<16xf32>
        %broadcast_in_dim3A_493 = arith.constant 0 : i32
        %broadcast_in_dim3A_494 = vector.broadcast %broadcast_in_dim3A_493 : i32 to vector<16x1xi32>
        %gather3A_495 = vector.shape_cast %broadcast_in_dim3A_494 : vector<16x1xi32> to vector<16xi32>
        %gather3A_496 = tpu.dynamic_gather %mul3A_492[%gather3A_495] in [0] : vector<16xf32>, vector<16xi32> -> vector<16xf32>
        %get3A_497 = arith.index_cast %add3A_483 : i32 to index
        %get3A_498 = arith.constant 0 : index
        %get3A_499 = tpu.vector_load %arg20[%get3A_497, %get3A_498] {strides = array<i32>} : memref<128x64xf32, #tpu.memory_space<vmem>>, vector<1x16xf32>,
        %get3A_500 = vector.shape_cast %get3A_499 : vector<1x16xf32> to vector<16xf32>
        %mul3A_501 = arith.mulf %get3A_500, %gather3A_496 : vector<16xf32>
        %swap3A_502 = arith.index_cast %add3A_483 : i32 to index
        %swap3A_503 = arith.constant 0 : index
        %swap3A_504 = tpu.vector_load %arg20[%swap3A_502, %swap3A_503] {strides = array<i32>} : memref<128x64xf32, #tpu.memory_space<vmem>>, vector<1x16xf32>,
        %swap3A_505 = vector.shape_cast %swap3A_504 : vector<1x16xf32> to vector<16xf32>
        %swap3A_506 = vector.shape_cast %mul3A_501 : vector<16xf32> to vector<1x16xf32>
        tpu.vector_store %arg20[%swap3A_502, %swap3A_503], %swap3A_506 {strides = array<i32>} : memref<128x64xf32, #tpu.memory_space<vmem>>, vector<1x16xf32>,
        %broadcast_in_dim3A_507 = arith.constant 1 : i32
        %broadcast_in_dim3A_508 = vector.broadcast %broadcast_in_dim3A_507 : i32 to vector<16x1xi32>
        %gather3A_509 = vector.shape_cast %broadcast_in_dim3A_508 : vector<16x1xi32> to vector<16xi32>
        %gather3A_510 = tpu.dynamic_gather %mul3A_492[%gather3A_509] in [0] : vector<16xf32>, vector<16xi32> -> vector<16xf32>
        %get3A_511 = arith.index_cast %add3A_483 : i32 to index
        %get3A_512 = arith.constant 16 : index
        %get3A_513 = tpu.vector_load %arg20[%get3A_511, %get3A_512] {strides = array<i32>} : memref<128x64xf32, #tpu.memory_space<vmem>>, vector<1x16xf32>,
        %get3A_514 = vector.shape_cast %get3A_513 : vector<1x16xf32> to vector<16xf32>
        %mul3A_515 = arith.mulf %get3A_514, %gather3A_510 : vector<16xf32>
        %swap3A_516 = arith.index_cast %add3A_483 : i32 to index
        %swap3A_517 = arith.constant 16 : index
        %swap3A_518 = tpu.vector_load %arg20[%swap3A_516, %swap3A_517] {strides = array<i32>} : memref<128x64xf32, #tpu.memory_space<vmem>>, vector<1x16xf32>,
        %swap3A_519 = vector.shape_cast %swap3A_518 : vector<1x16xf32> to vector<16xf32>
        %swap3A_520 = vector.shape_cast %mul3A_515 : vector<16xf32> to vector<1x16xf32>
        tpu.vector_store %arg20[%swap3A_516, %swap3A_517], %swap3A_520 {strides = array<i32>} : memref<128x64xf32, #tpu.memory_space<vmem>>, vector<1x16xf32>,
        %broadcast_in_dim3A_521 = arith.constant 2 : i32
        %broadcast_in_dim3A_522 = vector.broadcast %broadcast_in_dim3A_521 : i32 to vector<16x1xi32>
        %gather3A_523 = vector.shape_cast %broadcast_in_dim3A_522 : vector<16x1xi32> to vector<16xi32>
        %gather3A_524 = tpu.dynamic_gather %mul3A_492[%gather3A_523] in [0] : vector<16xf32>, vector<16xi32> -> vector<16xf32>
        %get3A_525 = arith.index_cast %add3A_483 : i32 to index
        %get3A_526 = arith.constant 32 : index
        %get3A_527 = tpu.vector_load %arg20[%get3A_525, %get3A_526] {strides = array<i32>} : memref<128x64xf32, #tpu.memory_space<vmem>>, vector<1x16xf32>,
        %get3A_528 = vector.shape_cast %get3A_527 : vector<1x16xf32> to vector<16xf32>
        %mul3A_529 = arith.mulf %get3A_528, %gather3A_524 : vector<16xf32>
        %swap3A_530 = arith.index_cast %add3A_483 : i32 to index
        %swap3A_531 = arith.constant 32 : index
        %swap3A_532 = tpu.vector_load %arg20[%swap3A_530, %swap3A_531] {strides = array<i32>} : memref<128x64xf32, #tpu.memory_space<vmem>>, vector<1x16xf32>,
        %swap3A_533 = vector.shape_cast %swap3A_532 : vector<1x16xf32> to vector<16xf32>
        %swap3A_534 = vector.shape_cast %mul3A_529 : vector<16xf32> to vector<1x16xf32>
        tpu.vector_store %arg20[%swap3A_530, %swap3A_531], %swap3A_534 {strides = array<i32>} : memref<128x64xf32, #tpu.memory_space<vmem>>, vector<1x16xf32>,
        %broadcast_in_dim3A_535 = arith.constant 3 : i32
        %broadcast_in_dim3A_536 = vector.broadcast %broadcast_in_dim3A_535 : i32 to vector<16x1xi32>
        %gather3A_537 = vector.shape_cast %broadcast_in_dim3A_536 : vector<16x1xi32> to vector<16xi32>
        %gather3A_538 = tpu.dynamic_gather %mul3A_492[%gather3A_537] in [0] : vector<16xf32>, vector<16xi32> -> vector<16xf32>
        %get3A_539 = arith.index_cast %add3A_483 : i32 to index
        %get3A_540 = arith.constant 48 : index
        %get3A_541 = tpu.vector_load %arg20[%get3A_539, %get3A_540] {strides = array<i32>} : memref<128x64xf32, #tpu.memory_space<vmem>>, vector<1x16xf32>,
        %get3A_542 = vector.shape_cast %get3A_541 : vector<1x16xf32> to vector<16xf32>
        %mul3A_543 = arith.mulf %get3A_542, %gather3A_538 : vector<16xf32>
        %swap3A_544 = arith.index_cast %add3A_483 : i32 to index
        %swap3A_545 = arith.constant 48 : index
        %swap3A_546 = tpu.vector_load %arg20[%swap3A_544, %swap3A_545] {strides = array<i32>} : memref<128x64xf32, #tpu.memory_space<vmem>>, vector<1x16xf32>,
        %swap3A_547 = vector.shape_cast %swap3A_546 : vector<1x16xf32> to vector<16xf32>
        %swap3A_548 = vector.shape_cast %mul3A_543 : vector<16xf32> to vector<1x16xf32>
        tpu.vector_store %arg20[%swap3A_544, %swap3A_545], %swap3A_548 {strides = array<i32>} : memref<128x64xf32, #tpu.memory_space<vmem>>, vector<1x16xf32>,
        %scan3A_549 = arith.constant 0 : i32
        scf.yield %scan3A_549 : i32
      }
      %scan3A_272 = arith.constant 32 : i32
      %run_scoped3A_273 = arith.constant 1 : i32
      "tpu.region"() ({
        %run_scoped3A_275 = tpu.sem_alloc : memref<!tpu.dma_semaphore, #tpu.memory_space<semaphore_mem>>
        %dma_start3A_276 = arith.constant 0 : i32
        %dma_start3A_277 = tpu.memref_slice %arg16[%run_scoped3A_273, %dma_start3A_276] : memref<2x128xi32, #tpu.memory_space<vmem>> -> memref<1x128xi32, #tpu.memory_space<vmem>>
        %dma_start3A_278 = tpu.memref_squeeze %dma_start3A_277 : memref<1x128xi32, #tpu.memory_space<vmem>> -> memref<128xi32, #tpu.memory_space<vmem>>
        %dma_start3A_279 = arith.constant 0 : i32
        %dma_start3A_280 = arith.constant 0 : i32
        %dma_start3A_281 = tpu.memref_slice %arg11[%dma_start3A_279, %dma_start3A_280] : memref<10240x64xf32, #tpu.memory_space<vmem_shared>> -> memref<10240x64xf32, #tpu.memory_space<vmem_shared>>
        tpu.enqueue_indirect_dma source(%arg20 : memref<128x64xf32, #tpu.memory_space<vmem>>) target(%dma_start3A_281 : memref<10240x64xf32, #tpu.memory_space<vmem_shared>>) offsets(%dma_start3A_278 : memref<128xi32, #tpu.memory_space<vmem>>) semaphore(%run_scoped3A_275 : memref<!tpu.dma_semaphore, #tpu.memory_space<semaphore_mem>>) {add = true}
        %dma_wait3A_282 = arith.constant 0 : i32
        %dma_wait3A_283 = tpu.memref_slice %arg16[%run_scoped3A_273, %dma_wait3A_282] : memref<2x128xi32, #tpu.memory_space<vmem>> -> memref<1x128xi32, #tpu.memory_space<vmem>>
        %dma_wait3A_284 = tpu.memref_squeeze %dma_wait3A_283 : memref<1x128xi32, #tpu.memory_space<vmem>> -> memref<128xi32, #tpu.memory_space<vmem>>
        %dma_wait3A_285 = arith.constant 0 : i32
        %dma_wait3A_286 = arith.constant 0 : i32
        %dma_wait3A_287 = tpu.memref_slice %arg11[%dma_wait3A_285, %dma_wait3A_286] : memref<10240x64xf32, #tpu.memory_space<vmem_shared>> -> memref<10240x64xf32, #tpu.memory_space<vmem_shared>>
        tpu.wait_indirect_dma semaphore(%run_scoped3A_275 : memref<!tpu.dma_semaphore, #tpu.memory_space<semaphore_mem>>) src(%arg20 : memref<128x64xf32, #tpu.memory_space<vmem>>) dst(%dma_wait3A_287 : memref<10240x64xf32, #tpu.memory_space<vmem_shared>>)
        tpu.yield
      }) : () -> ()
      %scan3A_274 = arith.constant 0 : i32
      scf.yield %scan3A_274 : i32
    }
    %scan3A_95 = arith.constant 81 : i32
    %dma_wait3A_96 = arith.constant 0 : i32
    %dma_wait3A_97 = arith.constant 0 : i32
    %dma_wait3A_98 = arith.constant 0 : i32
    %dma_wait3A_99 = tpu.memref_slice %arg5[%dma_wait3A_96, %dma_wait3A_97, %dma_wait3A_98] : memref<2593x2x128xi32, #tpu.memory_space<hbm>> -> memref<1x2x128xi32, #tpu.memory_space<hbm>>
    %dma_wait3A_100 = tpu.memref_squeeze %dma_wait3A_99 : memref<1x2x128xi32, #tpu.memory_space<hbm>> -> memref<2x128xi32, #tpu.memory_space<hbm>>
    %dma_wait3A_101 = arith.constant 0 : i32
    %dma_wait3A_102 = arith.constant 0 : i32
    %dma_wait3A_103 = tpu.memref_slice %arg5[%dma_wait3A_96, %dma_wait3A_101, %dma_wait3A_102] : memref<2593x2x128xi32, #tpu.memory_space<hbm>> -> memref<1x2x128xi32, #tpu.memory_space<hbm>>
    %dma_wait3A_104 = tpu.memref_squeeze %dma_wait3A_103 : memref<1x2x128xi32, #tpu.memory_space<hbm>> -> memref<2x128xi32, #tpu.memory_space<hbm>>
    tpu.wait_dma2 semaphore(%arg23 : memref<!tpu.dma_semaphore, #tpu.memory_space<semaphore_mem>>) src(%dma_wait3A_104 : memref<2x128xi32, #tpu.memory_space<hbm>>) dst(%arg15 : memref<2x128xi32, #tpu.memory_space<vmem>>)
    %dma_wait3A_105 = arith.constant 0 : i32
    %dma_wait3A_106 = arith.constant 0 : i32
    %dma_wait3A_107 = tpu.memref_slice %arg9[%arg0, %dma_wait3A_105, %dma_wait3A_106] : memref<2x331904x16xf32, #tpu.memory_space<hbm>> -> memref<1x128x16xf32, #tpu.memory_space<hbm>>
    %dma_wait3A_108 = tpu.memref_squeeze %dma_wait3A_107 : memref<1x128x16xf32, #tpu.memory_space<hbm>> -> memref<128x16xf32, #tpu.memory_space<hbm>>
    %dma_wait3A_109 = arith.constant 0 : i32
    %dma_wait3A_110 = arith.constant 0 : i32
    %dma_wait3A_111 = tpu.memref_slice %arg9[%arg0, %dma_wait3A_109, %dma_wait3A_110] : memref<2x331904x16xf32, #tpu.memory_space<hbm>> -> memref<1x128x16xf32, #tpu.memory_space<hbm>>
    %dma_wait3A_112 = tpu.memref_squeeze %dma_wait3A_111 : memref<1x128x16xf32, #tpu.memory_space<hbm>> -> memref<128x16xf32, #tpu.memory_space<hbm>>
    tpu.wait_dma2 semaphore(%arg23 : memref<!tpu.dma_semaphore, #tpu.memory_space<semaphore_mem>>) src(%dma_wait3A_112 : memref<128x16xf32, #tpu.memory_space<hbm>>) dst(%arg17 : memref<128x16xf32, #tpu.memory_space<vmem>>)
    %barrier3A_113 = arith.constant 0 : index
    tpu.barrier barrier_id(%barrier3A_113)
    %scan3A_114 = arith.constant 0 : i32
    %scan3A_115 = arith.constant 0 : i32
    %scan3A_116 = arith.constant 5 : i32
    %scan3A_117 = arith.addi %scan3A_115, %scan3A_116 : i32
    %scan3A_118 = arith.constant 1 : i32
    %scan3A_119 = scf.for %scan3A_121 = %scan3A_115 to %scan3A_117 step %scan3A_118 iter_args(%scan3A_122 = %scan3A_114) -> (i32)  : i32 {
      %mul3A_123 = arith.constant 128 : i32
      %mul3A_124 = arith.muli %scan3A_121, %mul3A_123 : i32
      %add3A_125 = arith.addi %mul3A_0, %mul3A_124 : i32
      "tpu.region"() ({
        %run_scoped3A = tpu.sem_alloc : memref<!tpu.dma_semaphore, #tpu.memory_space<semaphore_mem>>
        %dma_start3A_130 = arith.constant 0 : i32
        %dma_start3A_131 = tpu.memref_slice %arg11[%add3A_125, %dma_start3A_130] : memref<10240x64xf32, #tpu.memory_space<vmem_shared>> -> memref<128x64xf32, #tpu.memory_space<vmem_shared>>
        %dma_start3A_132 = arith.constant 0 : i32
        %dma_start3A_133 = tpu.memref_slice %arg11[%add3A_125, %dma_start3A_132] : memref<10240x64xf32, #tpu.memory_space<vmem_shared>> -> memref<128x64xf32, #tpu.memory_space<vmem_shared>>
        tpu.enqueue_dma source(%dma_start3A_133 : memref<128x64xf32, #tpu.memory_space<vmem_shared>>) target(%arg20 : memref<128x64xf32, #tpu.memory_space<vmem>>) target_semaphore(%run_scoped3A : memref<!tpu.dma_semaphore, #tpu.memory_space<semaphore_mem>>)
        %dma_wait3A_134 = arith.constant 0 : i32
        %dma_wait3A_135 = tpu.memref_slice %arg11[%add3A_125, %dma_wait3A_134] : memref<10240x64xf32, #tpu.memory_space<vmem_shared>> -> memref<128x64xf32, #tpu.memory_space<vmem_shared>>
        %dma_wait3A_136 = arith.constant 0 : i32
        %dma_wait3A_137 = tpu.memref_slice %arg11[%add3A_125, %dma_wait3A_136] : memref<10240x64xf32, #tpu.memory_space<vmem_shared>> -> memref<128x64xf32, #tpu.memory_space<vmem_shared>>
        tpu.wait_dma2 semaphore(%run_scoped3A : memref<!tpu.dma_semaphore, #tpu.memory_space<semaphore_mem>>) src(%dma_wait3A_137 : memref<128x64xf32, #tpu.memory_space<vmem_shared>>) dst(%arg20 : memref<128x64xf32, #tpu.memory_space<vmem>>)
        tpu.yield
      }) : () -> ()
      %mul3A_126 = arith.constant 128 : i32
      %mul3A_127 = arith.muli %scan3A_121, %mul3A_126 : i32
      %add3A_128 = arith.addi %mul3A_0, %mul3A_127 : i32
      "tpu.region"() ({
        %run_scoped3A = tpu.sem_alloc : memref<!tpu.dma_semaphore, #tpu.memory_space<semaphore_mem>>
        %dma_start3A_130 = arith.constant 0 : i32
        %dma_start3A_131 = tpu.memref_slice %arg8[%arg0, %add3A_128, %dma_start3A_130] : memref<2x10240x64xf32, #tpu.memory_space<hbm>> -> memref<1x128x64xf32, #tpu.memory_space<hbm>>
        %dma_start3A_132 = tpu.memref_squeeze %dma_start3A_131 : memref<1x128x64xf32, #tpu.memory_space<hbm>> -> memref<128x64xf32, #tpu.memory_space<hbm>>
        %dma_start3A_133 = arith.constant 0 : i32
        %dma_start3A_134 = tpu.memref_slice %arg8[%arg0, %add3A_128, %dma_start3A_133] : memref<2x10240x64xf32, #tpu.memory_space<hbm>> -> memref<1x128x64xf32, #tpu.memory_space<hbm>>
        %dma_start3A_135 = tpu.memref_squeeze %dma_start3A_134 : memref<1x128x64xf32, #tpu.memory_space<hbm>> -> memref<128x64xf32, #tpu.memory_space<hbm>>
        tpu.enqueue_dma source(%arg20 : memref<128x64xf32, #tpu.memory_space<vmem>>) target(%dma_start3A_135 : memref<128x64xf32, #tpu.memory_space<hbm>>) target_semaphore(%run_scoped3A : memref<!tpu.dma_semaphore, #tpu.memory_space<semaphore_mem>>)
        %dma_wait3A_136 = arith.constant 0 : i32
        %dma_wait3A_137 = tpu.memref_slice %arg8[%arg0, %add3A_128, %dma_wait3A_136] : memref<2x10240x64xf32, #tpu.memory_space<hbm>> -> memref<1x128x64xf32, #tpu.memory_space<hbm>>
        %dma_wait3A_138 = tpu.memref_squeeze %dma_wait3A_137 : memref<1x128x64xf32, #tpu.memory_space<hbm>> -> memref<128x64xf32, #tpu.memory_space<hbm>>
        %dma_wait3A_139 = arith.constant 0 : i32
        %dma_wait3A_140 = tpu.memref_slice %arg8[%arg0, %add3A_128, %dma_wait3A_139] : memref<2x10240x64xf32, #tpu.memory_space<hbm>> -> memref<1x128x64xf32, #tpu.memory_space<hbm>>
        %dma_wait3A_141 = tpu.memref_squeeze %dma_wait3A_140 : memref<1x128x64xf32, #tpu.memory_space<hbm>> -> memref<128x64xf32, #tpu.memory_space<hbm>>
        tpu.wait_dma2 semaphore(%run_scoped3A : memref<!tpu.dma_semaphore, #tpu.memory_space<semaphore_mem>>) src(%arg20 : memref<128x64xf32, #tpu.memory_space<vmem>>) dst(%dma_wait3A_141 : memref<128x64xf32, #tpu.memory_space<hbm>>)
        tpu.yield
      }) : () -> ()
      %scan3A_129 = arith.constant 0 : i32
      scf.yield %scan3A_129 : i32
    }
    %scan3A_120 = arith.constant 5 : i32
    return
  }
}

</mosaic_0001>

<sc_bundles>
// kernel: _sc_layer.3.cloned.1.call-start
scs
__scs_entry_jumppad:
0x0: {  	(pc) =	sbr.rel $0x88, $3  }
0x1: {  	(tag) =	ssettag $0x0;
	lr =	simm.s32 $0x1  }
0x2: {  	[smem:$0x3F9B] =	sst lr;
	_ =	strace $0xD0000000  }
0x3: {  	_ = 	snop  }
0x4: {  	_ = 	snop  }
0x5: {  	_ = 	snop  }
0x6: {  	_ = 	snop  }
0x7: {  	_ = 	snop  }
__scs_overlays_trampoline_lowered:
0x8: {  	[smem:$0x3FAA] =	sst s0  }
0x9: {  	[smem:$0x3FAB] =	sst s1  }
0xa: {  	[smem:$0x3FAC] =	sst s2  }
0xb: {  	[smem:$0x3FAD] =	sst s3  }
0xc: {  	[smem:$0x3FAE] =	sst s4  }
0xd: {  	[smem:$0x3FAF] =	sst s5  }
0xe: {  	[smem:$0x3FB0] =	sst s6  }
0xf: {  	[smem:$0x3FB1] =	sst s7  }
0x10: {  	[smem:$0x3FB2] =	sst s8  }
0x11: {  	[smem:$0x3FB3] =	sst s9;
	s0 =	simm.s32 @!p0 $0x0  }
0x12: {  	s1 =	sld [smem:$0x3F99];
	s0 =	simm.s32 @p0 $0x1  }
0x13: {  	[smem:$0x3FB4] =	sst s0;
	s0 =	simm.s32 @!p1 $0x0  }
0x14: {  	s2 =	sld [smem:$0x3F98];
	s0 =	simm.s32 @p1 $0x1  }
0x15: {  	[smem:$0x3FB5] =	sst s0;
	s0 =	simm.s32 @!p2 $0x0  }
0x16: {  	s3 =	sld [smem:$0x3FDB];
	s0 =	simm.s32 @p2 $0x1  }
0x17: {  	s4 =	simm.s32 $0x1BF5;
	[smem:$0x3FB7] =	sst s0  }
0x18: {  	s0 =	sld [smem:$0x3F9A];
	_ =	swait.ge [sflag:s4], $0x0  }
0x19: {  	s7 =	sld [smem:$0x3F9B]  }
0x1a: {  	s8 =	sadd.s32 $0xFFFFE003, lr  }
0x1b: {  	s9 =	sadd.s32 $0xFFFFFEF7, lr;
	s5 =	simm.s32 $0xFFFFFFFF;
	p2 =	slt.u32 s8, $0xFFFFF086  }
0x1c: {  	p1 =	slt.u32 s9, $0xF7A;
	s5 =	simm.s32 @!p2 $0x0  }
0x1d: {  	s5 =	simm.s32 @p1 $0x1;
	p0 =	seq.s32 s7, s2  }
0x1e: {  	s7 =	smul.u32 @!p0 $0xF7A, s2;
	p2 =	seq.s32 @!p0 s5, $0x0  }
0x1f: {  	s9 =	smul.u32 $0xF7A, s1;
	s8 =	simm.s32 @!p0 $0x1BF5;
	p2 =	por !p2, p0  }
0x20: {  	[sflag:s8] =	ssyncset.s32 @!p0 $0xFFFFF086;
	s6 =	sadd.s32 @!p0 s3, s7;
	s7 =	simm.s32 @!p0 $0x108  }
0x21: {  	s3 =	sadd.s32 s3, s9;
	s6 =	sadd.s32 @!p0 $0x88, s6;
	s7 =	simm.s32 @p2 $0x1082  }
0x22: {  	[simem:s7], [sflag:s8] =	dma.local @!p0 [hbm:s6], $0xF7A  }
0x23: {  	s9 =	sor.u32 $0xD0000000, s2;
	s6 =	simm.s32 $0x108;
	_ =	swait.ge @!p0 [sflag:s8], $0x0  }
0x24: {  	s3 =	sadd.s32 $0x88, s3;
	s6 =	simm.s32 @!p1 $0x1082;
	[sflag:s4] =	ssyncset.s32 $0xFFFFF086  }
0x25: {  	[simem:s6], [sflag:s4] =	dma.local [hbm:s3], $0xF7A  }
0x26: {  	[smem:$0x3F9B] =	sst s1;
	(tag) =	ssettag s2;
	_ =	strace s9  }
0x27: {  	s1 =	sld [smem:$0x3FAB]  }
0x28: {  	s2 =	sld [smem:$0x3FAC]  }
0x29: {  	s4 =	sld [smem:$0x3FAE]  }
0x2a: {  	p0 =	seq.s32 s5, $0x0;
	s5 =	sld [smem:$0x3FAF]  }
0x2b: {  	s6 =	sld [smem:$0x3FB0]  }
0x2c: {  	s7 =	sld [smem:$0x3FB1]  }
0x2d: {  	s3 =	simm.s32 $0x108;
	s8 =	sld [smem:$0x3FB2]  }
0x2e: {  	s3 =	simm.s32 @!p0 $0x1082;
	s9 =	sld [smem:$0x3FB3]  }
0x2f: {  	lr =	sadd.s32 s0, s3;
	s0 =	sld [smem:$0x3FAA]  }
0x30: {  	s3 =	sld [smem:$0x3FAD]  }
0x31: {  	[smem:$0x3FB6] =	sst s10  }
0x32: {  	s10 =	sld [smem:$0x3FB4];
	_ =	sdelay $0x3  }
0x33: {  	p0 =	seq.s32 s10, $0x1;
	s10 =	sld [smem:$0x3FB6];
	_ =	sdelay $0x3  }
0x34: {  	[smem:$0x3FB6] =	sst s10  }
0x35: {  	s10 =	sld [smem:$0x3FB5];
	_ =	sdelay $0x3  }
0x36: {  	p1 =	seq.s32 s10, $0x1;
	s10 =	sld [smem:$0x3FB6];
	_ =	sdelay $0x3  }
0x37: {  	[smem:$0x3FB6] =	sst s10  }
0x38: {  	s10 =	sld [smem:$0x3FB7]  }
0x39: {  	_ = 	snop;
	(pc) =	sbr.ind lr, $3  }
0x3a: {  	_ = 	snop  }
0x3b: {  	_ = 	snop  }
0x3c: {  	p2 =	seq.s32 s10, $0x1;
	s10 =	sld [smem:$0x3FB6]  }
0x3d: {  	_ =	shalt  }
0x3e: {  	_ =	shalt  }
0x3f: {  	_ =	shalt  }
0x40: {  	_ =	shalt  }
0x41: {  	_ =	shalt  }
0x42: {  	_ =	shalt  }
0x43: {  	_ =	shalt  }
0x44: {  	_ =	shalt  }
0x45: {  	_ =	shalt  }
0x46: {  	_ =	shalt  }
0x47: {  	_ =	shalt  }
0x48: {  	_ =	shalt  }
0x49: {  	_ =	shalt  }
0x4a: {  	_ =	shalt  }
0x4b: {  	_ =	shalt  }
0x4c: {  	_ =	shalt  }
0x4d: {  	_ =	shalt  }
0x4e: {  	_ =	shalt  }
0x4f: {  	_ =	shalt  }
0x50: {  	_ =	shalt  }
0x51: {  	_ =	shalt  }
0x52: {  	_ =	shalt  }
0x53: {  	_ =	shalt  }
0x54: {  	_ =	shalt  }
0x55: {  	_ =	shalt  }
0x56: {  	_ =	shalt  }
0x57: {  	_ =	shalt  }
0x58: {  	_ =	shalt  }
0x59: {  	_ =	shalt  }
0x5a: {  	_ =	shalt  }
0x5b: {  	_ =	shalt  }
0x5c: {  	_ =	shalt  }
0x5d: {  	_ =	shalt  }
0x5e: {  	_ =	shalt  }
0x5f: {  	_ =	shalt  }
0x60: {  	_ =	shalt  }
0x61: {  	_ =	shalt  }
0x62: {  	_ =	shalt  }
0x63: {  	_ =	shalt  }
0x64: {  	_ =	shalt  }
0x65: {  	_ =	shalt  }
0x66: {  	_ =	shalt  }
0x67: {  	_ =	shalt  }
0x68: {  	_ =	shalt  }
0x69: {  	_ =	shalt  }
0x6a: {  	_ =	shalt  }
0x6b: {  	_ =	shalt  }
0x6c: {  	_ =	shalt  }
0x6d: {  	_ =	shalt  }
0x6e: {  	_ =	shalt  }
0x6f: {  	_ =	shalt  }
0x70: {  	_ =	shalt  }
0x71: {  	_ =	shalt  }
0x72: {  	_ =	shalt  }
0x73: {  	_ =	shalt  }
0x74: {  	_ =	shalt  }
0x75: {  	_ =	shalt  }
0x76: {  	_ =	shalt  }
0x77: {  	_ =	shalt  }
0x78: {  	_ =	shalt  }
0x79: {  	_ =	shalt  }
0x7a: {  	_ =	shalt  }
0x7b: {  	_ =	shalt  }
0x7c: {  	_ =	shalt  }
0x7d: {  	_ =	shalt  }
0x7e: {  	_ =	shalt  }
0x7f: {  	_ =	shalt  }
0x80: {  	_ =	shalt  }
0x81: {  	_ =	shalt  }
0x82: {  	_ =	shalt  }
0x83: {  	_ =	shalt  }
0x84: {  	_ =	shalt  }
0x85: {  	_ =	shalt  }
0x86: {  	_ =	shalt  }
0x87: {  	_ =	shalt  }
.Lfunc_end0:
.L_simem_size_0:
called_computation_lowered:
.L_overlay_start_0:
0x88: {  	s2 =	sld [smem:$0x3FD9]  }
0x89: {  	s3 =	sld [smem:$0x3FFE];
	_ =	sdelay $0x1  }
0x8a: {  	s1 =	srdreg.scid  }
0x8b: {  	s0 =	sand.u32 $0x1, s1  }
0x8c: {  	s17 =	sshll.u32 s0, $0xA;
	s2 =	sadd.s32 s3, s2  }
0x8d: {  	s2 =	sadd.s32 s2, s17  }
0x8e: {  	[smem:$0x3FC2] =	sst s2  }
0x8f: {  	_ = 	snop  }
0x90: {  	s2 =	sld [smem:$0x3FD0];
	(tm) =	ssettm $0x1  }
0x91: {  	s18 =	sld [smem:$0x3FFB];
	_ =	sdelay $0x3  }
0x92: {  	_ =	strace s18  }
0x93: {  	s3 =	sld [smem:$0x3FFC];
	_ =	sdelay $0x3  }
0x94: {  	_ =	strace s3  }
0x95: {  	s3 =	sld [smem:$0x3FFD];
	_ =	sdelay $0x3  }
0x96: {  	_ =	strace s3  }
0x97: {  	_ =	strace $0x8FFFFFFF  }
0x98: {  	s19 =	sld [smem:$0x3FDB];
	_ =	sdelay $0x1  }
0x99: {  	s4 =	simm.s32 $_scs_section_size  }
0x9a: {  	s5 =	simm.s32 $_size__tile_overlayer_lowered;
	s6 =	simm.s32 $_tile_overlayer_lowered  }
0x9b: {  	s22 =	simm.s32 $0x1BFF;
	s21 =	sshll.u32 s6, $0x1;
	s3 =	sadd.s32 s4, s19  }
0x9c: {  	s7 =	simm.s32 $0x0;
	s20 =	sshll.u32 s5, $0x1;
	s5 =	sadd.s32 s21, s3  }
0x9d: {  	[timem:s7], [sflag:s22] =	dma.local [hbm:s5], s20  }
0x9e: {  	_ =	swait.ge [sflag:s22], s20  }
0x9f: {  	s4 =	ssub.s32 $0x0, s20;
	[sflag:s22] =	ssyncset.done $0x0  }
0xa0: {  	[sflag:s22] =	ssyncadd.s32 s4;
	_ =	sdelay $0x1  }
0xa1: {  	s23 =	simm.s32 $0x1B8B  }
0xa2: {  	_ =	swait.ge [sflag:s23], $0x1  }
0xa3: {  	[sflag:s23] =	ssyncset.done $0x0  }
0xa4: {  	s25 =	simm.s32 $0x1B8E;
	s24 =	sld [smem:$0x3FFE];
	[sflag:s23] =	ssyncadd.s32 $0xFFFFFFFF  }
0xa5: {  	s26 =	simm.s32 $execute0_lowered;
	[smem:$0x3FD2] =	sst s25  }
0xa6: {  	s5 =	sshll.u32 s26, $0x1;
	_ =	strace $0x80000046;
	[dreg:$0x1] =	wrdreg $0xFFFFFFFF  }
0xa7: {  	s28 =	simm.s32 $_size_execute0_lowered;
	s3 =	sadd.s32 s3, s5;
	[dreg:$0x0] =	wrdreg $0x0  }
0xa8: {  	s5 =	sshll.u32 s28, $0x1;
	[dreg:$0x2] =	wrdreg s3  }
0xa9: {  	[dreg:$0x3] =	wrdreg s5  }
0xaa: {  	[dreg:$0x4] =	wrdreg $0xC0  }
0xab: {  	_ =	task [dreg:s7], $0x5FFFF  }
0xac: {  	[dreg:$0x1] =	wrdreg $0xFFFFFFFF  }
0xad: {  	[dreg:$0x0] =	wrdreg $0x60  }
0xae: {  	[dreg:$0x2] =	wrdreg s2  }
0xaf: {  	[dreg:$0x3] =	wrdreg s24  }
0xb0: {  	[dreg:$0x4] =	wrdreg $0x0  }
0xb1: {  	[dreg:$0x5] =	wrdreg $0x140000  }
0xb2: {  	[dreg:$0x6] =	wrdreg $0x168000  }
0xb3: {  	[dreg:$0x7] =	wrdreg $0x190000  }
0xb4: {  	[dreg:$0x8] =	wrdreg $0xA0000  }
0xb5: {  	[dreg:$0x9] =	wrdreg $0x9  }
0xb6: {  	_ =	task.clear_ibuf [dreg:s7], $0xAFFFF;
	_ =	strace $0x90000046  }
0xb7: {  	s29 =	simm.s32 $0x9;
	_ =	strace $0x80000048  }
0xb8: {  	_ =	swait.ge [sflag:s29], $0x1  }
0xb9: {  	[sflag:s29] =	ssyncadd.s32 $0xFFFFFFFF  }
0xba: {  	_ =	strace $0x90000048  }
0xbb: {  	_ =	sfence  }
0xbc: {  	s30 =	sld [smem:$0x0];
	_ =	sdelay $0x2  }
0xbd: {  	s31 =	sshll.u32 s1, $0xD;
	s1 =	sshrl.u32 s1, $0x2  }
0xbe: {  	s3 =	sand.u32 $0x4000, s31;
	s1 =	sadd.s32 s1, s30  }
0xbf: {  	s0 =	sor.u32 s3, s0;
	s1 =	sshll.u32 s1, $0x11  }
0xc0: {  	s0 =	sor.u32 s1, s0  }
0xc1: {  	s0 =	sadd.s32 $0x8F2B, s0  }
0xc2: {  	[sflag:s0] =	ssyncadd.remote.s32 $0x1  }
0xc3: {  	_ =	sfence.sel $0xFFFF  }
0xc4: {  	[dreg:$0x0] =	wrdreg $0xFFFFFFFF;
	(pc) =	sbr.abs _section_cstart, $3  }
0xc5: {  	[dreg:$0x1] =	wrdreg $0xFFFFFFFF  }
0xc6: {  	_ =	task.clear_ibuf [dreg:s7], $0x2FFFF;
	_ =	strace $0x9FFFFFFF  }
0xc7: {  	(tm) =	ssettm $0x7FFFFFFF  }
tec
execute0_lowered:
.L_overlay_start_1:
0x0: {  	(tag) =	ssettag $0x1  }
0x1: {  	s1 =	stileid.u32  }
0x2: {  	s0 =	srdreg.scid;
	s6 =	smul.u32 $0xA000, s1  }
0x3: {  	s2 =	rddreg [dreg:$0x0];
	s4 =	sand.u32 $0x1, s0;
	s10 =	smul.u32 $0x51000, s1  }
0x4: {  	s7 =	rddreg [dreg:$0x1];
	s8 =	smul.u32 $0x5000, s4  }
0x5: {  	s19 =	rddreg [dreg:$0x2];
	s9 =	simm.s32 $0x0;
	s0 =	smul.u32 $0x14000, s4  }
0x6: {  	[smem:$0x7FF] =	sst s9;
	s5 =	smul.u32 $0x510800, s4  }
0x7: {  	s11 =	sadd.s32 $0x1AE00, s7;
	s3 =	ssub.s32 $0x2, s4;
	s25 =	smul.u32 $0xA0000, s4  }
0x8: {  	s24 =	sshrl.u32 s3, $0x1;
	s14 =	sshrl.u32 s6, $0x3;
	s4 =	sadd.s32 $0x6000, s6  }
0x9: {  	s9 =	ssub.s32 s3, s24;
	s13 =	sadd.s32 s2, s0;
	s3 =	sadd.s32 s10, s5  }
0xa: {  	s0 =	sadd.s32 $0x2000, s6;
	s5 =	sadd.s32 $0x4000, s6;
	s30 =	sadd.s32 s11, s14  }
0xb: {  	s28 =	sshrl.u32 s4, $0x3;
	s2 =	sadd.s32 s14, s13;
	[dreg:$0xd] =	wrdreg s30  }
0xc: {  	s15 =	sshrl.u32 s0, $0x3;
	s20 =	sadd.s32 s28, s13;
	[dreg:$0x8] =	wrdreg s2  }
0xd: {  	s16 =	sshrl.u32 s5, $0x3;
	s26 =	sadd.s32 s15, s13;
	[dreg:$0xb] =	wrdreg s20  }
0xe: {  	s17 =	sadd.s32 s16, s13;
	[dreg:$0x9] =	wrdreg s26  }
0xf: {  	s31 =	sadd.s32 s11, s15;
	[dreg:$0xa] =	wrdreg s17  }
0x10: {  	s14 =	sadd.s32 s11, s16;
	[dreg:$0xe] =	wrdreg s31  }
0x11: {  	s12 =	sadd.s32 $0x187000, s7;
	s16 =	sadd.s32 s11, s28;
	[dreg:$0xf] =	wrdreg s14  }
0x12: {  	s23 =	smul.u32 $0x1440, s1;
	s2 =	sadd.s32 $0x8000, s6;
	[dreg:$0x10] =	wrdreg s16  }
0x13: {  	s15 =	sadd.s32 s25, s6;
	s18 =	sshrl.u32 s2, $0x3;
	s14 =	rddreg [dreg:$0x3]  }
0x14: {  	s20 =	sadd.s32 s25, s5;
	s16 =	rddreg [dreg:$0x6];
	s13 =	sadd.s32 s18, s13  }
0x15: {  	s10 =	sadd.s32 s25, s2;
	s11 =	sadd.s32 s11, s18;
	[dreg:$0xc] =	wrdreg s13  }
0x16: {  	s17 =	sshrl.u32 s15, $0x3;
	s10 =	sshrl.u32 s10, $0x3;
	[dreg:$0x11] =	wrdreg s11  }
0x17: {  	s11 =	sadd.s32 s12, s17;
	s13 =	sshrl.u32 s20, $0x3;
	s20 =	rddreg [dreg:$0x5]  }
0x18: {  	s18 =	sadd.s32 s25, s0;
	s10 =	sadd.s32 s12, s10;
	[dreg:$0x12] =	wrdreg s11  }
0x19: {  	s11 =	sshrl.u32 s18, $0x3;
	s21 =	sadd.s32 s12, s13;
	s13 =	rddreg [dreg:$0x4]  }
0x1a: {  	s22 =	sadd.s32 s25, s4;
	[dreg:$0x16] =	wrdreg s10;
	s11 =	sadd.s32 s12, s11  }
0x1b: {  	s8 =	sadd.s32 s8, s7;
	[dreg:$0x13] =	wrdreg s11;
	s11 =	sshrl.u32 s22, $0x3  }
0x1c: {  	s24 =	sadd.s32 $0x1800, s7;
	[dreg:$0x14] =	wrdreg s21;
	s11 =	sadd.s32 s12, s11  }
0x1d: {  	s30 =	sadd.s32 s24, s23;
	s26 =	sadd.s32 $0x2EE00, s8;
	[dreg:$0x15] =	wrdreg s11  }
0x1e: {  	s28 =	sadd.s32 $0x38E00, s8;
	_ =	strace $0x80000047;
	[dreg:$0x17] =	wrdreg s26  }
0x1f: {  	s25 =	sadd.s32 $0x42E00, s7;
	s12 =	sshrl.u32 s3, $0x3;
	[dreg:$0x18] =	wrdreg s28  }
0x20: {  	s31 =	smul.u32 $0x2800, s1;
	s15 =	sadd.s32 s25, s12;
	[dreg:$0x19] =	wrdreg s30  }
0x21: {  	s10 =	sshrl.u32 s6, $0x2;
	s18 =	smax.u32 s9, $0x1;
	[dreg:$0x1b] =	wrdreg s15  }
0x22: {  	s22 =	sadd.s32 s6, s16;
	s6 =	sadd.s32 s6, s19;
	[dreg:$0x1c] =	wrdreg s18  }
0x23: {  	s21 =	sadd.s32 s31, s14;
	[dreg:$0x1e] =	wrdreg s6  }
0x24: {  	s11 =	sadd.s32 $0x15E00, s7;
	s7 =	sadd.s32 s31, s20;
	[smem:$0x7DD] =	sst s21  }
0x25: {  	s12 =	sshrl.u32 s31, $0x3;
	[smem:$0x7DF] =	sst s7  }
0x26: {  	s17 =	sadd.s32 s10, s20;
	[dreg:$0x1f] =	wrdreg s12  }
0x27: {  	s23 =	sadd.s32 $0x800, s31;
	[dreg:$0x1a] =	wrdreg s17  }
0x28: {  	s9 =	sadd.s32 $0x1800, s31;
	s28 =	sadd.s32 s31, s13;
	[dreg:$0x1d] =	wrdreg s22  }
0x29: {  	s10 =	sadd.s32 $0x2000, s31;
	s30 =	sadd.s32 s23, s14;
	[smem:$0x7DE] =	sst s28  }
0x2a: {  	s26 =	sadd.s32 $0x1000, s31;
	s31 =	sadd.s32 s23, s13;
	[smem:$0x7E0] =	sst s30  }
0x2b: {  	s6 =	sadd.s32 s23, s20;
	[smem:$0x7E1] =	sst s31  }
0x2c: {  	s12 =	sadd.s32 s11, s12;
	[smem:$0x7E2] =	sst s6  }
0x2d: {  	s7 =	sshrl.u32 s23, $0x3;
	[smem:$0x7E9] =	sst s12  }
0x2e: {  	s15 =	sadd.s32 s4, s19;
	[smem:$0x7EA] =	sst s7  }
0x2f: {  	s21 =	sadd.s32 s26, s14;
	[smem:$0x7F7] =	sst s15  }
0x30: {  	s23 =	sadd.s32 s26, s13;
	[smem:$0x7E3] =	sst s21  }
0x31: {  	s8 =	sadd.s32 s26, s20;
	[smem:$0x7E4] =	sst s23  }
0x32: {  	s28 =	sadd.s32 s9, s14;
	[smem:$0x7E5] =	sst s8  }
0x33: {  	s18 =	sshrl.u32 s26, $0x3;
	s30 =	sadd.s32 s9, s13;
	[smem:$0x7E6] =	sst s28  }
0x34: {  	s26 =	sshrl.u32 s9, $0x3;
	s9 =	sadd.s32 s9, s20;
	[smem:$0x7E7] =	sst s30  }
0x35: {  	s7 =	sadd.s32 s11, s7;
	[smem:$0x7E8] =	sst s9  }
0x36: {  	[smem:$0x7EB] =	sst s7  }
0x37: {  	[smem:$0x7EC] =	sst s18  }
0x38: {  	s31 =	sshrl.u32 s10, $0x3;
	[smem:$0x7EE] =	sst s26  }
0x39: {  	s12 =	sadd.s32 s10, s20;
	[smem:$0x7F0] =	sst s31  }
0x3a: {  	s29 =	simm.s32 $0x1BA00;
	s6 =	sadd.s32 s11, s18;
	[smem:$0x7F4] =	sst s12  }
0x3b: {  	s15 =	sadd.s32 s4, s16;
	s7 =	sadd.s32 s11, s26;
	[smem:$0x7ED] =	sst s6  }
0x3c: {  	s4 =	simm.s32 $0x0;
	s8 =	sadd.s32 s11, s31;
	[smem:$0x7EF] =	sst s7  }
0x3d: {  	s9 =	sadd.s32 s10, s14;
	s11 =	sadd.s32 s10, s13;
	[smem:$0x7F1] =	sst s8  }
0x3e: {  	s13 =	sadd.s32 s0, s19;
	s18 =	sadd.s32 s0, s16;
	[smem:$0x7F2] =	sst s9  }
0x3f: {  	s14 =	sadd.s32 s5, s19;
	s21 =	sadd.s32 s5, s16;
	[smem:$0x7F3] =	sst s11  }
0x40: {  	s19 =	sadd.s32 s2, s19;
	s12 =	sadd.s32 s2, s16;
	[smem:$0x7F5] =	sst s13  }
0x41: {  	s26 =	sadd.s32 $0x800, s17;
	s28 =	sadd.s32 $0x1000, s17;
	[smem:$0x7F6] =	sst s14  }
0x42: {  	s30 =	sadd.s32 $0x1800, s17;
	s31 =	sadd.s32 $0x2000, s17;
	[smem:$0x7F8] =	sst s19  }
0x43: {  	s10 =	simm.s32 $0x5;
	s0 =	simm.s32 $0x1B800;
	[smem:$0x7FA] =	sst s26  }
0x44: {  	s5 =	simm.s32 $0x1B900;
	s16 =	simm.s32 $0x1C200;
	[smem:$0x7FB] =	sst s28  }
0x45: {  	s17 =	simm.s32 $0x1B980;
	s6 =	smul.u32 $0xA2, s1;
	[smem:$0x7FC] =	sst s30  }
0x46: {  	s1 =	simm.s32 $0x0;
	[smem:$0x7FD] =	sst s31;
	s7 =	simm.s32 $0x1D200  }
0x47: {  	s19 =	simm.s32 $0x80;
	s9 =	simm.s32 $0x1B880;
	s8 =	simm.s32 $0x1CA00  }
0x48: {  	v0 =	vimm.s32 $0x0;
	s11 =	simm.s32 $0x1;
	s13 =	simm.s32 $0x2;
	s23 =	sadd.s32 $0x2, s6  }
0x49: {  	v1 =	vimm.s32 $0x1;
	v2 =	vimm.s32 $0x2;
	v3 =	vimm.s32 $0x3;
	s14 =	simm.s32 $0x4;
	[smem:$0x7F9] =	sst s23;
	s23 =	simm.s32 $0x3  }
.LBB2_1:
0x4a: {  	[smem:$0x7DC] =	sst s4  }
0x4b: {  	s2 =	rddreg [dreg:$0x8]  }
0x4c: {  	[tilespmem:s7], [sflag:$0x5] =	stream.linear.gather [hbm4b:s2+s1], $0x2000, $0x38;
	[tilespmem:$0x1F200] =	vst v63  }
0x4d: {  	_ =	swait.ge [sflag:s10], $0x2000  }
0x4e: {  	[sflag:s10] =	ssyncset.done $0x0  }
0x4f: {  	s30 =	rddreg [dreg:$0x1e];
	[sflag:s10] =	ssyncadd.s32 $0xFFFFE000  }
0x50: {  	[spmem:s30] =	stream.linear.scatter [tilespmem:s7], [sflag:$0x5], $0x2000, $0x38;
	[tilespmem:$0x1F200] =	vst v63  }
0x51: {  	_ =	swait.ge [sflag:s10], $0x2000  }
0x52: {  	[sflag:s10] =	ssyncset.done $0x0  }
0x53: {  	s4 =	rddreg [dreg:$0x9];
	[sflag:s10] =	ssyncadd.s32 $0xFFFFE000  }
0x54: {  	[tilespmem:s7], [sflag:$0x5] =	stream.linear.gather [hbm4b:s4+s1], $0x2000, $0x38;
	[tilespmem:$0x1F200] =	vst v63  }
0x55: {  	_ =	swait.ge [sflag:s10], $0x2000  }
0x56: {  	s22 =	sld [smem:$0x7F5]  }
0x57: {  	[sflag:s10] =	ssyncset.done $0x0  }
0x58: {  	[sflag:s10] =	ssyncadd.s32 $0xFFFFE000  }
0x59: {  	[spmem:s22] =	stream.linear.scatter [tilespmem:s7], [sflag:$0x5], $0x2000, $0x38;
	[tilespmem:$0x1F200] =	vst v63  }
0x5a: {  	_ =	swait.ge [sflag:s10], $0x2000  }
0x5b: {  	[sflag:s10] =	ssyncset.done $0x0  }
0x5c: {  	s26 =	rddreg [dreg:$0xa];
	[sflag:s10] =	ssyncadd.s32 $0xFFFFE000  }
0x5d: {  	[tilespmem:s7], [sflag:$0x5] =	stream.linear.gather [hbm4b:s26+s1], $0x2000, $0x38;
	[tilespmem:$0x1F200] =	vst v63  }
0x5e: {  	_ =	swait.ge [sflag:s10], $0x2000  }
0x5f: {  	s28 =	sld [smem:$0x7F6]  }
0x60: {  	[sflag:s10] =	ssyncset.done $0x0  }
0x61: {  	[sflag:s10] =	ssyncadd.s32 $0xFFFFE000  }
0x62: {  	[spmem:s28] =	stream.linear.scatter [tilespmem:s7], [sflag:$0x5], $0x2000, $0x38;
	[tilespmem:$0x1F200] =	vst v63  }
0x63: {  	_ =	swait.ge [sflag:s10], $0x2000  }
0x64: {  	[sflag:s10] =	ssyncset.done $0x0  }
0x65: {  	s30 =	rddreg [dreg:$0xb];
	[sflag:s10] =	ssyncadd.s32 $0xFFFFE000  }
0x66: {  	[tilespmem:s7], [sflag:$0x5] =	stream.linear.gather [hbm4b:s30+s1], $0x2000, $0x38;
	[tilespmem:$0x1F200] =	vst v63  }
0x67: {  	_ =	swait.ge [sflag:s10], $0x2000  }
0x68: {  	s4 =	sld [smem:$0x7F7]  }
0x69: {  	[sflag:s10] =	ssyncset.done $0x0  }
0x6a: {  	[sflag:s10] =	ssyncadd.s32 $0xFFFFE000  }
0x6b: {  	[spmem:s4] =	stream.linear.scatter [tilespmem:s7], [sflag:$0x5], $0x2000, $0x38;
	[tilespmem:$0x1F200] =	vst v63  }
0x6c: {  	_ =	swait.ge [sflag:s10], $0x2000  }
0x6d: {  	[sflag:s10] =	ssyncset.done $0x0  }
0x6e: {  	s22 =	rddreg [dreg:$0xc];
	[sflag:s10] =	ssyncadd.s32 $0xFFFFE000  }
0x6f: {  	[tilespmem:s7], [sflag:$0x5] =	stream.linear.gather [hbm4b:s22+s1], $0x2000, $0x38;
	[tilespmem:$0x1F200] =	vst v63  }
0x70: {  	_ =	swait.ge [sflag:s10], $0x2000  }
0x71: {  	s26 =	sld [smem:$0x7F8]  }
0x72: {  	[sflag:s10] =	ssyncset.done $0x0  }
0x73: {  	[sflag:s10] =	ssyncadd.s32 $0xFFFFE000  }
0x74: {  	[spmem:s26] =	stream.linear.scatter [tilespmem:s7], [sflag:$0x5], $0x2000, $0x38;
	[tilespmem:$0x1F200] =	vst v63  }
0x75: {  	_ =	swait.ge [sflag:s10], $0x2000  }
0x76: {  	s4 =	rddreg [dreg:$0x17]  }
0x77: {  	[sflag:s10] =	ssyncset.done $0x0;
	s26 =	rddreg [dreg:$0x1f]  }
0x78: {  	[sflag:s10] =	ssyncadd.s32 $0xFFFFE000;
	s28 =	sadd.s32 s26, s4  }
0x79: {  	[tilespmem:s29], [sflag:$0x5] =	stream.linear.gather [hbm4b:s28+s1], $0x800, $0x38;
	[tilespmem:$0x1F200] =	vst v63  }
0x7a: {  	_ =	swait.ge [sflag:s10], $0x800  }
0x7b: {  	s30 =	sld [smem:$0x7DD]  }
0x7c: {  	[sflag:s10] =	ssyncset.done $0x0  }
0x7d: {  	[sflag:s10] =	ssyncadd.s32 $0xFFFFF800  }
0x7e: {  	[spmem:s30] =	stream.linear.scatter [tilespmem:s29], [sflag:$0x5], $0x800, $0x38;
	[tilespmem:$0x1F200] =	vst v63  }
0x7f: {  	_ =	swait.ge [sflag:s10], $0x800  }
0x80: {  	s28 =	sld [smem:$0x7EA];
	_ =	sdelay $0x1  }
0x81: {  	[sflag:s10] =	ssyncset.done $0x0  }
0x82: {  	[sflag:s10] =	ssyncadd.s32 $0xFFFFF800;
	s22 =	sadd.s32 s28, s4  }
0x83: {  	[tilespmem:s29], [sflag:$0x5] =	stream.linear.gather [hbm4b:s22+s1], $0x800, $0x38;
	[tilespmem:$0x1F200] =	vst v63  }
0x84: {  	_ =	swait.ge [sflag:s10], $0x800  }
0x85: {  	s30 =	sld [smem:$0x7E0]  }
0x86: {  	[sflag:s10] =	ssyncset.done $0x0  }
0x87: {  	[sflag:s10] =	ssyncadd.s32 $0xFFFFF800  }
0x88: {  	[spmem:s30] =	stream.linear.scatter [tilespmem:s29], [sflag:$0x5], $0x800, $0x38;
	[tilespmem:$0x1F200] =	vst v63  }
0x89: {  	_ =	swait.ge [sflag:s10], $0x800  }
0x8a: {  	s30 =	sld [smem:$0x7EC];
	_ =	sdelay $0x1  }
0x8b: {  	[sflag:s10] =	ssyncset.done $0x0  }
0x8c: {  	[sflag:s10] =	ssyncadd.s32 $0xFFFFF800;
	s22 =	sadd.s32 s30, s4  }
0x8d: {  	[tilespmem:s29], [sflag:$0x5] =	stream.linear.gather [hbm4b:s22+s1], $0x800, $0x38;
	[tilespmem:$0x1F200] =	vst v63  }
0x8e: {  	_ =	swait.ge [sflag:s10], $0x800  }
0x8f: {  	s22 =	sld [smem:$0x7E3]  }
0x90: {  	[sflag:s10] =	ssyncset.done $0x0  }
0x91: {  	[sflag:s10] =	ssyncadd.s32 $0xFFFFF800  }
0x92: {  	[spmem:s22] =	stream.linear.scatter [tilespmem:s29], [sflag:$0x5], $0x800, $0x38;
	[tilespmem:$0x1F200] =	vst v63  }
0x93: {  	_ =	swait.ge [sflag:s10], $0x800  }
0x94: {  	s31 =	sld [smem:$0x7EE];
	_ =	sdelay $0x1  }
0x95: {  	[sflag:s10] =	ssyncset.done $0x0  }
0x96: {  	[sflag:s10] =	ssyncadd.s32 $0xFFFFF800;
	s22 =	sadd.s32 s31, s4  }
0x97: {  	[tilespmem:s29], [sflag:$0x5] =	stream.linear.gather [hbm4b:s22+s1], $0x800, $0x38;
	[tilespmem:$0x1F200] =	vst v63  }
0x98: {  	_ =	swait.ge [sflag:s10], $0x800  }
0x99: {  	s22 =	sld [smem:$0x7E6]  }
0x9a: {  	[sflag:s10] =	ssyncset.done $0x0  }
0x9b: {  	[sflag:s10] =	ssyncadd.s32 $0xFFFFF800  }
0x9c: {  	[spmem:s22] =	stream.linear.scatter [tilespmem:s29], [sflag:$0x5], $0x800, $0x38;
	[tilespmem:$0x1F200] =	vst v63  }
0x9d: {  	s22 =	smov.u32 s12;
	s12 =	smov.u32 s15;
	_ =	swait.ge [sflag:s10], $0x800  }
0x9e: {  	s15 =	smov.u32 s21;
	s21 =	smov.u32 s18;
	s18 =	sld [smem:$0x7F0]  }
0x9f: {  	_ = 	snop  }
0xa0: {  	[sflag:s10] =	ssyncset.done $0x0  }
0xa1: {  	[sflag:s10] =	ssyncadd.s32 $0xFFFFF800;
	s4 =	sadd.s32 s18, s4  }
0xa2: {  	[tilespmem:s29], [sflag:$0x5] =	stream.linear.gather [hbm4b:s4+s1], $0x800, $0x38;
	[tilespmem:$0x1F200] =	vst v63  }
0xa3: {  	_ =	swait.ge [sflag:s10], $0x800  }
0xa4: {  	s4 =	sld [smem:$0x7F2]  }
0xa5: {  	[sflag:s10] =	ssyncset.done $0x0  }
0xa6: {  	[sflag:s10] =	ssyncadd.s32 $0xFFFFF800  }
0xa7: {  	[spmem:s4] =	stream.linear.scatter [tilespmem:s29], [sflag:$0x5], $0x800, $0x38;
	[tilespmem:$0x1F200] =	vst v63  }
0xa8: {  	_ =	swait.ge [sflag:s10], $0x800  }
0xa9: {  	[sflag:s10] =	ssyncset.done $0x0;
	s4 =	rddreg [dreg:$0x18]  }
0xaa: {  	[sflag:s10] =	ssyncadd.s32 $0xFFFFF800;
	s26 =	sadd.s32 s26, s4  }
0xab: {  	[tilespmem:s29], [sflag:$0x5] =	stream.linear.gather [hbm4b:s26+s1], $0x800, $0x38;
	[tilespmem:$0x1F200] =	vst v63  }
0xac: {  	_ =	swait.ge [sflag:s10], $0x800  }
0xad: {  	s26 =	sld [smem:$0x7DE]  }
0xae: {  	[sflag:s10] =	ssyncset.done $0x0  }
0xaf: {  	[sflag:s10] =	ssyncadd.s32 $0xFFFFF800  }
0xb0: {  	[spmem:s26] =	stream.linear.scatter [tilespmem:s29], [sflag:$0x5], $0x800, $0x38;
	[tilespmem:$0x1F200] =	vst v63  }
0xb1: {  	_ =	swait.ge [sflag:s10], $0x800  }
0xb2: {  	[sflag:s10] =	ssyncset.done $0x0  }
0xb3: {  	s26 =	sadd.s32 s28, s4;
	[sflag:s10] =	ssyncadd.s32 $0xFFFFF800  }
0xb4: {  	[tilespmem:s29], [sflag:$0x5] =	stream.linear.gather [hbm4b:s26+s1], $0x800, $0x38;
	[tilespmem:$0x1F200] =	vst v63  }
0xb5: {  	_ =	swait.ge [sflag:s10], $0x800  }
0xb6: {  	s28 =	sld [smem:$0x7E1]  }
0xb7: {  	[sflag:s10] =	ssyncset.done $0x0  }
0xb8: {  	[sflag:s10] =	ssyncadd.s32 $0xFFFFF800  }
0xb9: {  	[spmem:s28] =	stream.linear.scatter [tilespmem:s29], [sflag:$0x5], $0x800, $0x38;
	[tilespmem:$0x1F200] =	vst v63  }
0xba: {  	_ =	swait.ge [sflag:s10], $0x800  }
0xbb: {  	[sflag:s10] =	ssyncset.done $0x0  }
0xbc: {  	s30 =	sadd.s32 s30, s4;
	[sflag:s10] =	ssyncadd.s32 $0xFFFFF800  }
0xbd: {  	[tilespmem:s29], [sflag:$0x5] =	stream.linear.gather [hbm4b:s30+s1], $0x800, $0x38;
	[tilespmem:$0x1F200] =	vst v63  }
0xbe: {  	_ =	swait.ge [sflag:s10], $0x800  }
0xbf: {  	s26 =	sld [smem:$0x7E4]  }
0xc0: {  	[sflag:s10] =	ssyncset.done $0x0  }
0xc1: {  	[sflag:s10] =	ssyncadd.s32 $0xFFFFF800  }
0xc2: {  	[spmem:s26] =	stream.linear.scatter [tilespmem:s29], [sflag:$0x5], $0x800, $0x38;
	[tilespmem:$0x1F200] =	vst v63  }
0xc3: {  	_ =	swait.ge [sflag:s10], $0x800  }
0xc4: {  	[sflag:s10] =	ssyncset.done $0x0  }
0xc5: {  	s28 =	sadd.s32 s31, s4;
	[sflag:s10] =	ssyncadd.s32 $0xFFFFF800  }
0xc6: {  	[tilespmem:s29], [sflag:$0x5] =	stream.linear.gather [hbm4b:s28+s1], $0x800, $0x38;
	[tilespmem:$0x1F200] =	vst v63  }
0xc7: {  	_ =	swait.ge [sflag:s10], $0x800  }
0xc8: {  	s30 =	sld [smem:$0x7E7]  }
0xc9: {  	[sflag:s10] =	ssyncset.done $0x0  }
0xca: {  	[sflag:s10] =	ssyncadd.s32 $0xFFFFF800  }
0xcb: {  	[spmem:s30] =	stream.linear.scatter [tilespmem:s29], [sflag:$0x5], $0x800, $0x38;
	[tilespmem:$0x1F200] =	vst v63  }
0xcc: {  	_ =	swait.ge [sflag:s10], $0x800  }
0xcd: {  	[sflag:s10] =	ssyncset.done $0x0  }
0xce: {  	s26 =	sadd.s32 s18, s4;
	[sflag:s10] =	ssyncadd.s32 $0xFFFFF800  }
0xcf: {  	[tilespmem:s29], [sflag:$0x5] =	stream.linear.gather [hbm4b:s26+s1], $0x800, $0x38;
	[tilespmem:$0x1F200] =	vst v63  }
0xd0: {  	_ =	swait.ge [sflag:s10], $0x800  }
0xd1: {  	s28 =	sld [smem:$0x7F3]  }
0xd2: {  	[sflag:s10] =	ssyncset.done $0x0  }
0xd3: {  	[sflag:s10] =	ssyncadd.s32 $0xFFFFF800  }
0xd4: {  	[spmem:s28] =	stream.linear.scatter [tilespmem:s29], [sflag:$0x5], $0x800, $0x38;
	[tilespmem:$0x1F200] =	vst v63  }
0xd5: {  	_ =	swait.ge [sflag:s10], $0x800  }
0xd6: {  	s30 =	sld [smem:$0x7E9]  }
0xd7: {  	[sflag:s10] =	ssyncset.done $0x0  }
0xd8: {  	[sflag:s10] =	ssyncadd.s32 $0xFFFFF800  }
0xd9: {  	[tilespmem:s29], [sflag:$0x5] =	stream.linear.gather [hbm4b:s30+s1], $0x800, $0x38;
	[tilespmem:$0x1F200] =	vst v63  }
0xda: {  	_ =	swait.ge [sflag:s10], $0x800  }
0xdb: {  	s4 =	sld [smem:$0x7DF]  }
0xdc: {  	[sflag:s10] =	ssyncset.done $0x0  }
0xdd: {  	[sflag:s10] =	ssyncadd.s32 $0xFFFFF800  }
0xde: {  	[spmem:s4] =	stream.linear.scatter [tilespmem:s29], [sflag:$0x5], $0x800, $0x38;
	[tilespmem:$0x1F200] =	vst v63  }
0xdf: {  	_ =	swait.ge [sflag:s10], $0x800  }
0xe0: {  	s26 =	sld [smem:$0x7EB]  }
0xe1: {  	[sflag:s10] =	ssyncset.done $0x0  }
0xe2: {  	[sflag:s10] =	ssyncadd.s32 $0xFFFFF800  }
0xe3: {  	[tilespmem:s29], [sflag:$0x5] =	stream.linear.gather [hbm4b:s26+s1], $0x800, $0x38;
	[tilespmem:$0x1F200] =	vst v63  }
0xe4: {  	_ =	swait.ge [sflag:s10], $0x800  }
0xe5: {  	s28 =	sld [smem:$0x7E2]  }
0xe6: {  	[sflag:s10] =	ssyncset.done $0x0  }
0xe7: {  	[sflag:s10] =	ssyncadd.s32 $0xFFFFF800  }
0xe8: {  	[spmem:s28] =	stream.linear.scatter [tilespmem:s29], [sflag:$0x5], $0x800, $0x38;
	[tilespmem:$0x1F200] =	vst v63  }
0xe9: {  	_ =	swait.ge [sflag:s10], $0x800  }
0xea: {  	s30 =	sld [smem:$0x7ED]  }
0xeb: {  	[sflag:s10] =	ssyncset.done $0x0  }
0xec: {  	[sflag:s10] =	ssyncadd.s32 $0xFFFFF800  }
0xed: {  	[tilespmem:s29], [sflag:$0x5] =	stream.linear.gather [hbm4b:s30+s1], $0x800, $0x38;
	[tilespmem:$0x1F200] =	vst v63  }
0xee: {  	_ =	swait.ge [sflag:s10], $0x800  }
0xef: {  	s4 =	sld [smem:$0x7E5]  }
0xf0: {  	[sflag:s10] =	ssyncset.done $0x0  }
0xf1: {  	[sflag:s10] =	ssyncadd.s32 $0xFFFFF800  }
0xf2: {  	[spmem:s4] =	stream.linear.scatter [tilespmem:s29], [sflag:$0x5], $0x800, $0x38;
	[tilespmem:$0x1F200] =	vst v63  }
0xf3: {  	_ =	swait.ge [sflag:s10], $0x800  }
0xf4: {  	s26 =	sld [smem:$0x7EF]  }
0xf5: {  	[sflag:s10] =	ssyncset.done $0x0  }
0xf6: {  	[sflag:s10] =	ssyncadd.s32 $0xFFFFF800  }
0xf7: {  	[tilespmem:s29], [sflag:$0x5] =	stream.linear.gather [hbm4b:s26+s1], $0x800, $0x38;
	[tilespmem:$0x1F200] =	vst v63  }
0xf8: {  	_ =	swait.ge [sflag:s10], $0x800  }
0xf9: {  	s28 =	sld [smem:$0x7E8]  }
0xfa: {  	[sflag:s10] =	ssyncset.done $0x0  }
0xfb: {  	[sflag:s10] =	ssyncadd.s32 $0xFFFFF800  }
0xfc: {  	[spmem:s28] =	stream.linear.scatter [tilespmem:s29], [sflag:$0x5], $0x800, $0x38;
	[tilespmem:$0x1F200] =	vst v63  }
0xfd: {  	_ =	swait.ge [sflag:s10], $0x800  }
0xfe: {  	s30 =	sld [smem:$0x7F1]  }
0xff: {  	[sflag:s10] =	ssyncset.done $0x0  }
0x100: {  	[sflag:s10] =	ssyncadd.s32 $0xFFFFF800  }
0x101: {  	[tilespmem:s29], [sflag:$0x5] =	stream.linear.gather [hbm4b:s30+s1], $0x800, $0x38;
	[tilespmem:$0x1F200] =	vst v63  }
0x102: {  	_ =	swait.ge [sflag:s10], $0x800  }
0x103: {  	s4 =	sld [smem:$0x7F4]  }
0x104: {  	[sflag:s10] =	ssyncset.done $0x0  }
0x105: {  	[sflag:s10] =	ssyncadd.s32 $0xFFFFF800  }
0x106: {  	[spmem:s4] =	stream.linear.scatter [tilespmem:s29], [sflag:$0x5], $0x800, $0x38;
	[tilespmem:$0x1F200] =	vst v63  }
0x107: {  	_ =	swait.ge [sflag:s10], $0x800  }
0x108: {  	[sflag:s10] =	ssyncset.done $0x0  }
0x109: {  	s26 =	rddreg [dreg:$0xd];
	[sflag:s10] =	ssyncadd.s32 $0xFFFFF800  }
0x10a: {  	[tilespmem:s7], [sflag:$0x5] =	stream.linear.gather [hbm4b:s26+s1], $0x2000, $0x38;
	[tilespmem:$0x1F200] =	vst v63  }
0x10b: {  	_ =	swait.ge [sflag:s10], $0x2000  }
0x10c: {  	[sflag:s10] =	ssyncset.done $0x0  }
0x10d: {  	s28 =	rddreg [dreg:$0x1d];
	[sflag:s10] =	ssyncadd.s32 $0xFFFFE000  }
0x10e: {  	[spmem:s28] =	stream.linear.scatter [tilespmem:s7], [sflag:$0x5], $0x2000, $0x38;
	[tilespmem:$0x1F200] =	vst v63  }
0x10f: {  	_ =	swait.ge [sflag:s10], $0x2000  }
0x110: {  	[sflag:s10] =	ssyncset.done $0x0  }
0x111: {  	s30 =	rddreg [dreg:$0xe];
	[sflag:s10] =	ssyncadd.s32 $0xFFFFE000  }
0x112: {  	[tilespmem:s7], [sflag:$0x5] =	stream.linear.gather [hbm4b:s30+s1], $0x2000, $0x38;
	[tilespmem:$0x1F200] =	vst v63  }
0x113: {  	_ =	swait.ge [sflag:s10], $0x2000  }
0x114: {  	[sflag:s10] =	ssyncset.done $0x0  }
0x115: {  	s18 =	smov.u32 s21;
	[sflag:s10] =	ssyncadd.s32 $0xFFFFE000  }
0x116: {  	[spmem:s18] =	stream.linear.scatter [tilespmem:s7], [sflag:$0x5], $0x2000, $0x38;
	[tilespmem:$0x1F200] =	vst v63  }
0x117: {  	_ =	swait.ge [sflag:s10], $0x2000  }
0x118: {  	[sflag:s10] =	ssyncset.done $0x0  }
0x119: {  	s4 =	rddreg [dreg:$0xf];
	[sflag:s10] =	ssyncadd.s32 $0xFFFFE000  }
0x11a: {  	[tilespmem:s7], [sflag:$0x5] =	stream.linear.gather [hbm4b:s4+s1], $0x2000, $0x38;
	[tilespmem:$0x1F200] =	vst v63  }
0x11b: {  	_ =	swait.ge [sflag:s10], $0x2000  }
0x11c: {  	[sflag:s10] =	ssyncset.done $0x0  }
0x11d: {  	s21 =	smov.u32 s15;
	[sflag:s10] =	ssyncadd.s32 $0xFFFFE000  }
0x11e: {  	[spmem:s21] =	stream.linear.scatter [tilespmem:s7], [sflag:$0x5], $0x2000, $0x38;
	[tilespmem:$0x1F200] =	vst v63  }
0x11f: {  	_ =	swait.ge [sflag:s10], $0x2000  }
0x120: {  	[sflag:s10] =	ssyncset.done $0x0  }
0x121: {  	s26 =	rddreg [dreg:$0x10];
	[sflag:s10] =	ssyncadd.s32 $0xFFFFE000  }
0x122: {  	[tilespmem:s7], [sflag:$0x5] =	stream.linear.gather [hbm4b:s26+s1], $0x2000, $0x38;
	[tilespmem:$0x1F200] =	vst v63  }
0x123: {  	_ =	swait.ge [sflag:s10], $0x2000  }
0x124: {  	[sflag:s10] =	ssyncset.done $0x0  }
0x125: {  	s15 =	smov.u32 s12;
	[sflag:s10] =	ssyncadd.s32 $0xFFFFE000  }
0x126: {  	[spmem:s15] =	stream.linear.scatter [tilespmem:s7], [sflag:$0x5], $0x2000, $0x38;
	[tilespmem:$0x1F200] =	vst v63  }
0x127: {  	_ =	swait.ge [sflag:s10], $0x2000  }
0x128: {  	[sflag:s10] =	ssyncset.done $0x0  }
0x129: {  	s28 =	rddreg [dreg:$0x11];
	[sflag:s10] =	ssyncadd.s32 $0xFFFFE000  }
0x12a: {  	[tilespmem:s7], [sflag:$0x5] =	stream.linear.gather [hbm4b:s28+s1], $0x2000, $0x38;
	[tilespmem:$0x1F200] =	vst v63  }
0x12b: {  	_ =	swait.ge [sflag:s10], $0x2000  }
0x12c: {  	[sflag:s10] =	ssyncset.done $0x0  }
0x12d: {  	[sflag:s10] =	ssyncadd.s32 $0xFFFFE000  }
0x12e: {  	[spmem:s22] =	stream.linear.scatter [tilespmem:s7], [sflag:$0x5], $0x2000, $0x38;
	[tilespmem:$0x1F200] =	vst v63  }
0x12f: {  	_ =	swait.ge [sflag:s10], $0x2000  }
0x130: {  	[sflag:s10] =	ssyncset.done $0x0  }
0x131: {  	[sflag:s10] =	ssyncadd.s32 $0xFFFFE000  }
0x132: {  	[bflag:$0x0] =	sbarrier.arrive $0xFFFF  }
0x133: {  	s31 =	simm.s32 $0x0;
	s12 =	smov.u32 s22;
	s30 =	rddreg [dreg:$0x19]  }
0x134: {  	[tilespmem:s0], [sflag:$0x3] =	stream.linear.gather [hbm4b:s30+s1], $0x100, $0x38;
	[tilespmem:$0x1F200] =	vst v63  }
.LBB2_2:
0x135: {  	s4 =	sshllo.u32 s31, $0x1  }
0x136: {  	s2 =	sadd.s32 s6, s4  }
0x137: {  	s2 =	sshll.u32 s2, $0x5  }
0x138: {  	s22 =	simm.s32 $0x0;
	s2 =	sadd.s32 s24, s2  }
0x139: {  	[tilespmem:s5], [sflag:$0x4] =	stream.linear.gather [hbm4b:s2+s22], $0x100, $0x38;
	[tilespmem:$0x1F200] =	vst v63  }
0x13a: {  	_ =	swait.ge [sflag:s23], $0x100  }
0x13b: {  	[sflag:s23] =	ssyncset.done $0x0  }
0x13c: {  	[sflag:s23] =	ssyncadd.s32 $0xFFFFFF00  }
0x13d: {  	s26 =	rddreg [dreg:$0x3]  }
0x13e: {  	[tilespmem:s29], [sflag:$0x1] =	stream.indirect.gather [spmem:s26], $0x10, s0, s19, $0xb8;
	[tilespmem:$0x1F200] =	vst v63  }
0x13f: {  	s28 =	rddreg [dreg:$0x4]  }
0x140: {  	[tilespmem:s8], [sflag:$0x2] =	stream.indirect.gather [spmem:s28], $0x10, s9, s19, $0xb8;
	[tilespmem:$0x1F200] =	vst v63  }
0x141: {  	_ =	swait.ge [sflag:s11], $0x800  }
0x142: {  	[sflag:s11] =	ssyncset.done $0x0  }
0x143: {  	[sflag:s11] =	ssyncadd.s32 $0xFFFFF800  }
0x144: {  	_ =	swait.ge [sflag:s13], $0x800  }
0x145: {  	[sflag:s13] =	ssyncset.done $0x0  }
0x146: {  	s26 =	simm.s32 $0x0;
	[sflag:s13] =	ssyncadd.s32 $0xFFFFF800  }
0x147: {  	v4 =	vld [tilespmem:s26+$0x1CA10]  }
0x148: {  	v5 =	vld [tilespmem:s26+$0x1BA10]  }
0x149: {  	v6 =	vld [tilespmem:s26+$0x1CA50]  }
0x14a: {  	v8 =	vld [tilespmem:s26+$0x1BA50];
	_ =	sdelay $0x2  }
0x14b: {  	v7 =	vld [tilespmem:s26+$0x1CA70];
	v5 =	vadd.f32 v4, v5  }
0x14c: {  	v9 =	vld [tilespmem:s26+$0x1CA40]  }
0x14d: {  	v10 =	vld [tilespmem:s26+$0x1BA70];
	v6 =	vadd.f32 v6, v8;
	v8 =	vmul.f32 $2.000000030e-01, v5  }
0x14e: {  	v11 =	vld [tilespmem:s26+$0x1BA40]  }
0x14f: {  	v8 =	vmax.f32 v5, v8  }
0x150: {  	v12 =	vld [tilespmem:s26+$0x1CA30];
	v8 =	vmul.f32 $1.442695020e+00, v8  }
0x151: {  	v13 =	vld [tilespmem:s26+$0x1BA30];
	v14 =	vmul.f32 $2.000000030e-01, v6  }
0x152: {  	v7 =	vadd.f32 v7, v10;
	v4 =	vld [tilespmem:s26+$0x1CA20];
	(erf) = vpow2.f32 v8  }
0x153: {  	v11 =	vadd.f32 v9, v11;
	v9 =	vld [tilespmem:s26+$0x1BA20];
	v6 =	vmax.f32 v6, v14  }
0x154: {  	v5 =	vld [tilespmem:s26+$0x1CA00];
	v14 =	vmul.f32 $2.000000030e-01, v7;
	v15 =	vmul.f32 $1.442695020e+00, v6  }
0x155: {  	v16 =	vmul.f32 $2.000000030e-01, v11;
	v6 =	vld [tilespmem:s26+$0x1CA60]  }
0x156: {  	v10 =	vadd.f32 v12, v13;
	v8 =	vmax.f32 v7, v14;
	v7 =	vld [tilespmem:s26+$0x1BA00];
	(erf) = vpow2.f32 v15  }
0x157: {  	v11 =	vmax.f32 v11, v16;
	v13 =	vmul.f32 $1.442695020e+00, v8;
	v8 =	vld [tilespmem:s26+$0x1BA60]  }
0x158: {  	s30 =	sshll.u32 s31, $0x1;
	s2 =	simm.s32 $0x200;
	s22 =	simm.s32 $0x400;
	v12 =	vmul.f32 $2.000000030e-01, v10;
	v11 =	vmul.f32 $1.442695020e+00, v11  }
.LBB2_3:
0x159: {  	p0 =	sne.s32 s22, $0x1E00  }
0x15a: {  	s28 =	sshra.s32 s2, $0x2;
	v9 =	vadd.f32 v4, v9;
	(erf) = vpow2.f32 v13;
	s2 =	smov.u32 s22;
	s22 =	sadd.s32 $0x200, s22  }
0x15b: {  	v4 =	vld [tilespmem:s28+$0x1CA20];
	v7 =	vadd.f32 v5, v7;
	v5 =	vmax.f32 v10, v12;
	v10 =	vpop (erf);
	(erf) = vpow2.f32 v11  }
0x15c: {  	v11 =	vld [tilespmem:s28+$0x1CA10];
	[tilespmem:s26+$0x1BA10] =	vst v10;
	v10 =	vmul.f32 $2.000000030e-01, v9;
	v12 =	vmul.f32 $1.442695020e+00, v5;
	v6 =	vadd.f32 v6, v8  }
0x15d: {  	v8 =	vld [tilespmem:s28+$0x1BA10];
	v14 =	vmul.f32 $2.000000030e-01, v7  }
0x15e: {  	v5 =	vld [tilespmem:s28+$0x1CA00];
	v9 =	vmax.f32 v9, v10;
	v10 =	vmul.f32 $2.000000030e-01, v6;
	(erf) = vpow2.f32 v12  }
0x15f: {  	v12 =	vld [tilespmem:s28+$0x1CA50];
	v7 =	vmax.f32 v7, v14;
	v9 =	vmul.f32 $1.442695020e+00, v9;
	v13 =	vpop (erf)  }
0x160: {  	v14 =	vld [tilespmem:s28+$0x1CA70];
	v7 =	vmul.f32 $1.442695020e+00, v7;
	[tilespmem:s26+$0x1BA50] =	vst v13;
	v6 =	vmax.f32 v6, v10  }
0x161: {  	v10 =	vld [tilespmem:s28+$0x1BA50];
	v13 =	vmul.f32 $1.442695020e+00, v6;
	(erf) = vpow2.f32 v9  }
0x162: {  	v8 =	vadd.f32 v11, v8;
	v9 =	vld [tilespmem:s28+$0x1CA40];
	(erf) = vpow2.f32 v7  }
0x163: {  	v11 =	vld [tilespmem:s28+$0x1CA30];
	(erf) = vpow2.f32 v13;
	v6 =	vpop (erf)  }
0x164: {  	v7 =	vmul.f32 $2.000000030e-01, v8;
	[tilespmem:s26+$0x1BA70] =	vst v6;
	v6 =	vpop (erf)  }
0x165: {  	v13 =	vld [tilespmem:s28+$0x1BA70];
	[tilespmem:s26+$0x1BA40] =	vst v6  }
0x166: {  	v6 =	vmax.f32 v8, v7;
	v7 =	vld [tilespmem:s28+$0x1BA40];
	v8 =	vadd.f32 v12, v10  }
0x167: {  	v6 =	vmul.f32 $1.442695020e+00, v6;
	v10 =	vpop (erf)  }
0x168: {  	v12 =	vmul.f32 $2.000000030e-01, v8;
	[tilespmem:s26+$0x1BA30] =	vst v10  }
0x169: {  	v10 =	vld [tilespmem:s28+$0x1BA30];
	(erf) = vpow2.f32 v6  }
0x16a: {  	v6 =	vmax.f32 v8, v12;
	v12 =	vadd.f32 v14, v13;
	v8 =	vpop (erf)  }
0x16b: {  	v13 =	vadd.f32 v9, v7;
	v14 =	vmul.f32 $1.442695020e+00, v6;
	v6 =	vld [tilespmem:s28+$0x1CA60];
	[tilespmem:s26+$0x1BA20] =	vst v8;
	v7 =	vpop (erf)  }
.Ltmp0:
0x16c: {  	v9 =	vld [tilespmem:s28+$0x1BA20];
	v15 =	vmul.f32 $2.000000030e-01, v12;
	[tilespmem:s26+$0x1BA00] =	vst v7;
	v8 =	vpop (erf);
	(pc) =	sbr.rel @p0 .LBB2_3-.Ltmp0, $4  }
0x16d: {  	v7 =	vld [tilespmem:s28+$0x1BA00];
	v16 =	vmul.f32 $2.000000030e-01, v13;
	(erf) = vpow2.f32 v14;
	[tilespmem:s26+$0x1BA60] =	vst v8;
	s26 =	smov.u32 s28  }
0x16e: {  	v10 =	vadd.f32 v11, v10;
	v8 =	vld [tilespmem:s26+$0x1BA60];
	v11 =	vmax.f32 v12, v15  }
0x16f: {  	v14 =	vmax.f32 v13, v16;
	v13 =	vmul.f32 $1.442695020e+00, v11  }
0x170: {  	v12 =	vmul.f32 $2.000000030e-01, v10;
	v11 =	vmul.f32 $1.442695020e+00, v14  }
0x171: {  	v4 =	vadd.f32 v4, v9;
	_ =	sdelay $0x1  }
0x172: {  	s2 =	sshra.s32 s2, $0x2;
	(erf) = vpow2.f32 v13;
	v5 =	vadd.f32 v5, v7;
	v7 =	vmul.f32 $2.000000030e-01, v4  }
0x173: {  	v14 =	vld [tilespmem:s2+$0x1CA20];
	v9 =	vpop (erf);
	v10 =	vmax.f32 v10, v12;
	(erf) = vpow2.f32 v11;
	v6 =	vadd.f32 v6, v8  }
0x174: {  	v13 =	vld [tilespmem:s2+$0x1CA10];
	[tilespmem:s26+$0x1BA10] =	vst v9;
	v9 =	vmul.f32 $1.442695020e+00, v10;
	v11 =	vmul.f32 $2.000000030e-01, v5;
	v4 =	vmax.f32 v4, v7  }
0x175: {  	v15 =	vmul.f32 $2.000000030e-01, v6;
	v4 =	vmul.f32 $1.442695020e+00, v4  }
0x176: {  	(erf) = vpow2.f32 v9;
	v5 =	vmax.f32 v5, v11  }
0x177: {  	v10 =	vld [tilespmem:s2+$0x1BA10];
	v5 =	vmul.f32 $1.442695020e+00, v5;
	(erf) = vpow2.f32 v4;
	v4 =	vmax.f32 v6, v15  }
0x178: {  	v8 =	vld [tilespmem:s2+$0x1CA00];
	v4 =	vmul.f32 $1.442695020e+00, v4  }
0x179: {  	v12 =	vld [tilespmem:s2+$0x1CA70];
	v9 =	vpop (erf);
	(erf) = vpow2.f32 v5  }
0x17a: {  	v7 =	vld [tilespmem:s2+$0x1CA50];
	[tilespmem:s26+$0x1BA50] =	vst v9;
	(erf) = vpow2.f32 v4  }
0x17b: {  	v9 =	vld [tilespmem:s2+$0x1BA50]  }
0x17c: {  	v6 =	vld [tilespmem:s2+$0x1CA40];
	v10 =	vadd.f32 v13, v10;
	v11 =	vpop (erf)  }
0x17d: {  	v5 =	vld [tilespmem:s2+$0x1CA30];
	[tilespmem:s26+$0x1BA70] =	vst v11;
	v4 =	vpop (erf)  }
0x17e: {  	v17 =	vmul.f32 $2.000000030e-01, v10;
	v11 =	vld [tilespmem:s2+$0x1BA70];
	[tilespmem:s26+$0x1BA40] =	vst v4  }
0x17f: {  	v15 =	vpop (erf);
	v4 =	vld [tilespmem:s2+$0x1BA40]  }
0x180: {  	v10 =	vmax.f32 v10, v17;
	v7 =	vadd.f32 v7, v9;
	[tilespmem:s26+$0x1BA30] =	vst v15  }
0x181: {  	v13 =	vld [tilespmem:s2+$0x1BA30];
	v15 =	vpop (erf)  }
0x182: {  	v16 =	vld [tilespmem:s2+$0x1CA60];
	v62 =	vmul.f32 $2.000000030e-01, v7;
	[tilespmem:s26+$0x1BA20] =	vst v15;
	v9 =	vpop (erf)  }
0x183: {  	v15 =	vld [tilespmem:s2+$0x1BA20];
	[tilespmem:s26+$0x1BA00] =	vst v9;
	v9 =	vmul.f32 $1.442695020e+00, v10;
	v10 =	vpop (erf)  }
0x184: {  	v11 =	vadd.f32 v12, v11;
	v7 =	vmax.f32 v7, v62;
	v18 =	vld [tilespmem:s2+$0x1BA00];
	v4 =	vadd.f32 v6, v4;
	[tilespmem:s26+$0x1BA60] =	vst v10  }
0x185: {  	v6 =	vmul.f32 $1.442695020e+00, v7;
	(erf) = vpow2.f32 v9;
	v7 =	vld [tilespmem:s2+$0x1BA60]  }
0x186: {  	v9 =	vmul.f32 $2.000000030e-01, v11;
	v10 =	vmul.f32 $2.000000030e-01, v4  }
0x187: {  	v5 =	vadd.f32 v5, v13;
	(erf) = vpow2.f32 v6  }
0x188: {  	v6 =	vmax.f32 v11, v9;
	v4 =	vmax.f32 v4, v10;
	v9 =	vadd.f32 v14, v15  }
0x189: {  	v6 =	vmul.f32 $1.442695020e+00, v6;
	v10 =	vmul.f32 $2.000000030e-01, v5;
	v8 =	vadd.f32 v8, v18  }
0x18a: {  	v4 =	vmul.f32 $1.442695020e+00, v4;
	v11 =	vmul.f32 $2.000000030e-01, v9;
	v7 =	vadd.f32 v16, v7  }
0x18b: {  	(erf) = vpow2.f32 v6;
	v5 =	vmax.f32 v5, v10;
	v6 =	vmul.f32 $2.000000030e-01, v8  }
0x18c: {  	v5 =	vmul.f32 $1.442695020e+00, v5;
	v9 =	vmax.f32 v9, v11;
	v10 =	vmul.f32 $2.000000030e-01, v7  }
0x18d: {  	(erf) = vpow2.f32 v4;
	v4 =	vmax.f32 v8, v6;
	v6 =	vmul.f32 $1.442695020e+00, v9  }
0x18e: {  	(erf) = vpow2.f32 v5;
	v4 =	vmul.f32 $1.442695020e+00, v4;
	v5 =	vmax.f32 v7, v10  }
0x18f: {  	(erf) = vpow2.f32 v6;
	v5 =	vmul.f32 $1.442695020e+00, v5  }
0x190: {  	(erf) = vpow2.f32 v4  }
0x191: {  	(erf) = vpow2.f32 v5;
	_ =	sdelay $0x1  }
0x192: {  	v4 =	vpop (erf)  }
0x193: {  	[tilespmem:s2+$0x1BA10] =	vst v4;
	v5 =	vpop (erf)  }
0x194: {  	[tilespmem:s2+$0x1BA50] =	vst v5;
	v4 =	vpop (erf)  }
0x195: {  	[tilespmem:s2+$0x1BA70] =	vst v4;
	v4 =	vpop (erf)  }
0x196: {  	[tilespmem:s2+$0x1BA40] =	vst v4;
	v4 =	vpop (erf)  }
0x197: {  	[tilespmem:s2+$0x1BA30] =	vst v4;
	v4 =	vpop (erf)  }
0x198: {  	[tilespmem:s2+$0x1BA20] =	vst v4;
	v4 =	vpop (erf)  }
0x199: {  	s22 =	sshll.u32 s31, $0xC;
	[tilespmem:s2+$0x1BA00] =	vst v4;
	v4 =	vpop (erf)  }
0x19a: {  	[tilespmem:s2+$0x1BA60] =	vst v4;
	s2 =	sadd.s32 s22, s3  }
0x19b: {  	[spmem:s20] =	stream.indirect.scatter.add.f32 [tilespmem:s29], [sflag:$0x1], $0x10, s9, s19, $0xb8;
	[tilespmem:$0x1F200] =	vst v63  }
0x19c: {  	s2 =	sshrl.u32 s2, $0x3  }
0x19d: {  	s22 =	simm.s32 $0x0;
	s2 =	sadd.s32 s25, s2  }
0x19e: {  	[hbm4b:s2+s22] =	stream.linear.scatter [tilespmem:s29], [sflag:$0x2], $0x800, $0x38;
	[tilespmem:$0x1F200] =	vst v63  }
0x19f: {  	_ =	swait.ge [sflag:s11], $0x800  }
0x1a0: {  	[sflag:s11] =	ssyncset.done $0x0  }
0x1a1: {  	[sflag:s11] =	ssyncadd.s32 $0xFFFFF800  }
0x1a2: {  	_ =	swait.ge [sflag:s13], $0x800  }
0x1a3: {  	s26 =	sld [smem:$0x7F9];
	_ =	sdelay $0x2  }
0x1a4: {  	s2 =	sadd.s32 s30, s26  }
0x1a5: {  	[sflag:s13] =	ssyncset.done $0x0;
	s2 =	sshll.u32 s2, $0x5  }
0x1a6: {  	[sflag:s13] =	ssyncadd.s32 $0xFFFFF800;
	s2 =	sadd.s32 s24, s2  }
0x1a7: {  	[tilespmem:s0], [sflag:$0x3] =	stream.linear.gather [hbm4b:s2+s22], $0x100, $0x38;
	[tilespmem:$0x1F200] =	vst v63  }
0x1a8: {  	_ =	swait.ge [sflag:s14], $0x100  }
0x1a9: {  	[sflag:s14] =	ssyncset.done $0x0  }
0x1aa: {  	[sflag:s14] =	ssyncadd.s32 $0xFFFFFF00  }
0x1ab: {  	s28 =	rddreg [dreg:$0x3]  }
0x1ac: {  	[tilespmem:s16], [sflag:$0x1] =	stream.indirect.gather [spmem:s28], $0x10, s5, s19, $0xb8;
	[tilespmem:$0x1F200] =	vst v63  }
0x1ad: {  	s30 =	rddreg [dreg:$0x4]  }
0x1ae: {  	[tilespmem:s8], [sflag:$0x2] =	stream.indirect.gather [spmem:s30], $0x10, s17, s19, $0xb8;
	[tilespmem:$0x1F200] =	vst v63  }
0x1af: {  	_ =	swait.ge [sflag:s11], $0x800  }
0x1b0: {  	[sflag:s11] =	ssyncset.done $0x0  }
0x1b1: {  	[sflag:s11] =	ssyncadd.s32 $0xFFFFF800  }
0x1b2: {  	_ =	swait.ge [sflag:s13], $0x800  }
0x1b3: {  	[sflag:s13] =	ssyncset.done $0x0  }
0x1b4: {  	s26 =	simm.s32 $0x0;
	[sflag:s13] =	ssyncadd.s32 $0xFFFFF800  }
0x1b5: {  	v4 =	vld [tilespmem:s26+$0x1CA10]  }
0x1b6: {  	v5 =	vld [tilespmem:s26+$0x1C210]  }
0x1b7: {  	v6 =	vld [tilespmem:s26+$0x1CA50]  }
0x1b8: {  	v8 =	vld [tilespmem:s26+$0x1C250];
	_ =	sdelay $0x2  }
0x1b9: {  	v7 =	vld [tilespmem:s26+$0x1CA70];
	v5 =	vadd.f32 v4, v5  }
0x1ba: {  	v9 =	vld [tilespmem:s26+$0x1CA40]  }
0x1bb: {  	v10 =	vld [tilespmem:s26+$0x1C270];
	v6 =	vadd.f32 v6, v8;
	v8 =	vmul.f32 $2.000000030e-01, v5  }
0x1bc: {  	v11 =	vld [tilespmem:s26+$0x1C240]  }
0x1bd: {  	v8 =	vmax.f32 v5, v8  }
0x1be: {  	v12 =	vld [tilespmem:s26+$0x1CA30];
	v8 =	vmul.f32 $1.442695020e+00, v8  }
0x1bf: {  	v13 =	vld [tilespmem:s26+$0x1C230];
	v14 =	vmul.f32 $2.000000030e-01, v6  }
0x1c0: {  	v7 =	vadd.f32 v7, v10;
	v4 =	vld [tilespmem:s26+$0x1CA20];
	(erf) = vpow2.f32 v8  }
0x1c1: {  	v11 =	vadd.f32 v9, v11;
	v9 =	vld [tilespmem:s26+$0x1C220];
	v6 =	vmax.f32 v6, v14  }
0x1c2: {  	v5 =	vld [tilespmem:s26+$0x1CA00];
	v14 =	vmul.f32 $2.000000030e-01, v7;
	v15 =	vmul.f32 $1.442695020e+00, v6  }
0x1c3: {  	v63 =	vmul.f32 $2.000000030e-01, v11;
	v6 =	vld [tilespmem:s26+$0x1CA60]  }
0x1c4: {  	v10 =	vadd.f32 v12, v13;
	v7 =	vmax.f32 v7, v14;
	v8 =	vld [tilespmem:s26+$0x1C200];
	(erf) = vpow2.f32 v15  }
0x1c5: {  	v11 =	vmax.f32 v11, v63;
	v13 =	vmul.f32 $1.442695020e+00, v7;
	v7 =	vld [tilespmem:s26+$0x1C260]  }
0x1c6: {  	s2 =	simm.s32 $0x200;
	s22 =	simm.s32 $0x400;
	v12 =	vmul.f32 $2.000000030e-01, v10;
	v11 =	vmul.f32 $1.442695020e+00, v11  }
.LBB2_5:
0x1c7: {  	p0 =	sne.s32 s22, $0x1E00  }
0x1c8: {  	s28 =	sshra.s32 s2, $0x2;
	v9 =	vadd.f32 v4, v9;
	(erf) = vpow2.f32 v13;
	s2 =	smov.u32 s22;
	s22 =	sadd.s32 $0x200, s22  }
0x1c9: {  	v4 =	vld [tilespmem:s28+$0x1CA20];
	v8 =	vadd.f32 v5, v8;
	v5 =	vmax.f32 v10, v12;
	v10 =	vpop (erf);
	(erf) = vpow2.f32 v11  }
0x1ca: {  	v11 =	vld [tilespmem:s28+$0x1CA10];
	[tilespmem:s26+$0x1C210] =	vst v10;
	v10 =	vmul.f32 $2.000000030e-01, v9;
	v12 =	vmul.f32 $1.442695020e+00, v5;
	v6 =	vadd.f32 v6, v7  }
0x1cb: {  	v7 =	vld [tilespmem:s28+$0x1C210];
	v14 =	vmul.f32 $2.000000030e-01, v8  }
0x1cc: {  	v5 =	vld [tilespmem:s28+$0x1CA00];
	v9 =	vmax.f32 v9, v10;
	v10 =	vmul.f32 $2.000000030e-01, v6;
	(erf) = vpow2.f32 v12  }
0x1cd: {  	v12 =	vld [tilespmem:s28+$0x1CA50];
	v8 =	vmax.f32 v8, v14;
	v9 =	vmul.f32 $1.442695020e+00, v9;
	v13 =	vpop (erf)  }
0x1ce: {  	v14 =	vld [tilespmem:s28+$0x1CA70];
	v8 =	vmul.f32 $1.442695020e+00, v8;
	[tilespmem:s26+$0x1C250] =	vst v13;
	v6 =	vmax.f32 v6, v10  }
0x1cf: {  	v10 =	vld [tilespmem:s28+$0x1C250];
	v13 =	vmul.f32 $1.442695020e+00, v6;
	(erf) = vpow2.f32 v9  }
0x1d0: {  	v7 =	vadd.f32 v11, v7;
	v9 =	vld [tilespmem:s28+$0x1CA40];
	(erf) = vpow2.f32 v8  }
0x1d1: {  	v11 =	vld [tilespmem:s28+$0x1CA30];
	(erf) = vpow2.f32 v13;
	v6 =	vpop (erf)  }
0x1d2: {  	v8 =	vmul.f32 $2.000000030e-01, v7;
	[tilespmem:s26+$0x1C270] =	vst v6;
	v6 =	vpop (erf)  }
0x1d3: {  	v13 =	vld [tilespmem:s28+$0x1C270];
	[tilespmem:s26+$0x1C240] =	vst v6  }
0x1d4: {  	v6 =	vmax.f32 v7, v8;
	v7 =	vld [tilespmem:s28+$0x1C240];
	v8 =	vadd.f32 v12, v10  }
0x1d5: {  	v6 =	vmul.f32 $1.442695020e+00, v6;
	v10 =	vpop (erf)  }
0x1d6: {  	v12 =	vmul.f32 $2.000000030e-01, v8;
	[tilespmem:s26+$0x1C230] =	vst v10  }
0x1d7: {  	v10 =	vld [tilespmem:s28+$0x1C230];
	(erf) = vpow2.f32 v6  }
0x1d8: {  	v6 =	vmax.f32 v8, v12;
	v12 =	vadd.f32 v14, v13;
	v8 =	vpop (erf)  }
0x1d9: {  	v13 =	vadd.f32 v9, v7;
	v7 =	vmul.f32 $1.442695020e+00, v6;
	v6 =	vld [tilespmem:s28+$0x1CA60];
	[tilespmem:s26+$0x1C220] =	vst v8;
	v8 =	vpop (erf)  }
.Ltmp1:
0x1da: {  	v9 =	vld [tilespmem:s28+$0x1C220];
	v14 =	vmul.f32 $2.000000030e-01, v12;
	[tilespmem:s26+$0x1C200] =	vst v8;
	v15 =	vpop (erf);
	(pc) =	sbr.rel @p0 .LBB2_5-.Ltmp1, $4  }
0x1db: {  	v8 =	vld [tilespmem:s28+$0x1C200];
	v16 =	vmul.f32 $2.000000030e-01, v13;
	(erf) = vpow2.f32 v7;
	[tilespmem:s26+$0x1C260] =	vst v15;
	s26 =	smov.u32 s28  }
0x1dc: {  	v10 =	vadd.f32 v11, v10;
	v7 =	vld [tilespmem:s26+$0x1C260];
	v11 =	vmax.f32 v12, v14  }
0x1dd: {  	v14 =	vmax.f32 v13, v16;
	v13 =	vmul.f32 $1.442695020e+00, v11  }
0x1de: {  	v12 =	vmul.f32 $2.000000030e-01, v10;
	v11 =	vmul.f32 $1.442695020e+00, v14  }
0x1df: {  	v4 =	vadd.f32 v4, v9;
	_ =	sdelay $0x1  }
0x1e0: {  	(erf) = vpow2.f32 v13;
	v5 =	vadd.f32 v5, v8;
	v36 =	vmul.f32 $2.000000030e-01, v4  }
0x1e1: {  	v10 =	vmax.f32 v10, v12;
	(erf) = vpow2.f32 v11;
	v6 =	vadd.f32 v6, v7  }
0x1e2: {  	s2 =	sshra.s32 s2, $0x2;
	v37 =	vmul.f32 $1.442695020e+00, v10;
	v40 =	vmul.f32 $2.000000030e-01, v5;
	v4 =	vmax.f32 v4, v36  }
0x1e3: {  	v14 =	vld [tilespmem:s2+$0x1CA20];
	v34 =	vpop (erf);
	v15 =	vmul.f32 $2.000000030e-01, v6;
	v4 =	vmul.f32 $1.442695020e+00, v4  }
0x1e4: {  	v35 =	vld [tilespmem:s2+$0x1CA10];
	[tilespmem:s26+$0x1C210] =	vst v34;
	(erf) = vpow2.f32 v37;
	v5 =	vmax.f32 v5, v40  }
0x1e5: {  	v38 =	vld [tilespmem:s2+$0x1C210];
	v5 =	vmul.f32 $1.442695020e+00, v5;
	(erf) = vpow2.f32 v4;
	v4 =	vmax.f32 v6, v15  }
0x1e6: {  	v39 =	vld [tilespmem:s2+$0x1CA00];
	v4 =	vmul.f32 $1.442695020e+00, v4  }
0x1e7: {  	v41 =	vld [tilespmem:s2+$0x1CA50];
	v42 =	vpop (erf);
	(erf) = vpow2.f32 v5  }
0x1e8: {  	v43 =	vld [tilespmem:s2+$0x1CA70];
	[tilespmem:s26+$0x1C250] =	vst v42;
	(erf) = vpow2.f32 v4  }
0x1e9: {  	v9 =	vld [tilespmem:s2+$0x1C250]  }
0x1ea: {  	v44 =	vld [tilespmem:s2+$0x1CA40];
	v45 =	vpop (erf)  }
0x1eb: {  	v5 =	vld [tilespmem:s2+$0x1CA30];
	[tilespmem:s26+$0x1C270] =	vst v45  }
0x1ec: {  	v11 =	vld [tilespmem:s2+$0x1C270];
	v4 =	vpop (erf)  }
0x1ed: {  	v10 =	vadd.f32 v35, v38;
	[tilespmem:s26+$0x1C240] =	vst v4;
	v46 =	vpop (erf)  }
0x1ee: {  	v4 =	vld [tilespmem:s2+$0x1C240];
	[tilespmem:s26+$0x1C230] =	vst v46  }
0x1ef: {  	v17 =	vmul.f32 $2.000000030e-01, v10;
	v8 =	vadd.f32 v41, v9;
	v47 =	vld [tilespmem:s2+$0x1C230];
	v48 =	vpop (erf)  }
0x1f0: {  	v16 =	vld [tilespmem:s2+$0x1CA60];
	[tilespmem:s26+$0x1C220] =	vst v48;
	v49 =	vpop (erf)  }
0x1f1: {  	v10 =	vmax.f32 v10, v17;
	v50 =	vmul.f32 $2.000000030e-01, v8;
	v11 =	vadd.f32 v43, v11;
	v15 =	vld [tilespmem:s2+$0x1C220];
	[tilespmem:s26+$0x1C200] =	vst v49;
	v52 =	vpop (erf)  }
0x1f2: {  	v51 =	vmul.f32 $1.442695020e+00, v10;
	v18 =	vld [tilespmem:s2+$0x1C200];
	[tilespmem:s26+$0x1C260] =	vst v52  }
0x1f3: {  	v8 =	vmax.f32 v8, v50;
	v55 =	vmul.f32 $2.000000030e-01, v11;
	v4 =	vadd.f32 v44, v4;
	v54 =	vld [tilespmem:s2+$0x1C260]  }
0x1f4: {  	(erf) = vpow2.f32 v51;
	v53 =	vmul.f32 $1.442695020e+00, v8  }
0x1f5: {  	v5 =	vadd.f32 v5, v47;
	v57 =	vmax.f32 v11, v55;
	v56 =	vmul.f32 $2.000000030e-01, v4  }
0x1f6: {  	(erf) = vpow2.f32 v53;
	v6 =	vmul.f32 $1.442695020e+00, v57;
	v58 =	vadd.f32 v14, v15  }
0x1f7: {  	v59 =	vmul.f32 $2.000000030e-01, v5;
	v4 =	vmax.f32 v4, v56;
	v7 =	vadd.f32 v39, v18  }
0x1f8: {  	(erf) = vpow2.f32 v6;
	v60 =	vmul.f32 $2.000000030e-01, v58;
	v8 =	vadd.f32 v16, v54  }
0x1f9: {  	v4 =	vmul.f32 $1.442695020e+00, v4;
	v5 =	vmax.f32 v5, v59;
	v61 =	vmul.f32 $2.000000030e-01, v7  }
0x1fa: {  	v5 =	vmul.f32 $1.442695020e+00, v5;
	v9 =	vmax.f32 v58, v60;
	v62 =	vmul.f32 $2.000000030e-01, v8  }
0x1fb: {  	(erf) = vpow2.f32 v4;
	v4 =	vmax.f32 v7, v61;
	v63 =	vmul.f32 $1.442695020e+00, v9  }
0x1fc: {  	(erf) = vpow2.f32 v5;
	v4 =	vmul.f32 $1.442695020e+00, v4;
	v5 =	vmax.f32 v8, v62  }
0x1fd: {  	(erf) = vpow2.f32 v63;
	v5 =	vmul.f32 $1.442695020e+00, v5  }
0x1fe: {  	(erf) = vpow2.f32 v4  }
0x1ff: {  	(erf) = vpow2.f32 v5;
	_ =	sdelay $0x1  }
0x200: {  	v4 =	vpop (erf)  }
0x201: {  	[tilespmem:s2+$0x1C210] =	vst v4;
	v5 =	vpop (erf)  }
0x202: {  	[tilespmem:s2+$0x1C250] =	vst v5;
	v4 =	vpop (erf)  }
0x203: {  	[tilespmem:s2+$0x1C270] =	vst v4;
	v4 =	vpop (erf)  }
0x204: {  	[tilespmem:s2+$0x1C240] =	vst v4;
	v4 =	vpop (erf)  }
0x205: {  	[tilespmem:s2+$0x1C230] =	vst v4;
	v4 =	vpop (erf)  }
0x206: {  	[tilespmem:s2+$0x1C220] =	vst v4;
	v4 =	vpop (erf)  }
0x207: {  	s30 =	sshll.u32 s4, $0xB;
	[tilespmem:s2+$0x1C200] =	vst v4;
	v4 =	vpop (erf)  }
0x208: {  	[tilespmem:s2+$0x1C260] =	vst v4;
	s2 =	sadd.s32 s30, s3  }
0x209: {  	[spmem:s20] =	stream.indirect.scatter.add.f32 [tilespmem:s16], [sflag:$0x1], $0x10, s17, s19, $0xb8;
	[tilespmem:$0x1F200] =	vst v63  }
0x20a: {  	s2 =	sshrl.u32 s2, $0x3  }
0x20b: {  	s31 =	sadd.s32 $0x1, s31;
	s2 =	sadd.s32 s25, s2  }
0x20c: {  	[hbm4b:s2+s1] =	stream.linear.scatter [tilespmem:s16], [sflag:$0x2], $0x800, $0x38;
	[tilespmem:$0x1F200] =	vst v63  }
0x20d: {  	p0 =	sne.s32 s31, $0x51;
	_ =	swait.ge [sflag:s11], $0x800  }
.Ltmp2:
0x20e: {  	[sflag:s11] =	ssyncset.done $0x0;
	(pc) =	sbr.rel @p0 .LBB2_2-.Ltmp2, $4  }
0x20f: {  	[sflag:s11] =	ssyncadd.s32 $0xFFFFF800  }
0x210: {  	_ =	swait.ge [sflag:s13], $0x800  }
0x211: {  	[sflag:s13] =	ssyncset.done $0x0  }
0x212: {  	[sflag:s13] =	ssyncadd.s32 $0xFFFFF800  }
0x213: {  	_ =	swait.ge [sflag:s23], $0x100  }
0x214: {  	[sflag:s23] =	ssyncset.done $0x0  }
0x215: {  	[sflag:s23] =	ssyncadd.s32 $0xFFFFFF00  }
0x216: {  	[bflag:$0x0] =	sbarrier.arrive $0xFFFF  }
0x217: {  	s1 =	rddreg [dreg:$0x1a]  }
0x218: {  	[tilespmem:s29], [sflag:$0x5] =	stream.linear.gather [spmem:s1], $0x800, $0x38;
	[tilespmem:$0x1F200] =	vst v63  }
0x219: {  	_ =	swait.ge [sflag:s10], $0x800  }
0x21a: {  	[sflag:s10] =	ssyncset.done $0x0  }
0x21b: {  	s2 =	simm.s32 $0x0;
	s4 =	simm.s32 $0x40;
	[sflag:s10] =	ssyncadd.s32 $0xFFFFF800  }
.LBB2_8:
0x21c: {  	p0 =	sne.s32 s4, $0x1FC0;
	v4 =	vld [tilespmem:s2+$0x1BA00];
	_ =	sdelay $0x4  }
0x21d: {  	v4 =	vadd.f32 $1.000000020e-16, v4;
	_ =	sdelay $0x1  }
0x21e: {  	(erf) = vrcp.f32 v4;
	_ =	sdelay $0x5  }
.Ltmp3:
0x21f: {  	(pc) =	sbr.rel @p0 .LBB2_8-.Ltmp3, $3  }
0x220: {  	_ =	sdelay $0x1  }
0x221: {  	v4 =	vpop (erf)  }
0x222: {  	[tilespmem:s2+$0x1BA00] =	vst v4;
	s2 =	sshra.s32 s4, $0x2;
	s4 =	sadd.s32 $0x40, s4  }
0x223: {  	v4 =	vld [tilespmem:s2+$0x1BA00];
	_ =	sdelay $0x4  }
0x224: {  	v4 =	vadd.f32 $1.000000020e-16, v4;
	_ =	sdelay $0x1  }
0x225: {  	(erf) = vrcp.f32 v4;
	_ =	sdelay $0x8  }
0x226: {  	v4 =	vpop (erf)  }
0x227: {  	s1 =	rddreg [dreg:$0x1a];
	[tilespmem:s2+$0x1BA00] =	vst v4  }
0x228: {  	[spmem:s1] =	stream.linear.scatter [tilespmem:s29], [sflag:$0x5], $0x800, $0x38;
	[tilespmem:$0x1F200] =	vst v63  }
0x229: {  	_ =	swait.ge [sflag:s10], $0x800  }
0x22a: {  	s31 =	sld [smem:$0x7FA]  }
0x22b: {  	[sflag:s10] =	ssyncset.done $0x0  }
0x22c: {  	[sflag:s10] =	ssyncadd.s32 $0xFFFFF800  }
0x22d: {  	[tilespmem:s29], [sflag:$0x5] =	stream.linear.gather [spmem:s31], $0x800, $0x38;
	[tilespmem:$0x1F200] =	vst v63  }
0x22e: {  	_ =	swait.ge [sflag:s10], $0x800  }
0x22f: {  	[sflag:s10] =	ssyncset.done $0x0  }
0x230: {  	s4 =	simm.s32 $0x40;
	s2 =	simm.s32 $0x0;
	[sflag:s10] =	ssyncadd.s32 $0xFFFFF800  }
.LBB2_10:
0x231: {  	p0 =	sne.s32 s4, $0x1FC0;
	v4 =	vld [tilespmem:s2+$0x1BA00];
	_ =	sdelay $0x4  }
0x232: {  	v4 =	vadd.f32 $1.000000020e-16, v4;
	_ =	sdelay $0x1  }
0x233: {  	(erf) = vrcp.f32 v4;
	_ =	sdelay $0x5  }
.Ltmp4:
0x234: {  	(pc) =	sbr.rel @p0 .LBB2_10-.Ltmp4, $3  }
0x235: {  	_ =	sdelay $0x1  }
0x236: {  	v4 =	vpop (erf)  }
0x237: {  	[tilespmem:s2+$0x1BA00] =	vst v4;
	s2 =	sshra.s32 s4, $0x2;
	s4 =	sadd.s32 $0x40, s4  }
0x238: {  	v4 =	vld [tilespmem:s2+$0x1BA00];
	_ =	sdelay $0x4  }
0x239: {  	v4 =	vadd.f32 $1.000000020e-16, v4;
	_ =	sdelay $0x1  }
0x23a: {  	(erf) = vrcp.f32 v4;
	_ =	sdelay $0x7  }
0x23b: {  	s1 =	sld [smem:$0x7FA]  }
0x23c: {  	v4 =	vpop (erf)  }
0x23d: {  	[tilespmem:s2+$0x1BA00] =	vst v4  }
0x23e: {  	[spmem:s1] =	stream.linear.scatter [tilespmem:s29], [sflag:$0x5], $0x800, $0x38;
	[tilespmem:$0x1F200] =	vst v63  }
0x23f: {  	_ =	swait.ge [sflag:s10], $0x800  }
0x240: {  	s31 =	sld [smem:$0x7FB]  }
0x241: {  	[sflag:s10] =	ssyncset.done $0x0  }
0x242: {  	[sflag:s10] =	ssyncadd.s32 $0xFFFFF800  }
0x243: {  	[tilespmem:s29], [sflag:$0x5] =	stream.linear.gather [spmem:s31], $0x800, $0x38;
	[tilespmem:$0x1F200] =	vst v63  }
0x244: {  	_ =	swait.ge [sflag:s10], $0x800  }
0x245: {  	[sflag:s10] =	ssyncset.done $0x0  }
0x246: {  	s4 =	simm.s32 $0x40;
	s2 =	simm.s32 $0x0;
	[sflag:s10] =	ssyncadd.s32 $0xFFFFF800  }
.LBB2_12:
0x247: {  	p0 =	sne.s32 s4, $0x1FC0;
	v4 =	vld [tilespmem:s2+$0x1BA00];
	_ =	sdelay $0x4  }
0x248: {  	v4 =	vadd.f32 $1.000000020e-16, v4;
	_ =	sdelay $0x1  }
0x249: {  	(erf) = vrcp.f32 v4;
	_ =	sdelay $0x5  }
.Ltmp5:
0x24a: {  	(pc) =	sbr.rel @p0 .LBB2_12-.Ltmp5, $3  }
0x24b: {  	_ =	sdelay $0x1  }
0x24c: {  	v4 =	vpop (erf)  }
0x24d: {  	[tilespmem:s2+$0x1BA00] =	vst v4;
	s2 =	sshra.s32 s4, $0x2;
	s4 =	sadd.s32 $0x40, s4  }
0x24e: {  	v4 =	vld [tilespmem:s2+$0x1BA00];
	_ =	sdelay $0x4  }
0x24f: {  	v4 =	vadd.f32 $1.000000020e-16, v4;
	_ =	sdelay $0x1  }
0x250: {  	(erf) = vrcp.f32 v4;
	_ =	sdelay $0x7  }
0x251: {  	s1 =	sld [smem:$0x7FB]  }
0x252: {  	v4 =	vpop (erf)  }
0x253: {  	[tilespmem:s2+$0x1BA00] =	vst v4  }
0x254: {  	[spmem:s1] =	stream.linear.scatter [tilespmem:s29], [sflag:$0x5], $0x800, $0x38;
	[tilespmem:$0x1F200] =	vst v63  }
0x255: {  	_ =	swait.ge [sflag:s10], $0x800  }
0x256: {  	s31 =	sld [smem:$0x7FC]  }
0x257: {  	[sflag:s10] =	ssyncset.done $0x0  }
0x258: {  	[sflag:s10] =	ssyncadd.s32 $0xFFFFF800  }
0x259: {  	[tilespmem:s29], [sflag:$0x5] =	stream.linear.gather [spmem:s31], $0x800, $0x38;
	[tilespmem:$0x1F200] =	vst v63  }
0x25a: {  	_ =	swait.ge [sflag:s10], $0x800  }
0x25b: {  	[sflag:s10] =	ssyncset.done $0x0  }
0x25c: {  	s4 =	simm.s32 $0x40;
	s2 =	simm.s32 $0x0;
	[sflag:s10] =	ssyncadd.s32 $0xFFFFF800  }
.LBB2_14:
0x25d: {  	p0 =	sne.s32 s4, $0x1FC0;
	v4 =	vld [tilespmem:s2+$0x1BA00];
	_ =	sdelay $0x4  }
0x25e: {  	v4 =	vadd.f32 $1.000000020e-16, v4;
	_ =	sdelay $0x1  }
0x25f: {  	(erf) = vrcp.f32 v4;
	_ =	sdelay $0x5  }
.Ltmp6:
0x260: {  	(pc) =	sbr.rel @p0 .LBB2_14-.Ltmp6, $3  }
0x261: {  	_ =	sdelay $0x1  }
0x262: {  	v4 =	vpop (erf)  }
0x263: {  	[tilespmem:s2+$0x1BA00] =	vst v4;
	s2 =	sshra.s32 s4, $0x2;
	s4 =	sadd.s32 $0x40, s4  }
0x264: {  	v4 =	vld [tilespmem:s2+$0x1BA00];
	_ =	sdelay $0x4  }
0x265: {  	v4 =	vadd.f32 $1.000000020e-16, v4;
	_ =	sdelay $0x1  }
0x266: {  	(erf) = vrcp.f32 v4;
	_ =	sdelay $0x7  }
0x267: {  	s1 =	sld [smem:$0x7FC]  }
0x268: {  	v4 =	vpop (erf)  }
0x269: {  	[tilespmem:s2+$0x1BA00] =	vst v4  }
0x26a: {  	[spmem:s1] =	stream.linear.scatter [tilespmem:s29], [sflag:$0x5], $0x800, $0x38;
	[tilespmem:$0x1F200] =	vst v63  }
0x26b: {  	_ =	swait.ge [sflag:s10], $0x800  }
0x26c: {  	s31 =	sld [smem:$0x7FD]  }
0x26d: {  	[sflag:s10] =	ssyncset.done $0x0  }
0x26e: {  	[sflag:s10] =	ssyncadd.s32 $0xFFFFF800  }
0x26f: {  	[tilespmem:s29], [sflag:$0x5] =	stream.linear.gather [spmem:s31], $0x800, $0x38;
	[tilespmem:$0x1F200] =	vst v63  }
0x270: {  	_ =	swait.ge [sflag:s10], $0x800  }
0x271: {  	[sflag:s10] =	ssyncset.done $0x0  }
0x272: {  	s4 =	simm.s32 $0x40;
	s2 =	simm.s32 $0x0;
	[sflag:s10] =	ssyncadd.s32 $0xFFFFF800  }
.LBB2_16:
0x273: {  	p0 =	sne.s32 s4, $0x1FC0;
	v4 =	vld [tilespmem:s2+$0x1BA00];
	_ =	sdelay $0x4  }
0x274: {  	v4 =	vadd.f32 $1.000000020e-16, v4;
	_ =	sdelay $0x1  }
0x275: {  	(erf) = vrcp.f32 v4;
	_ =	sdelay $0x5  }
.Ltmp7:
0x276: {  	(pc) =	sbr.rel @p0 .LBB2_16-.Ltmp7, $3  }
0x277: {  	_ =	sdelay $0x1  }
0x278: {  	v4 =	vpop (erf)  }
0x279: {  	[tilespmem:s2+$0x1BA00] =	vst v4;
	s2 =	sshra.s32 s4, $0x2;
	s4 =	sadd.s32 $0x40, s4  }
0x27a: {  	v4 =	vld [tilespmem:s2+$0x1BA00];
	_ =	sdelay $0x4  }
0x27b: {  	v4 =	vadd.f32 $1.000000020e-16, v4;
	_ =	sdelay $0x1  }
0x27c: {  	(erf) = vrcp.f32 v4;
	_ =	sdelay $0x7  }
0x27d: {  	s1 =	sld [smem:$0x7FD]  }
0x27e: {  	v4 =	vpop (erf)  }
0x27f: {  	[tilespmem:s2+$0x1BA00] =	vst v4  }
0x280: {  	[spmem:s1] =	stream.linear.scatter [tilespmem:s29], [sflag:$0x5], $0x800, $0x38;
	[tilespmem:$0x1F200] =	vst v63  }
0x281: {  	_ =	swait.ge [sflag:s10], $0x800  }
0x282: {  	[sflag:s10] =	ssyncset.done $0x0  }
0x283: {  	[sflag:s10] =	ssyncadd.s32 $0xFFFFF800  }
0x284: {  	[bflag:$0x0] =	sbarrier.arrive $0xFFFF  }
0x285: {  	s4 =	simm.s32 $0x0;
	s28 =	rddreg [dreg:$0x19]  }
0x286: {  	[tilespmem:s0], [sflag:$0x3] =	stream.linear.gather [hbm4b:s28+s4], $0x100, $0x38;
	[tilespmem:$0x1F200] =	vst v63  }
0x287: {  	s31 =	simm.s32 $0x0;
	s30 =	rddreg [dreg:$0x1b]  }
0x288: {  	[tilespmem:s29], [sflag:$0x3] =	stream.linear.gather [hbm4b:s30+s4], $0x800, $0x38;
	[tilespmem:$0x1F200] =	vst v63  }
.LBB2_18:
0x289: {  	s2 =	sshllo.u32 s31, $0x1  }
0x28a: {  	s22 =	sadd.s32 s6, s2;
	s2 =	sshll.u32 s2, $0xB  }
0x28b: {  	s22 =	sshll.u32 s22, $0x5;
	s2 =	sadd.s32 s2, s3  }
0x28c: {  	s22 =	sadd.s32 s24, s22;
	s2 =	sshrl.u32 s2, $0x3  }
0x28d: {  	[tilespmem:s5], [sflag:$0x4] =	stream.linear.gather [hbm4b:s22+s4], $0x100, $0x38;
	[tilespmem:$0x1F200] =	vst v63  }
0x28e: {  	s2 =	sadd.s32 s25, s2  }
0x28f: {  	[tilespmem:s16], [sflag:$0x4] =	stream.linear.gather [hbm4b:s2+s4], $0x800, $0x38;
	[tilespmem:$0x1F200] =	vst v63  }
0x290: {  	_ =	swait.ge [sflag:s23], $0x100  }
0x291: {  	[sflag:s23] =	ssyncset.done $0x0  }
0x292: {  	[sflag:s23] =	ssyncadd.s32 $0xFFFFFF00  }
0x293: {  	_ =	swait.ge [sflag:s23], $0x800  }
0x294: {  	[sflag:s23] =	ssyncset.done $0x0  }
0x295: {  	[sflag:s23] =	ssyncadd.s32 $0xFFFFF800  }
0x296: {  	[tilespmem:s8], [sflag:$0x1] =	stream.indirect.gather [spmem:s20], $0x10, s9, s19, $0xb8;
	[tilespmem:$0x1F200] =	vst v63  }
0x297: {  	s1 =	rddreg [dreg:$0x2]  }
0x298: {  	[tilespmem:s7], [sflag:$0x2] =	stream.indirect.gather [spmem:s1], $0x40, s0, s19, $0xb8;
	[tilespmem:$0x1F200] =	vst v63  }
0x299: {  	_ =	swait.ge [sflag:s11], $0x800  }
0x29a: {  	[sflag:s11] =	ssyncset.done $0x0  }
0x29b: {  	[sflag:s11] =	ssyncadd.s32 $0xFFFFF800  }
0x29c: {  	_ =	swait.ge [sflag:s13], $0x2000  }
0x29d: {  	[sflag:s13] =	ssyncset.done $0x0  }
0x29e: {  	s26 =	simm.s32 $0x0;
	[sflag:s13] =	ssyncadd.s32 $0xFFFFE000  }
0x29f: {  	v4 =	vld [tilespmem:s26+$0x1BA00]  }
0x2a0: {  	v5 =	vld [tilespmem:s26+$0x1CA00];
	_ =	sdelay $0x2  }
0x2a1: {  	s30 =	simm.s32 $0x1D280  }
0x2a2: {  	v6 =	vld [tilespmem:s30+$0xFFFFFFB0]  }
0x2a3: {  	v7 =	vld [tilespmem:s30+$0xFFFFFF80];
	v4 =	vmul.f32 v5, v4  }
0x2a4: {  	v8 =	vld [tilespmem:s30+$0xFFFFFFA0]  }
0x2a5: {  	v5 =	vld [tilespmem:s30+$0xFFFFFF90];
	v9 =	vperm.xlane v4, v3  }
0x2a6: {  	v10 =	vperm.xlane v4, v0;
	v11 =	vperm.xlane v4, v1  }
0x2a7: {  	v4 =	vperm.xlane v4, v2;
	v6 =	vmul.f32 v6, v9  }
0x2a8: {  	v7 =	vmul.f32 v7, v10  }
0x2a9: {  	v4 =	vmul.f32 v8, v4;
	[tilespmem:s30+$0xFFFFFFB0] =	vst v6  }
0x2aa: {  	v5 =	vmul.f32 v5, v11;
	[tilespmem:s30+$0xFFFFFF80] =	vst v7  }
0x2ab: {  	[tilespmem:s30+$0xFFFFFFA0] =	vst v4  }
0x2ac: {  	[tilespmem:s30+$0xFFFFFF90] =	vst v5  }
0x2ad: {  	v4 =	vld [tilespmem:s26+$0x1BA10]  }
0x2ae: {  	v5 =	vld [tilespmem:s26+$0x1CA10];
	_ =	sdelay $0x3  }
0x2af: {  	v6 =	vld [tilespmem:s30+$0xFFFFFFC0]  }
0x2b0: {  	v7 =	vld [tilespmem:s30+$0xFFFFFFD0];
	v4 =	vmul.f32 v5, v4  }
0x2b1: {  	v56 =	vld [tilespmem:s30+$0xFFFFFFE0]  }
0x2b2: {  	v5 =	vld [tilespmem:s30+$0xFFFFFFF0];
	v57 =	vperm.xlane v4, v0  }
0x2b3: {  	v58 =	vperm.xlane v4, v1;
	v59 =	vperm.xlane v4, v3  }
0x2b4: {  	v4 =	vperm.xlane v4, v2;
	v6 =	vmul.f32 v6, v57  }
0x2b5: {  	v7 =	vmul.f32 v7, v58  }
0x2b6: {  	v4 =	vmul.f32 v56, v4;
	[tilespmem:s30+$0xFFFFFFC0] =	vst v6  }
0x2b7: {  	v5 =	vmul.f32 v5, v59;
	[tilespmem:s30+$0xFFFFFFD0] =	vst v7  }
0x2b8: {  	[tilespmem:s30+$0xFFFFFFE0] =	vst v4  }
0x2b9: {  	[tilespmem:s30+$0xFFFFFFF0] =	vst v5  }
0x2ba: {  	v4 =	vld [tilespmem:s26+$0x1BA20]  }
0x2bb: {  	v5 =	vld [tilespmem:s26+$0x1CA20];
	_ =	sdelay $0x3  }
0x2bc: {  	v6 =	vld [tilespmem:s30+$0x0]  }
0x2bd: {  	v7 =	vld [tilespmem:s30+$0x30];
	v4 =	vmul.f32 v5, v4  }
0x2be: {  	v5 =	vld [tilespmem:s30+$0x10]  }
0x2bf: {  	v60 =	vperm.xlane v4, v0  }
0x2c0: {  	v61 =	vld [tilespmem:s30+$0x20];
	v62 =	vperm.xlane v4, v3  }
0x2c1: {  	v63 =	vperm.xlane v4, v1;
	v6 =	vmul.f32 v6, v60  }
0x2c2: {  	v7 =	vmul.f32 v7, v62  }
0x2c3: {  	v4 =	vperm.xlane v4, v2;
	v5 =	vmul.f32 v5, v63;
	[tilespmem:s30+$0x0] =	vst v6  }
0x2c4: {  	[tilespmem:s30+$0x30] =	vst v7  }
0x2c5: {  	s28 =	sshll.u32 s31, $0x1;
	s22 =	simm.s32 $0x100;
	s2 =	simm.s32 $0x1D280;
	v4 =	vmul.f32 v61, v4;
	[tilespmem:s30+$0x10] =	vst v5  }
.LBB2_19:
0x2c6: {  	p0 =	sne.s32 s22, $0x1F00  }
0x2c7: {  	[tilespmem:s30+$0x20] =	vst v4;
	s2 =	sadd.s32 $0x100, s2;
	s1 =	smov.u32 s22;
	s22 =	sadd.s32 $0x100, s22  }
0x2c8: {  	v4 =	vld [tilespmem:s26+$0x1BA30]  }
0x2c9: {  	v5 =	vld [tilespmem:s26+$0x1CA30];
	_ =	sdelay $0x1  }
0x2ca: {  	v6 =	vld [tilespmem:s30+$0x70]  }
0x2cb: {  	v7 =	vld [tilespmem:s30+$0x50]  }
0x2cc: {  	v8 =	vld [tilespmem:s30+$0x40]  }
0x2cd: {  	v4 =	vmul.f32 v5, v4;
	v5 =	vld [tilespmem:s30+$0x60];
	_ =	sdelay $0x1  }
0x2ce: {  	v9 =	vperm.xlane v4, v0;
	v10 =	vperm.xlane v4, v1  }
0x2cf: {  	v11 =	vperm.xlane v4, v2;
	v4 =	vperm.xlane v4, v3  }
0x2d0: {  	v8 =	vmul.f32 v8, v9;
	v7 =	vmul.f32 v7, v10  }
0x2d1: {  	v4 =	vmul.f32 v6, v4;
	v5 =	vmul.f32 v5, v11  }
0x2d2: {  	[tilespmem:s30+$0x40] =	vst v8  }
0x2d3: {  	[tilespmem:s30+$0x70] =	vst v4  }
0x2d4: {  	[tilespmem:s30+$0x50] =	vst v7  }
0x2d5: {  	s26 =	sshra.s32 s1, $0x2;
	[tilespmem:s30+$0x60] =	vst v5;
	s30 =	smov.u32 s2  }
0x2d6: {  	v4 =	vld [tilespmem:s26+$0x1BA00]  }
0x2d7: {  	v5 =	vld [tilespmem:s26+$0x1CA00];
	_ =	sdelay $0x1  }
0x2d8: {  	v6 =	vld [tilespmem:s2+$0xFFFFFFA0]  }
0x2d9: {  	v7 =	vld [tilespmem:s2+$0xFFFFFFB0]  }
0x2da: {  	v8 =	vld [tilespmem:s2+$0xFFFFFF80]  }
0x2db: {  	v4 =	vmul.f32 v5, v4;
	v5 =	vld [tilespmem:s2+$0xFFFFFF90];
	_ =	sdelay $0x1  }
0x2dc: {  	v9 =	vperm.xlane v4, v0;
	v10 =	vperm.xlane v4, v3  }
0x2dd: {  	v11 =	vperm.xlane v4, v1;
	v4 =	vperm.xlane v4, v2  }
0x2de: {  	v8 =	vmul.f32 v8, v9;
	v7 =	vmul.f32 v7, v10  }
0x2df: {  	v4 =	vmul.f32 v6, v4;
	v5 =	vmul.f32 v5, v11  }
0x2e0: {  	[tilespmem:s2+$0xFFFFFFB0] =	vst v7  }
0x2e1: {  	[tilespmem:s2+$0xFFFFFF80] =	vst v8  }
0x2e2: {  	[tilespmem:s2+$0xFFFFFF90] =	vst v5  }
0x2e3: {  	[tilespmem:s2+$0xFFFFFFA0] =	vst v4  }
0x2e4: {  	v4 =	vld [tilespmem:s26+$0x1BA10]  }
0x2e5: {  	v5 =	vld [tilespmem:s26+$0x1CA10];
	_ =	sdelay $0x1  }
0x2e6: {  	v6 =	vld [tilespmem:s2+$0xFFFFFFF0]  }
0x2e7: {  	v7 =	vld [tilespmem:s2+$0xFFFFFFD0]  }
0x2e8: {  	v8 =	vld [tilespmem:s2+$0xFFFFFFC0]  }
0x2e9: {  	v4 =	vmul.f32 v5, v4;
	v5 =	vld [tilespmem:s2+$0xFFFFFFE0];
	_ =	sdelay $0x1  }
0x2ea: {  	v9 =	vperm.xlane v4, v0;
	v10 =	vperm.xlane v4, v1  }
0x2eb: {  	v11 =	vperm.xlane v4, v2;
	v4 =	vperm.xlane v4, v3  }
0x2ec: {  	v8 =	vmul.f32 v8, v9;
	v7 =	vmul.f32 v7, v10  }
0x2ed: {  	v4 =	vmul.f32 v6, v4;
	v5 =	vmul.f32 v5, v11  }
0x2ee: {  	[tilespmem:s2+$0xFFFFFFC0] =	vst v8  }
0x2ef: {  	[tilespmem:s2+$0xFFFFFFD0] =	vst v7  }
0x2f0: {  	[tilespmem:s2+$0xFFFFFFF0] =	vst v4  }
0x2f1: {  	[tilespmem:s2+$0xFFFFFFE0] =	vst v5  }
0x2f2: {  	v4 =	vld [tilespmem:s26+$0x1BA20]  }
0x2f3: {  	v5 =	vld [tilespmem:s26+$0x1CA20];
	_ =	sdelay $0x1  }
0x2f4: {  	v6 =	vld [tilespmem:s2+$0x30]  }
0x2f5: {  	v7 =	vld [tilespmem:s2+$0x10]  }
0x2f6: {  	v8 =	vld [tilespmem:s2+$0x0]  }
0x2f7: {  	v4 =	vmul.f32 v5, v4;
	v5 =	vld [tilespmem:s2+$0x20];
	_ =	sdelay $0x1  }
0x2f8: {  	v9 =	vperm.xlane v4, v0;
	v10 =	vperm.xlane v4, v1  }
0x2f9: {  	v11 =	vperm.xlane v4, v2;
	v12 =	vperm.xlane v4, v3  }
.Ltmp8:
0x2fa: {  	v8 =	vmul.f32 v8, v9;
	v7 =	vmul.f32 v7, v10;
	(pc) =	sbr.rel @p0 .LBB2_19-.Ltmp8, $4  }
0x2fb: {  	v4 =	vmul.f32 v5, v11;
	v5 =	vmul.f32 v6, v12  }
0x2fc: {  	[tilespmem:s2+$0x0] =	vst v8  }
0x2fd: {  	[tilespmem:s2+$0x30] =	vst v5  }
0x2fe: {  	[tilespmem:s2+$0x10] =	vst v7  }
0x2ff: {  	[tilespmem:s30+$0x20] =	vst v4  }
0x300: {  	v4 =	vld [tilespmem:s26+$0x1BA30]  }
0x301: {  	v5 =	vld [tilespmem:s26+$0x1CA30];
	_ =	sdelay $0x3  }
0x302: {  	v6 =	vld [tilespmem:s30+$0x40]  }
0x303: {  	v7 =	vld [tilespmem:s30+$0x70];
	v4 =	vmul.f32 v5, v4  }
0x304: {  	v8 =	vld [tilespmem:s30+$0x60]  }
0x305: {  	v5 =	vld [tilespmem:s30+$0x50];
	v9 =	vperm.xlane v4, v0  }
0x306: {  	v10 =	vperm.xlane v4, v3;
	v11 =	vperm.xlane v4, v1  }
0x307: {  	v4 =	vperm.xlane v4, v2;
	v6 =	vmul.f32 v6, v9  }
0x308: {  	v7 =	vmul.f32 v7, v10  }
0x309: {  	v4 =	vmul.f32 v8, v4;
	[tilespmem:s30+$0x40] =	vst v6  }
0x30a: {  	v5 =	vmul.f32 v5, v11;
	[tilespmem:s30+$0x70] =	vst v7  }
0x30b: {  	[tilespmem:s30+$0x60] =	vst v4  }
0x30c: {  	s1 =	rddreg [dreg:$0x6];
	s22 =	simm.s32 $0x0;
	s26 =	sadd.s32 $0x2, s28;
	[tilespmem:s30+$0x50] =	vst v5  }
0x30d: {  	[spmem:s1] =	stream.indirect.scatter.add.f32 [tilespmem:s7], [sflag:$0x5], $0x40, s9, s19, $0xb8;
	[tilespmem:$0x1F200] =	vst v63  }
0x30e: {  	s2 =	sadd.s32 s6, s26;
	s1 =	sshll.u32 s26, $0xB;
	_ =	swait.ge [sflag:s10], $0x2000  }
0x30f: {  	s2 =	sshll.u32 s2, $0x5;
	s1 =	sadd.s32 s1, s3;
	[sflag:s10] =	ssyncset.done $0x0  }
0x310: {  	s2 =	sadd.s32 s24, s2;
	s1 =	sshrl.u32 s1, $0x3;
	[sflag:s10] =	ssyncadd.s32 $0xFFFFE000  }
0x311: {  	[tilespmem:s0], [sflag:$0x3] =	stream.linear.gather [hbm4b:s2+s22], $0x100, $0x38;
	[tilespmem:$0x1F200] =	vst v63  }
0x312: {  	s1 =	sadd.s32 s25, s1  }
0x313: {  	[tilespmem:s29], [sflag:$0x3] =	stream.linear.gather [hbm4b:s1+s22], $0x800, $0x38;
	[tilespmem:$0x1F200] =	vst v63  }
0x314: {  	_ =	swait.ge [sflag:s14], $0x100  }
0x315: {  	[sflag:s14] =	ssyncset.done $0x0  }
0x316: {  	[sflag:s14] =	ssyncadd.s32 $0xFFFFFF00  }
0x317: {  	_ =	swait.ge [sflag:s14], $0x800  }
0x318: {  	[sflag:s14] =	ssyncset.done $0x0  }
0x319: {  	[sflag:s14] =	ssyncadd.s32 $0xFFFFF800  }
0x31a: {  	[tilespmem:s8], [sflag:$0x1] =	stream.indirect.gather [spmem:s20], $0x10, s17, s19, $0xb8;
	[tilespmem:$0x1F200] =	vst v63  }
0x31b: {  	s28 =	rddreg [dreg:$0x2]  }
0x31c: {  	[tilespmem:s7], [sflag:$0x2] =	stream.indirect.gather [spmem:s28], $0x40, s5, s19, $0xb8;
	[tilespmem:$0x1F200] =	vst v63  }
0x31d: {  	_ =	swait.ge [sflag:s11], $0x800  }
0x31e: {  	[sflag:s11] =	ssyncset.done $0x0  }
0x31f: {  	[sflag:s11] =	ssyncadd.s32 $0xFFFFF800  }
0x320: {  	_ =	swait.ge [sflag:s13], $0x2000  }
0x321: {  	[sflag:s13] =	ssyncset.done $0x0  }
0x322: {  	s26 =	simm.s32 $0x0;
	[sflag:s13] =	ssyncadd.s32 $0xFFFFE000  }
0x323: {  	v4 =	vld [tilespmem:s26+$0x1C200]  }
0x324: {  	v5 =	vld [tilespmem:s26+$0x1CA00];
	_ =	sdelay $0x2  }
0x325: {  	s30 =	simm.s32 $0x1D280  }
0x326: {  	v6 =	vld [tilespmem:s30+$0xFFFFFFB0]  }
0x327: {  	v7 =	vld [tilespmem:s30+$0xFFFFFF80];
	v4 =	vmul.f32 v5, v4  }
0x328: {  	v52 =	vld [tilespmem:s30+$0xFFFFFFA0]  }
0x329: {  	v5 =	vld [tilespmem:s30+$0xFFFFFF90];
	v53 =	vperm.xlane v4, v3  }
0x32a: {  	v54 =	vperm.xlane v4, v0;
	v55 =	vperm.xlane v4, v1  }
0x32b: {  	v4 =	vperm.xlane v4, v2;
	v6 =	vmul.f32 v6, v53  }
0x32c: {  	v7 =	vmul.f32 v7, v54  }
0x32d: {  	v4 =	vmul.f32 v52, v4;
	[tilespmem:s30+$0xFFFFFFB0] =	vst v6  }
0x32e: {  	v5 =	vmul.f32 v5, v55;
	[tilespmem:s30+$0xFFFFFF80] =	vst v7  }
0x32f: {  	[tilespmem:s30+$0xFFFFFFA0] =	vst v4  }
0x330: {  	[tilespmem:s30+$0xFFFFFF90] =	vst v5  }
0x331: {  	v4 =	vld [tilespmem:s26+$0x1C210]  }
0x332: {  	v5 =	vld [tilespmem:s26+$0x1CA10];
	_ =	sdelay $0x3  }
0x333: {  	v6 =	vld [tilespmem:s30+$0xFFFFFFC0]  }
0x334: {  	v7 =	vld [tilespmem:s30+$0xFFFFFFD0];
	v4 =	vmul.f32 v5, v4  }
0x335: {  	v56 =	vld [tilespmem:s30+$0xFFFFFFE0]  }
0x336: {  	v5 =	vld [tilespmem:s30+$0xFFFFFFF0];
	v57 =	vperm.xlane v4, v0  }
0x337: {  	v58 =	vperm.xlane v4, v1;
	v59 =	vperm.xlane v4, v3  }
0x338: {  	v4 =	vperm.xlane v4, v2;
	v6 =	vmul.f32 v6, v57  }
0x339: {  	v7 =	vmul.f32 v7, v58  }
0x33a: {  	v4 =	vmul.f32 v56, v4;
	[tilespmem:s30+$0xFFFFFFC0] =	vst v6  }
0x33b: {  	v5 =	vmul.f32 v5, v59;
	[tilespmem:s30+$0xFFFFFFD0] =	vst v7  }
0x33c: {  	[tilespmem:s30+$0xFFFFFFE0] =	vst v4  }
0x33d: {  	[tilespmem:s30+$0xFFFFFFF0] =	vst v5  }
0x33e: {  	v4 =	vld [tilespmem:s26+$0x1C220]  }
0x33f: {  	v5 =	vld [tilespmem:s26+$0x1CA20];
	_ =	sdelay $0x3  }
0x340: {  	v6 =	vld [tilespmem:s30+$0x0]  }
0x341: {  	v7 =	vld [tilespmem:s30+$0x30];
	v4 =	vmul.f32 v5, v4  }
0x342: {  	v5 =	vld [tilespmem:s30+$0x10]  }
0x343: {  	v60 =	vperm.xlane v4, v0  }
0x344: {  	v61 =	vld [tilespmem:s30+$0x20];
	v62 =	vperm.xlane v4, v3  }
0x345: {  	v63 =	vperm.xlane v4, v1;
	v6 =	vmul.f32 v6, v60  }
0x346: {  	v7 =	vmul.f32 v7, v62  }
0x347: {  	v4 =	vperm.xlane v4, v2;
	v5 =	vmul.f32 v5, v63;
	[tilespmem:s30+$0x0] =	vst v6  }
0x348: {  	[tilespmem:s30+$0x30] =	vst v7  }
0x349: {  	s2 =	simm.s32 $0x1D280;
	s22 =	simm.s32 $0x100;
	v4 =	vmul.f32 v61, v4;
	[tilespmem:s30+$0x10] =	vst v5  }
.LBB2_21:
0x34a: {  	p0 =	sne.s32 s22, $0x1F00  }
0x34b: {  	[tilespmem:s30+$0x20] =	vst v4;
	s2 =	sadd.s32 $0x100, s2;
	s1 =	smov.u32 s22;
	s22 =	sadd.s32 $0x100, s22  }
0x34c: {  	v4 =	vld [tilespmem:s26+$0x1C230]  }
0x34d: {  	v5 =	vld [tilespmem:s26+$0x1CA30];
	_ =	sdelay $0x1  }
0x34e: {  	v6 =	vld [tilespmem:s30+$0x70]  }
0x34f: {  	v7 =	vld [tilespmem:s30+$0x50]  }
0x350: {  	v8 =	vld [tilespmem:s30+$0x40]  }
0x351: {  	v4 =	vmul.f32 v5, v4;
	v5 =	vld [tilespmem:s30+$0x60];
	_ =	sdelay $0x1  }
0x352: {  	v9 =	vperm.xlane v4, v0;
	v10 =	vperm.xlane v4, v1  }
0x353: {  	v11 =	vperm.xlane v4, v2;
	v4 =	vperm.xlane v4, v3  }
0x354: {  	v8 =	vmul.f32 v8, v9;
	v7 =	vmul.f32 v7, v10  }
0x355: {  	v4 =	vmul.f32 v6, v4;
	v5 =	vmul.f32 v5, v11  }
0x356: {  	[tilespmem:s30+$0x40] =	vst v8  }
0x357: {  	[tilespmem:s30+$0x70] =	vst v4  }
0x358: {  	[tilespmem:s30+$0x50] =	vst v7  }
0x359: {  	s26 =	sshra.s32 s1, $0x2;
	[tilespmem:s30+$0x60] =	vst v5;
	s30 =	smov.u32 s2  }
0x35a: {  	v4 =	vld [tilespmem:s26+$0x1C200]  }
0x35b: {  	v5 =	vld [tilespmem:s26+$0x1CA00];
	_ =	sdelay $0x1  }
0x35c: {  	v6 =	vld [tilespmem:s2+$0xFFFFFFA0]  }
0x35d: {  	v7 =	vld [tilespmem:s2+$0xFFFFFFB0]  }
0x35e: {  	v8 =	vld [tilespmem:s2+$0xFFFFFF80]  }
0x35f: {  	v4 =	vmul.f32 v5, v4;
	v5 =	vld [tilespmem:s2+$0xFFFFFF90];
	_ =	sdelay $0x1  }
0x360: {  	v9 =	vperm.xlane v4, v0;
	v10 =	vperm.xlane v4, v3  }
0x361: {  	v11 =	vperm.xlane v4, v1;
	v4 =	vperm.xlane v4, v2  }
0x362: {  	v8 =	vmul.f32 v8, v9;
	v7 =	vmul.f32 v7, v10  }
0x363: {  	v4 =	vmul.f32 v6, v4;
	v5 =	vmul.f32 v5, v11  }
0x364: {  	[tilespmem:s2+$0xFFFFFFB0] =	vst v7  }
0x365: {  	[tilespmem:s2+$0xFFFFFF80] =	vst v8  }
0x366: {  	[tilespmem:s2+$0xFFFFFF90] =	vst v5  }
0x367: {  	[tilespmem:s2+$0xFFFFFFA0] =	vst v4  }
0x368: {  	v4 =	vld [tilespmem:s26+$0x1C210]  }
0x369: {  	v5 =	vld [tilespmem:s26+$0x1CA10];
	_ =	sdelay $0x1  }
0x36a: {  	v6 =	vld [tilespmem:s2+$0xFFFFFFF0]  }
0x36b: {  	v7 =	vld [tilespmem:s2+$0xFFFFFFD0]  }
0x36c: {  	v8 =	vld [tilespmem:s2+$0xFFFFFFC0]  }
0x36d: {  	v4 =	vmul.f32 v5, v4;
	v5 =	vld [tilespmem:s2+$0xFFFFFFE0];
	_ =	sdelay $0x1  }
0x36e: {  	v9 =	vperm.xlane v4, v0;
	v10 =	vperm.xlane v4, v1  }
0x36f: {  	v11 =	vperm.xlane v4, v2;
	v4 =	vperm.xlane v4, v3  }
0x370: {  	v8 =	vmul.f32 v8, v9;
	v7 =	vmul.f32 v7, v10  }
0x371: {  	v4 =	vmul.f32 v6, v4;
	v5 =	vmul.f32 v5, v11  }
0x372: {  	[tilespmem:s2+$0xFFFFFFC0] =	vst v8  }
0x373: {  	[tilespmem:s2+$0xFFFFFFD0] =	vst v7  }
0x374: {  	[tilespmem:s2+$0xFFFFFFF0] =	vst v4  }
0x375: {  	[tilespmem:s2+$0xFFFFFFE0] =	vst v5  }
0x376: {  	v4 =	vld [tilespmem:s26+$0x1C220]  }
0x377: {  	v5 =	vld [tilespmem:s26+$0x1CA20];
	_ =	sdelay $0x1  }
0x378: {  	v6 =	vld [tilespmem:s2+$0x30]  }
0x379: {  	v7 =	vld [tilespmem:s2+$0x10]  }
0x37a: {  	v8 =	vld [tilespmem:s2+$0x0]  }
0x37b: {  	v4 =	vmul.f32 v5, v4;
	v5 =	vld [tilespmem:s2+$0x20];
	_ =	sdelay $0x1  }
0x37c: {  	v9 =	vperm.xlane v4, v0;
	v10 =	vperm.xlane v4, v1  }
0x37d: {  	v11 =	vperm.xlane v4, v2;
	v12 =	vperm.xlane v4, v3  }
.Ltmp9:
0x37e: {  	v8 =	vmul.f32 v8, v9;
	v7 =	vmul.f32 v7, v10;
	(pc) =	sbr.rel @p0 .LBB2_21-.Ltmp9, $4  }
0x37f: {  	v4 =	vmul.f32 v5, v11;
	v5 =	vmul.f32 v6, v12  }
0x380: {  	[tilespmem:s2+$0x0] =	vst v8  }
0x381: {  	[tilespmem:s2+$0x30] =	vst v5  }
0x382: {  	[tilespmem:s2+$0x10] =	vst v7  }
0x383: {  	[tilespmem:s30+$0x20] =	vst v4  }
0x384: {  	v4 =	vld [tilespmem:s26+$0x1C230]  }
0x385: {  	v5 =	vld [tilespmem:s26+$0x1CA30];
	_ =	sdelay $0x3  }
0x386: {  	v6 =	vld [tilespmem:s30+$0x40]  }
0x387: {  	v7 =	vld [tilespmem:s30+$0x70];
	v4 =	vmul.f32 v5, v4  }
0x388: {  	v8 =	vld [tilespmem:s30+$0x60]  }
0x389: {  	v5 =	vld [tilespmem:s30+$0x50];
	v9 =	vperm.xlane v4, v0  }
0x38a: {  	v10 =	vperm.xlane v4, v3;
	v11 =	vperm.xlane v4, v1  }
0x38b: {  	v4 =	vperm.xlane v4, v2;
	v6 =	vmul.f32 v6, v9  }
0x38c: {  	v7 =	vmul.f32 v7, v10  }
0x38d: {  	v4 =	vmul.f32 v8, v4;
	[tilespmem:s30+$0x40] =	vst v6  }
0x38e: {  	s31 =	sadd.s32 $0x1, s31;
	v5 =	vmul.f32 v5, v11;
	[tilespmem:s30+$0x70] =	vst v7  }
0x38f: {  	p0 =	sne.s32 s31, $0x51;
	[tilespmem:s30+$0x60] =	vst v4  }
.Ltmp10:
0x390: {  	s1 =	rddreg [dreg:$0x6];
	[tilespmem:s30+$0x50] =	vst v5;
	(pc) =	sbr.rel @p0 .LBB2_18-.Ltmp10, $4  }
0x391: {  	[spmem:s1] =	stream.indirect.scatter.add.f32 [tilespmem:s7], [sflag:$0x5], $0x40, s17, s19, $0xb8;
	[tilespmem:$0x1F200] =	vst v63  }
0x392: {  	_ =	swait.ge [sflag:s10], $0x2000  }
0x393: {  	[sflag:s10] =	ssyncset.done $0x0  }
0x394: {  	[sflag:s10] =	ssyncadd.s32 $0xFFFFE000  }
0x395: {  	_ =	swait.ge [sflag:s23], $0x100  }
0x396: {  	[sflag:s23] =	ssyncset.done $0x0  }
0x397: {  	[sflag:s23] =	ssyncadd.s32 $0xFFFFFF00  }
0x398: {  	_ =	swait.ge [sflag:s23], $0x800  }
0x399: {  	[sflag:s23] =	ssyncset.done $0x0  }
0x39a: {  	[sflag:s23] =	ssyncadd.s32 $0xFFFFF800  }
0x39b: {  	[bflag:$0x0] =	sbarrier.arrive $0xFFFF  }
0x39c: {  	s22 =	rddreg [dreg:$0x1d]  }
0x39d: {  	[tilespmem:s7], [sflag:$0x5] =	stream.linear.gather [spmem:s22], $0x2000, $0x38;
	[tilespmem:$0x1F200] =	vst v63  }
0x39e: {  	_ =	swait.ge [sflag:s10], $0x2000  }
0x39f: {  	[sflag:s10] =	ssyncset.done $0x0  }
0x3a0: {  	s1 =	simm.s32 $0x0;
	s2 =	rddreg [dreg:$0x12];
	[sflag:s10] =	ssyncadd.s32 $0xFFFFE000  }
0x3a1: {  	[hbm4b:s2+s1] =	stream.linear.scatter [tilespmem:s7], [sflag:$0x5], $0x2000, $0x38;
	[tilespmem:$0x1F200] =	vst v63  }
0x3a2: {  	_ =	swait.ge [sflag:s10], $0x2000  }
0x3a3: {  	[sflag:s10] =	ssyncset.done $0x0  }
0x3a4: {  	[sflag:s10] =	ssyncadd.s32 $0xFFFFE000  }
0x3a5: {  	[tilespmem:s7], [sflag:$0x5] =	stream.linear.gather [spmem:s18], $0x2000, $0x38;
	[tilespmem:$0x1F200] =	vst v63  }
0x3a6: {  	_ =	swait.ge [sflag:s10], $0x2000  }
0x3a7: {  	[sflag:s10] =	ssyncset.done $0x0  }
0x3a8: {  	s22 =	rddreg [dreg:$0x13];
	[sflag:s10] =	ssyncadd.s32 $0xFFFFE000  }
0x3a9: {  	[hbm4b:s22+s1] =	stream.linear.scatter [tilespmem:s7], [sflag:$0x5], $0x2000, $0x38;
	[tilespmem:$0x1F200] =	vst v63  }
0x3aa: {  	_ =	swait.ge [sflag:s10], $0x2000  }
0x3ab: {  	[sflag:s10] =	ssyncset.done $0x0  }
0x3ac: {  	[sflag:s10] =	ssyncadd.s32 $0xFFFFE000  }
0x3ad: {  	[tilespmem:s7], [sflag:$0x5] =	stream.linear.gather [spmem:s21], $0x2000, $0x38;
	[tilespmem:$0x1F200] =	vst v63  }
0x3ae: {  	_ =	swait.ge [sflag:s10], $0x2000  }
0x3af: {  	[sflag:s10] =	ssyncset.done $0x0  }
0x3b0: {  	s26 =	rddreg [dreg:$0x14];
	[sflag:s10] =	ssyncadd.s32 $0xFFFFE000  }
0x3b1: {  	[hbm4b:s26+s1] =	stream.linear.scatter [tilespmem:s7], [sflag:$0x5], $0x2000, $0x38;
	[tilespmem:$0x1F200] =	vst v63  }
0x3b2: {  	_ =	swait.ge [sflag:s10], $0x2000  }
0x3b3: {  	[sflag:s10] =	ssyncset.done $0x0  }
0x3b4: {  	[sflag:s10] =	ssyncadd.s32 $0xFFFFE000  }
0x3b5: {  	[tilespmem:s7], [sflag:$0x5] =	stream.linear.gather [spmem:s15], $0x2000, $0x38;
	[tilespmem:$0x1F200] =	vst v63  }
0x3b6: {  	_ =	swait.ge [sflag:s10], $0x2000  }
0x3b7: {  	[sflag:s10] =	ssyncset.done $0x0  }
0x3b8: {  	s28 =	rddreg [dreg:$0x15];
	[sflag:s10] =	ssyncadd.s32 $0xFFFFE000  }
0x3b9: {  	[hbm4b:s28+s1] =	stream.linear.scatter [tilespmem:s7], [sflag:$0x5], $0x2000, $0x38;
	[tilespmem:$0x1F200] =	vst v63  }
0x3ba: {  	_ =	swait.ge [sflag:s10], $0x2000  }
0x3bb: {  	[sflag:s10] =	ssyncset.done $0x0  }
0x3bc: {  	[sflag:s10] =	ssyncadd.s32 $0xFFFFE000  }
0x3bd: {  	[tilespmem:s7], [sflag:$0x5] =	stream.linear.gather [spmem:s12], $0x2000, $0x38;
	[tilespmem:$0x1F200] =	vst v63  }
0x3be: {  	_ =	swait.ge [sflag:s10], $0x2000  }
0x3bf: {  	[sflag:s10] =	ssyncset.done $0x0  }
0x3c0: {  	s30 =	rddreg [dreg:$0x16];
	[sflag:s10] =	ssyncadd.s32 $0xFFFFE000  }
0x3c1: {  	[hbm4b:s30+s1] =	stream.linear.scatter [tilespmem:s7], [sflag:$0x5], $0x2000, $0x38;
	[tilespmem:$0x1F200] =	vst v63  }
0x3c2: {  	_ =	swait.ge [sflag:s10], $0x2000  }
0x3c3: {  	s4 =	sld [smem:$0x7DC];
	_ =	sdelay $0x2  }
0x3c4: {  	s31 =	rddreg [dreg:$0x1c];
	s4 =	sadd.s32 $0x1, s4  }
0x3c5: {  	p0 =	sne.s32 s4, s31  }
.Ltmp11:
0x3c6: {  	_ = 	snop;
	(pc) =	sbr.rel @p0 .LBB2_1-.Ltmp11, $3  }
0x3c7: {  	_ =	sdelay $0x1  }
0x3c8: {  	[sflag:s10] =	ssyncset.done $0x0  }
0x3c9: {  	[sflag:s10] =	ssyncadd.s32 $0xFFFFE000  }
0x3ca: {  	_ =	sfence.sel $0x180000  }
0x3cb: {  	[bflag:$0x0] =	sbarrier.arrive $0xFFFF  }
0x3cc: {  	_ =	strace $0x90000047  }
0x3cd: {  	s0 =	stileid.u32;
	[bflag:$0x2] =	sbarrier.arrive $0xFFFF  }
0x3ce: {  	p0 =	sne.s32 s0, $0x0;
	s0 =	rddreg [dreg:$0x7]  }
0x3cf: {  	s0 =	sadd.s32 @!p0 $0x100000, s0  }
0x3d0: {  	[sflag:s0] =	ssyncadd.tile.s32 @!p0 $0x1;
	_ =	shalt  }
.Lfunc_end2:
_tile_overlayer_lowered:
.L_overlay_start_2:
0x3d1: {  	(tag) =	ssettag $0x2  }
0x3d2: {  	s0 =	rddreg [dreg:$0x0];
	s2 =	stileid.u32  }
0x3d3: {  	s1 =	rddreg [dreg:$0x1];
	p0 =	sne.s32 s2, $0x0  }
0x3d4: {  	s3 =	rddreg [dreg:$0x2];
	[bflag:$0x3] =	sbarrier.arrive $0xFFFF;
	s2 =	simm.s32 @!p0 $0x1C05  }
0x3d5: {  	[timem:s3], [sflag:s2] =	dma.local @!p0 [hbm:s0], s1  }
0x3d6: {  	s0 =	simm.s32 @!p0 $0x5  }
0x3d7: {  	_ =	swait.ge @!p0 [sflag:s0], s1  }
0x3d8: {  	s1 =	ssub.s32 @!p0 $0x0, s1;
	[sflag:s0] =	ssyncset.done @!p0 $0x0  }
0x3d9: {  	[sflag:s0] =	ssyncadd.s32 @!p0 s1  }
0x3da: {  	[bflag:$0x3] =	sbarrier.arrive $0xFFFF  }
0x3db: {  	_ =	shalt  }

</sc_bundles>
